<compile_context>
chip_gen: v7x
topology: tpu7x:2x2x1
jax: 0.10.2.dev20260603
libtpu: 0.0.44.dev20260713+nightly
codegen_flags: <defaults>
</compile_context>

<pallas_src>
import functools

import jax
import jax.numpy as jnp
from jax import lax
from jax.experimental import pallas as pl
from jax.experimental.pallas import tpu as pltpu
from jax.experimental.pallas import tpu_sc as plsc

B = 4096
NT = 16
CHUNK = B // NT
NV = CHUNK // 16
NROW = 8

_PAIRS = ((0, 1), (0, 2), (0, 3), (1, 2), (1, 3), (2, 3))


def _recon(m):
    M, ML, MG, MH, MLG, MLH, MGH, MLGH = m
    return [
        M - ML - MG - MH + MLG + MLH + MGH - MLGH,
        MH - MLH - MGH + MLGH,
        MG - MGH - MLG + MLGH,
        MGH - MLGH,
        ML - MLG - MLH + MLGH,
        MLH - MLGH,
        MLG - MLGH,
        MLGH,
    ]


def _body(out_hbm, lab_hbm, sen_hbm, ad1_hbm, ad2_hbm, amap_hbm,
          res_hbm, stage_hbm,
          x_v, lab_v, g1_v, g2_v, ad1_v, ad2_v, amap_v,
          acc_v, all_v, res_v, sem):
    c = lax.axis_index("c")
    s = lax.axis_index("s")

    @pl.when(c == 0)
    def _compute_partials():
        base = s * CHUNK
        copies = [
            pltpu.async_copy(out_hbm.at[pl.ds(base, CHUNK)], x_v, sem),
            pltpu.async_copy(lab_hbm.at[pl.ds(base, CHUNK)], lab_v, sem),
            pltpu.async_copy(sen_hbm.at[0, pl.ds(base, CHUNK)], g1_v, sem),
            pltpu.async_copy(sen_hbm.at[1, pl.ds(base, CHUNK)], g2_v, sem),
            pltpu.async_copy(ad1_hbm.at[pl.ds(base, CHUNK)], ad1_v, sem),
            pltpu.async_copy(ad2_hbm.at[pl.ds(base, CHUNK)], ad2_v, sem),
            pltpu.async_copy(amap_hbm.at[0], amap_v, sem),
        ]
        for cp in copies:
            cp.wait()

        zero16 = jnp.zeros((16,), jnp.float32)
        ones16 = jnp.ones((16,), jnp.float32)
        zero16i = jnp.zeros((16,), jnp.int32)
        lanes = lax.iota(jnp.int32, 16)
        a0 = plsc.load_gather(amap_v, [zero16i])
        a1 = plsc.load_gather(amap_v, [zero16i + 1])

        accs = [zero16] * 17
        for j in range(NV):
            dsl = pl.ds(j * 16, 16)
            x = x_v[dsl]
            u = jnp.exp(-jnp.abs(x))
            z = u / (u + 2.0)
            z2 = z * z
            p = z2 * (1.0 / 9.0) + (1.0 / 7.0)
            p = p * z2 + (1.0 / 5.0)
            p = p * z2 + (1.0 / 3.0)
            p = p * z2 + 1.0
            ls = jnp.minimum(x, 0.0) - 2.0 * z * p
            dom = (ad1_v[dsl] == a0) & (ad2_v[dsl] == a1)
            domf = jnp.where(dom, ones16, zero16)
            L = lab_v[dsl].astype(jnp.float32)
            G = g1_v[dsl].astype(jnp.float32)
            H = g2_v[dsl].astype(jnp.float32)
            dL = domf * L
            dG = domf * G
            dH = domf * H
            dLG = dL * G
            dLH = dL * H
            dGH = dG * H
            dLGH = dLG * H
            terms = (domf, dL, dG, dH, dLG, dLH, dGH, dLGH)
            for k in range(8):
                accs[k] = accs[k] + ls * terms[k]
                accs[k + 8] = accs[k + 8] + terms[k]
            accs[16] = accs[16] + L
        row0 = zero16
        for r in range(16):
            row0 = row0 + jnp.where(lanes == r,
                                    jnp.full((16,), jnp.sum(accs[r])), zero16)
        row1 = jnp.where(lanes == 0,
                         jnp.full((16,), jnp.sum(accs[16])), zero16)
        acc_v[0, :] = row0
        acc_v[1, :] = row1
        for r in range(2, NROW):
            acc_v[r, :] = zero16
        pltpu.sync_copy(acc_v, stage_hbm.at[pl.ds(s * NROW, NROW)])

    plsc.subcore_barrier()

    @pl.when((c == 0) & (s == 0))
    def _finalize():
        pltpu.sync_copy(stage_hbm, all_v)
        zero16 = jnp.zeros((16,), jnp.float32)
        ones16 = jnp.ones((16,), jnp.float32)
        lanes = lax.iota(jnp.int32, 16)
        mom = all_v[0, :]
        labv = all_v[1, :]
        for t in range(1, NT):
            mom = mom + all_v[t * NROW, :]
            labv = labv + all_v[t * NROW + 1, :]
        totals = [jnp.full((16,), jnp.sum(jnp.where(lanes == r, mom, zero16)))
                  for r in range(16)]
        labtot = jnp.full((16,), jnp.sum(labv))
        sums = _recon(totals[0:8])
        cnts = _recon(totals[8:16])
        means = [sums[b] / jnp.maximum(cnts[b], ones16) for b in range(8)]
        pres = [jnp.where(cnts[b] > 0.0, ones16, zero16) for b in range(8)]
        has = [jnp.where(labtot < float(B), ones16, zero16),
               jnp.where(labtot > 0.0, ones16, zero16)]
        res = zero16
        for l in range(2):
            gap = zero16
            for (i, j) in _PAIRS:
                w = pres[4 * l + i] * pres[4 * l + j]
                d = means[4 * l + i] - means[4 * l + j]
                gap = gap + w * d * d
            res = res + has[l] * gap
        res_v[:] = res
        pltpu.sync_copy(res_v.at[pl.ds(0, 1)], res_hbm)


@jax.jit
def _mean_loss_sc(outputs, labels, sen_groups, ad1, ad2, a_map):
    kfn = pl.kernel(
        _body,
        out_type=(jax.ShapeDtypeStruct((1,), jnp.float32),
                  jax.ShapeDtypeStruct((NT * NROW, 16), jnp.float32)),
        mesh=plsc.VectorSubcoreMesh(core_axis_name="c", subcore_axis_name="s"),
        compiler_params=pltpu.CompilerParams(needs_layout_passes=False),
        scratch_types=[
            pltpu.VMEM((CHUNK,), jnp.float32),
            pltpu.VMEM((CHUNK,), jnp.int32),
            pltpu.VMEM((CHUNK,), jnp.int32),
            pltpu.VMEM((CHUNK,), jnp.int32),
            pltpu.VMEM((CHUNK,), jnp.int32),
            pltpu.VMEM((CHUNK,), jnp.int32),
            pltpu.VMEM((2,), jnp.int32),
            pltpu.VMEM((NROW, 16), jnp.float32),
            pltpu.VMEM((NT * NROW, 16), jnp.float32),
            pltpu.VMEM((16,), jnp.float32),
            pltpu.SemaphoreType.DMA,
        ],
    )
    res, _stage = kfn(outputs, labels, sen_groups, ad1, ad2, a_map)
    return res


def kernel(outputs, labels, sen_group_name, sen_groups, ad1, ad2, a_map):
    return _mean_loss_sc(outputs, labels, sen_groups, ad1, ad2, a_map)

# --- scband reference (transcript-rebuilt; emitter-appended) ---
"""Pipeline reference for scband-mean-loss-68719476999 (READ-ONLY COPY).

The authoritative reference and input builder live on the scoring server;
editing this copy changes nothing except your own understanding.
"""

import jax, jax.numpy as jnp
import numpy as np
import itertools


def _gap_single(vals, sel_mask, g):
    means = []
    present = []
    for m in range(2):
        mask = sel_mask & (g == m)
        cnt = mask.sum()
        s = jnp.where(mask, vals, jnp.zeros((), jnp.float32)).sum()
        means.append(s / jnp.maximum(cnt, 1))
        present.append(cnt > 0)
    res = jnp.zeros((1,), jnp.float32)
    for i, j in itertools.combinations(range(2), 2):
        w = (present[i] & present[j]).astype(jnp.float32)
        res = res + w * (means[i] - means[j]) ** 2
    return res


def _gap_double(vals, sel_mask, g1, g2):
    means = []
    present = []
    for m, n in itertools.product(range(2), range(2)):
        mask = sel_mask & (g1 == m) & (g2 == n)
        cnt = mask.sum()
        s = jnp.where(mask, vals, jnp.zeros((), jnp.float32)).sum()
        means.append(s / jnp.maximum(cnt, 1))
        present.append(cnt > 0)
    res = jnp.zeros((1,), jnp.float32)
    for i, j in itertools.combinations(range(4), 2):
        w = (present[i] & present[j]).astype(jnp.float32)
        res = res + w * (means[i] - means[j]) ** 2
    return res


def _forward(outputs, labels, sen_groups, ad1, ad2, a_map):
    # fair_criteria == 'EqOdd' -> unique_labels = [0, 1]
    logsig = jax.nn.log_sigmoid(outputs)
    result = jnp.zeros((1,), jnp.float32)
    dom_mask = (ad1 == a_map[0, 0]) & (ad2 == a_map[0, 1])
    for the_label in [0, 1]:
        has_label = (labels == the_label).sum() > 0
        lm = dom_mask & (labels == the_label)
        gap = _gap_double(logsig, lm, sen_groups[0], sen_groups[1])
        result = result + jnp.where(has_label, gap, jnp.zeros((1,), jnp.float32))
    return result


def setup_inputs(seed: int = 0) -> dict:
    key = jax.random.key(seed)
    ks = jax.random.split(key, 6)
    B = 4096
    return {
        "outputs": jax.random.normal(ks[0], (B,), jnp.float32),
        "labels": jax.random.randint(ks[1], (B,), 0, 2, dtype=jnp.int32),
        "sen_group_name": 0,
        "sen_groups": jax.random.randint(ks[2], (3, B), 0, 2, dtype=jnp.int32),
        "ad1": jax.random.randint(ks[3], (B,), 0, 2, dtype=jnp.int32),
        "ad2": jax.random.randint(ks[4], (B,), 0, 2, dtype=jnp.int32),
        "a_map": jnp.ones((1, 2), jnp.int32),
    }


def reference(outputs, labels, sen_group_name, sen_groups, ad1, ad2, a_map):
    return _forward(outputs, labels, sen_groups, ad1, ad2, a_map)

if __name__ == "__main__":
    import jax
    _d = setup_inputs()
    print(jax.jit(kernel)(*tuple(_d.values())))

</pallas_src>

<mosaic_0001>
#map = affine_map<(d0, d1) -> (0)>
#map1 = affine_map<(d0, d1) -> (0, 0)>
module attributes {stable_mosaic.version = 14 : i64} {
  func.func @_body(%arg0: i32, %arg1: i32, %arg2: memref<4096xf32, #tpu.memory_space<hbm>>, %arg3: memref<4096xi32, #tpu.memory_space<hbm>>, %arg4: memref<3x4096xi32, #tpu.memory_space<hbm>>, %arg5: memref<4096xi32, #tpu.memory_space<hbm>>, %arg6: memref<4096xi32, #tpu.memory_space<hbm>>, %arg7: memref<1x2xi32, #tpu.memory_space<hbm>>, %arg8: memref<1xf32, #tpu.memory_space<hbm>>, %arg9: memref<128x16xf32, #tpu.memory_space<hbm>>, %arg10: memref<256xf32, #tpu.memory_space<vmem>>, %arg11: memref<256xi32, #tpu.memory_space<vmem>>, %arg12: memref<256xi32, #tpu.memory_space<vmem>>, %arg13: memref<256xi32, #tpu.memory_space<vmem>>, %arg14: memref<256xi32, #tpu.memory_space<vmem>>, %arg15: memref<256xi32, #tpu.memory_space<vmem>>, %arg16: memref<2xi32, #tpu.memory_space<vmem>>, %arg17: memref<8x16xf32, #tpu.memory_space<vmem>>, %arg18: memref<128x16xf32, #tpu.memory_space<vmem>>, %arg19: memref<16xf32, #tpu.memory_space<vmem>>, %arg20: memref<!tpu.dma_semaphore, #tpu.memory_space<semaphore_mem>>) attributes {dimension_semantics = [#tpu.dimension_semantics<core_parallel>, #tpu.dimension_semantics<subcore_parallel>], iteration_bounds = array<i64: 2, 16>, scalar_prefetch = 0 : i64, scratch_operands = 11 : i64, tpu.core_type = #tpu.core_type<sc_vector_subcore>, window_params = [{transform_indices = #map}, {transform_indices = #map}, {transform_indices = #map1}, {transform_indices = #map}, {transform_indices = #map}, {transform_indices = #map1}, {transform_indices = #map}, {transform_indices = #map1}]} {
    %eq3A = arith.constant 0 : i32
    %eq3A_0 = arith.cmpi eq, %arg0, %eq3A : i32
    %convert_element_type3A = arith.extui %eq3A_0 : i1 to i32
    %cond3A = arith.constant 0 : i32
    %cond3A_1 = arith.cmpi ne, %convert_element_type3A, %cond3A : i32
    scf.if %cond3A_1 {
      %mul3A = arith.constant 256 : i32
      %mul3A_9 = arith.muli %arg1, %mul3A : i32
      %dma_start3A = tpu.memref_slice %arg2[%mul3A_9] : memref<4096xf32, #tpu.memory_space<hbm>> -> memref<256xf32, #tpu.memory_space<hbm>>
      %dma_start3A_10 = tpu.memref_slice %arg2[%mul3A_9] : memref<4096xf32, #tpu.memory_space<hbm>> -> memref<256xf32, #tpu.memory_space<hbm>>
      tpu.enqueue_dma source(%dma_start3A_10 : memref<256xf32, #tpu.memory_space<hbm>>) target(%arg10 : memref<256xf32, #tpu.memory_space<vmem>>) target_semaphore(%arg20 : memref<!tpu.dma_semaphore, #tpu.memory_space<semaphore_mem>>)
      %dma_start3A_11 = tpu.memref_slice %arg3[%mul3A_9] : memref<4096xi32, #tpu.memory_space<hbm>> -> memref<256xi32, #tpu.memory_space<hbm>>
      %dma_start3A_12 = tpu.memref_slice %arg3[%mul3A_9] : memref<4096xi32, #tpu.memory_space<hbm>> -> memref<256xi32, #tpu.memory_space<hbm>>
      tpu.enqueue_dma source(%dma_start3A_12 : memref<256xi32, #tpu.memory_space<hbm>>) target(%arg11 : memref<256xi32, #tpu.memory_space<vmem>>) target_semaphore(%arg20 : memref<!tpu.dma_semaphore, #tpu.memory_space<semaphore_mem>>)
      %dma_start3A_13 = arith.constant 0 : i32
      %dma_start3A_14 = tpu.memref_slice %arg4[%dma_start3A_13, %mul3A_9] : memref<3x4096xi32, #tpu.memory_space<hbm>> -> memref<1x256xi32, #tpu.memory_space<hbm>>
      %dma_start3A_15 = tpu.memref_squeeze %dma_start3A_14 : memref<1x256xi32, #tpu.memory_space<hbm>> -> memref<256xi32, #tpu.memory_space<hbm>>
      %dma_start3A_16 = tpu.memref_slice %arg4[%dma_start3A_13, %mul3A_9] : memref<3x4096xi32, #tpu.memory_space<hbm>> -> memref<1x256xi32, #tpu.memory_space<hbm>>
      %dma_start3A_17 = tpu.memref_squeeze %dma_start3A_16 : memref<1x256xi32, #tpu.memory_space<hbm>> -> memref<256xi32, #tpu.memory_space<hbm>>
      tpu.enqueue_dma source(%dma_start3A_17 : memref<256xi32, #tpu.memory_space<hbm>>) target(%arg12 : memref<256xi32, #tpu.memory_space<vmem>>) target_semaphore(%arg20 : memref<!tpu.dma_semaphore, #tpu.memory_space<semaphore_mem>>)
      %dma_start3A_18 = arith.constant 1 : i32
      %dma_start3A_19 = tpu.memref_slice %arg4[%dma_start3A_18, %mul3A_9] : memref<3x4096xi32, #tpu.memory_space<hbm>> -> memref<1x256xi32, #tpu.memory_space<hbm>>
      %dma_start3A_20 = tpu.memref_squeeze %dma_start3A_19 : memref<1x256xi32, #tpu.memory_space<hbm>> -> memref<256xi32, #tpu.memory_space<hbm>>
      %dma_start3A_21 = tpu.memref_slice %arg4[%dma_start3A_18, %mul3A_9] : memref<3x4096xi32, #tpu.memory_space<hbm>> -> memref<1x256xi32, #tpu.memory_space<hbm>>
      %dma_start3A_22 = tpu.memref_squeeze %dma_start3A_21 : memref<1x256xi32, #tpu.memory_space<hbm>> -> memref<256xi32, #tpu.memory_space<hbm>>
      tpu.enqueue_dma source(%dma_start3A_22 : memref<256xi32, #tpu.memory_space<hbm>>) target(%arg13 : memref<256xi32, #tpu.memory_space<vmem>>) target_semaphore(%arg20 : memref<!tpu.dma_semaphore, #tpu.memory_space<semaphore_mem>>)
      %dma_start3A_23 = tpu.memref_slice %arg5[%mul3A_9] : memref<4096xi32, #tpu.memory_space<hbm>> -> memref<256xi32, #tpu.memory_space<hbm>>
      %dma_start3A_24 = tpu.memref_slice %arg5[%mul3A_9] : memref<4096xi32, #tpu.memory_space<hbm>> -> memref<256xi32, #tpu.memory_space<hbm>>
      tpu.enqueue_dma source(%dma_start3A_24 : memref<256xi32, #tpu.memory_space<hbm>>) target(%arg14 : memref<256xi32, #tpu.memory_space<vmem>>) target_semaphore(%arg20 : memref<!tpu.dma_semaphore, #tpu.memory_space<semaphore_mem>>)
      %dma_start3A_25 = tpu.memref_slice %arg6[%mul3A_9] : memref<4096xi32, #tpu.memory_space<hbm>> -> memref<256xi32, #tpu.memory_space<hbm>>
      %dma_start3A_26 = tpu.memref_slice %arg6[%mul3A_9] : memref<4096xi32, #tpu.memory_space<hbm>> -> memref<256xi32, #tpu.memory_space<hbm>>
      tpu.enqueue_dma source(%dma_start3A_26 : memref<256xi32, #tpu.memory_space<hbm>>) target(%arg15 : memref<256xi32, #tpu.memory_space<vmem>>) target_semaphore(%arg20 : memref<!tpu.dma_semaphore, #tpu.memory_space<semaphore_mem>>)
      %dma_start3A_27 = arith.constant 0 : i32
      %dma_start3A_28 = arith.constant 0 : i32
      %dma_start3A_29 = tpu.memref_slice %arg7[%dma_start3A_27, %dma_start3A_28] : memref<1x2xi32, #tpu.memory_space<hbm>> -> memref<1x2xi32, #tpu.memory_space<hbm>>
      %dma_start3A_30 = tpu.memref_squeeze %dma_start3A_29 : memref<1x2xi32, #tpu.memory_space<hbm>> -> memref<2xi32, #tpu.memory_space<hbm>>
      %dma_start3A_31 = arith.constant 0 : i32
      %dma_start3A_32 = tpu.memref_slice %arg7[%dma_start3A_27, %dma_start3A_31] : memref<1x2xi32, #tpu.memory_space<hbm>> -> memref<1x2xi32, #tpu.memory_space<hbm>>
      %dma_start3A_33 = tpu.memref_squeeze %dma_start3A_32 : memref<1x2xi32, #tpu.memory_space<hbm>> -> memref<2xi32, #tpu.memory_space<hbm>>
      tpu.enqueue_dma source(%dma_start3A_33 : memref<2xi32, #tpu.memory_space<hbm>>) target(%arg16 : memref<2xi32, #tpu.memory_space<vmem>>) target_semaphore(%arg20 : memref<!tpu.dma_semaphore, #tpu.memory_space<semaphore_mem>>)
      %dma_wait3A = tpu.memref_slice %arg2[%mul3A_9] : memref<4096xf32, #tpu.memory_space<hbm>> -> memref<256xf32, #tpu.memory_space<hbm>>
      %dma_wait3A_34 = tpu.memref_slice %arg2[%mul3A_9] : memref<4096xf32, #tpu.memory_space<hbm>> -> memref<256xf32, #tpu.memory_space<hbm>>
      tpu.wait_dma2 semaphore(%arg20 : memref<!tpu.dma_semaphore, #tpu.memory_space<semaphore_mem>>) src(%dma_wait3A_34 : memref<256xf32, #tpu.memory_space<hbm>>) dst(%arg10 : memref<256xf32, #tpu.memory_space<vmem>>)
      %dma_wait3A_35 = tpu.memref_slice %arg3[%mul3A_9] : memref<4096xi32, #tpu.memory_space<hbm>> -> memref<256xi32, #tpu.memory_space<hbm>>
      %dma_wait3A_36 = tpu.memref_slice %arg3[%mul3A_9] : memref<4096xi32, #tpu.memory_space<hbm>> -> memref<256xi32, #tpu.memory_space<hbm>>
      tpu.wait_dma2 semaphore(%arg20 : memref<!tpu.dma_semaphore, #tpu.memory_space<semaphore_mem>>) src(%dma_wait3A_36 : memref<256xi32, #tpu.memory_space<hbm>>) dst(%arg11 : memref<256xi32, #tpu.memory_space<vmem>>)
      %dma_wait3A_37 = arith.constant 0 : i32
      %dma_wait3A_38 = tpu.memref_slice %arg4[%dma_wait3A_37, %mul3A_9] : memref<3x4096xi32, #tpu.memory_space<hbm>> -> memref<1x256xi32, #tpu.memory_space<hbm>>
      %dma_wait3A_39 = tpu.memref_squeeze %dma_wait3A_38 : memref<1x256xi32, #tpu.memory_space<hbm>> -> memref<256xi32, #tpu.memory_space<hbm>>
      %dma_wait3A_40 = tpu.memref_slice %arg4[%dma_wait3A_37, %mul3A_9] : memref<3x4096xi32, #tpu.memory_space<hbm>> -> memref<1x256xi32, #tpu.memory_space<hbm>>
      %dma_wait3A_41 = tpu.memref_squeeze %dma_wait3A_40 : memref<1x256xi32, #tpu.memory_space<hbm>> -> memref<256xi32, #tpu.memory_space<hbm>>
      tpu.wait_dma2 semaphore(%arg20 : memref<!tpu.dma_semaphore, #tpu.memory_space<semaphore_mem>>) src(%dma_wait3A_41 : memref<256xi32, #tpu.memory_space<hbm>>) dst(%arg12 : memref<256xi32, #tpu.memory_space<vmem>>)
      %dma_wait3A_42 = arith.constant 1 : i32
      %dma_wait3A_43 = tpu.memref_slice %arg4[%dma_wait3A_42, %mul3A_9] : memref<3x4096xi32, #tpu.memory_space<hbm>> -> memref<1x256xi32, #tpu.memory_space<hbm>>
      %dma_wait3A_44 = tpu.memref_squeeze %dma_wait3A_43 : memref<1x256xi32, #tpu.memory_space<hbm>> -> memref<256xi32, #tpu.memory_space<hbm>>
      %dma_wait3A_45 = tpu.memref_slice %arg4[%dma_wait3A_42, %mul3A_9] : memref<3x4096xi32, #tpu.memory_space<hbm>> -> memref<1x256xi32, #tpu.memory_space<hbm>>
      %dma_wait3A_46 = tpu.memref_squeeze %dma_wait3A_45 : memref<1x256xi32, #tpu.memory_space<hbm>> -> memref<256xi32, #tpu.memory_space<hbm>>
      tpu.wait_dma2 semaphore(%arg20 : memref<!tpu.dma_semaphore, #tpu.memory_space<semaphore_mem>>) src(%dma_wait3A_46 : memref<256xi32, #tpu.memory_space<hbm>>) dst(%arg13 : memref<256xi32, #tpu.memory_space<vmem>>)
      %dma_wait3A_47 = tpu.memref_slice %arg5[%mul3A_9] : memref<4096xi32, #tpu.memory_space<hbm>> -> memref<256xi32, #tpu.memory_space<hbm>>
      %dma_wait3A_48 = tpu.memref_slice %arg5[%mul3A_9] : memref<4096xi32, #tpu.memory_space<hbm>> -> memref<256xi32, #tpu.memory_space<hbm>>
      tpu.wait_dma2 semaphore(%arg20 : memref<!tpu.dma_semaphore, #tpu.memory_space<semaphore_mem>>) src(%dma_wait3A_48 : memref<256xi32, #tpu.memory_space<hbm>>) dst(%arg14 : memref<256xi32, #tpu.memory_space<vmem>>)
      %dma_wait3A_49 = tpu.memref_slice %arg6[%mul3A_9] : memref<4096xi32, #tpu.memory_space<hbm>> -> memref<256xi32, #tpu.memory_space<hbm>>
      %dma_wait3A_50 = tpu.memref_slice %arg6[%mul3A_9] : memref<4096xi32, #tpu.memory_space<hbm>> -> memref<256xi32, #tpu.memory_space<hbm>>
      tpu.wait_dma2 semaphore(%arg20 : memref<!tpu.dma_semaphore, #tpu.memory_space<semaphore_mem>>) src(%dma_wait3A_50 : memref<256xi32, #tpu.memory_space<hbm>>) dst(%arg15 : memref<256xi32, #tpu.memory_space<vmem>>)
      %dma_wait3A_51 = arith.constant 0 : i32
      %dma_wait3A_52 = arith.constant 0 : i32
      %dma_wait3A_53 = tpu.memref_slice %arg7[%dma_wait3A_51, %dma_wait3A_52] : memref<1x2xi32, #tpu.memory_space<hbm>> -> memref<1x2xi32, #tpu.memory_space<hbm>>
      %dma_wait3A_54 = tpu.memref_squeeze %dma_wait3A_53 : memref<1x2xi32, #tpu.memory_space<hbm>> -> memref<2xi32, #tpu.memory_space<hbm>>
      %dma_wait3A_55 = arith.constant 0 : i32
      %dma_wait3A_56 = tpu.memref_slice %arg7[%dma_wait3A_51, %dma_wait3A_55] : memref<1x2xi32, #tpu.memory_space<hbm>> -> memref<1x2xi32, #tpu.memory_space<hbm>>
      %dma_wait3A_57 = tpu.memref_squeeze %dma_wait3A_56 : memref<1x2xi32, #tpu.memory_space<hbm>> -> memref<2xi32, #tpu.memory_space<hbm>>
      tpu.wait_dma2 semaphore(%arg20 : memref<!tpu.dma_semaphore, #tpu.memory_space<semaphore_mem>>) src(%dma_wait3A_57 : memref<2xi32, #tpu.memory_space<hbm>>) dst(%arg16 : memref<2xi32, #tpu.memory_space<vmem>>)
      %broadcast_in_dim3A = arith.constant 0.000000e+00 : f32
      %broadcast_in_dim3A_58 = vector.broadcast %broadcast_in_dim3A : f32 to vector<16xf32>
      %broadcast_in_dim3A_59 = arith.constant 1.000000e+00 : f32
      %broadcast_in_dim3A_60 = vector.broadcast %broadcast_in_dim3A_59 : f32 to vector<16xf32>
      %broadcast_in_dim3A_61 = arith.constant 0 : i32
      %broadcast_in_dim3A_62 = vector.broadcast %broadcast_in_dim3A_61 : i32 to vector<16xi32>
      %iota3A = tpu.iota {dimensions = array<i32: 0>} : vector<16xi32>
      %gather3A = tpu.vector_load_idx %arg16[%broadcast_in_dim3A_62] : memref<2xi32, #tpu.memory_space<vmem>>[vector<16xi32>], vector<16xi32>,
      %add3A = arith.constant 1 : i32
      %add3A_63 = vector.broadcast %add3A : i32 to vector<16xi32>
      %add3A_64 = arith.addi %broadcast_in_dim3A_62, %add3A_63 : vector<16xi32>
      %gather3A_65 = tpu.vector_load_idx %arg16[%add3A_64] : memref<2xi32, #tpu.memory_space<vmem>>[vector<16xi32>], vector<16xi32>,
      %get3A = arith.constant 0 : index
      %get3A_66 = tpu.vector_load %arg10[%get3A] {strides = array<i32>} : memref<256xf32, #tpu.memory_space<vmem>>, vector<16xf32>,
      %abs3A = math.absf %get3A_66 : vector<16xf32>
      %neg3A = arith.constant 0.000000e+00 : f32
      %neg3A_67 = vector.broadcast %neg3A : f32 to vector<16xf32>
      %neg3A_68 = arith.subf %neg3A_67, %abs3A : vector<16xf32>
      %exp3A = math.exp %neg3A_68 : vector<16xf32>
      %add3A_69 = arith.constant 2.000000e+00 : f32
      %add3A_70 = vector.broadcast %add3A_69 : f32 to vector<16xf32>
      %add3A_71 = arith.addf %exp3A, %add3A_70 : vector<16xf32>
      %div3A = arith.divf %exp3A, %add3A_71 : vector<16xf32>
      %mul3A_72 = arith.mulf %div3A, %div3A : vector<16xf32>
      %mul3A_73 = arith.constant 0.111111112 : f32
      %mul3A_74 = vector.broadcast %mul3A_73 : f32 to vector<16xf32>
      %mul3A_75 = arith.mulf %mul3A_72, %mul3A_74 : vector<16xf32>
      %add3A_76 = arith.constant 0.142857149 : f32
      %add3A_77 = vector.broadcast %add3A_76 : f32 to vector<16xf32>
      %add3A_78 = arith.addf %mul3A_75, %add3A_77 : vector<16xf32>
      %mul3A_79 = arith.mulf %add3A_78, %mul3A_72 : vector<16xf32>
      %add3A_80 = arith.constant 2.000000e-01 : f32
      %add3A_81 = vector.broadcast %add3A_80 : f32 to vector<16xf32>
      %add3A_82 = arith.addf %mul3A_79, %add3A_81 : vector<16xf32>
      %mul3A_83 = arith.mulf %add3A_82, %mul3A_72 : vector<16xf32>
      %add3A_84 = arith.constant 0.333333343 : f32
      %add3A_85 = vector.broadcast %add3A_84 : f32 to vector<16xf32>
      %add3A_86 = arith.addf %mul3A_83, %add3A_85 : vector<16xf32>
      %mul3A_87 = arith.mulf %add3A_86, %mul3A_72 : vector<16xf32>
      %add3A_88 = arith.constant 1.000000e+00 : f32
      %add3A_89 = vector.broadcast %add3A_88 : f32 to vector<16xf32>
      %add3A_90 = arith.addf %mul3A_87, %add3A_89 : vector<16xf32>
      %min3A = arith.constant 0.000000e+00 : f32
      %min3A_91 = vector.broadcast %min3A : f32 to vector<16xf32>
      %min3A_92 = arith.minimumf %get3A_66, %min3A_91 : vector<16xf32>
      %mul3A_93 = arith.constant 2.000000e+00 : f32
      %mul3A_94 = vector.broadcast %mul3A_93 : f32 to vector<16xf32>
      %mul3A_95 = arith.mulf %mul3A_94, %div3A : vector<16xf32>
      %mul3A_96 = arith.mulf %mul3A_95, %add3A_90 : vector<16xf32>
      %sub3A = arith.subf %min3A_92, %mul3A_96 : vector<16xf32>
      %get3A_97 = arith.constant 0 : index
      %get3A_98 = tpu.vector_load %arg14[%get3A_97] {strides = array<i32>} : memref<256xi32, #tpu.memory_space<vmem>>, vector<16xi32>,
      %eq3A_99 = arith.cmpi eq, %get3A_98, %gather3A : vector<16xi32>
      %get3A_100 = arith.constant 0 : index
      %get3A_101 = tpu.vector_load %arg15[%get3A_100] {strides = array<i32>} : memref<256xi32, #tpu.memory_space<vmem>>, vector<16xi32>,
      %eq3A_102 = arith.cmpi eq, %get3A_101, %gather3A_65 : vector<16xi32>
      %and3A_103 = arith.andi %eq3A_99, %eq3A_102 : vector<16xi1>
      %select_n3A = arith.select %and3A_103, %broadcast_in_dim3A_60, %broadcast_in_dim3A_58 : vector<16xi1>, vector<16xf32>
      %get3A_104 = arith.constant 0 : index
      %get3A_105 = tpu.vector_load %arg11[%get3A_104] {strides = array<i32>} : memref<256xi32, #tpu.memory_space<vmem>>, vector<16xi32>,
      %convert_element_type3A_106 = arith.sitofp %get3A_105 : vector<16xi32> to vector<16xf32>
      %get3A_107 = arith.constant 0 : index
      %get3A_108 = tpu.vector_load %arg12[%get3A_107] {strides = array<i32>} : memref<256xi32, #tpu.memory_space<vmem>>, vector<16xi32>,
      %convert_element_type3A_109 = arith.sitofp %get3A_108 : vector<16xi32> to vector<16xf32>
      %get3A_110 = arith.constant 0 : index
      %get3A_111 = tpu.vector_load %arg13[%get3A_110] {strides = array<i32>} : memref<256xi32, #tpu.memory_space<vmem>>, vector<16xi32>,
      %convert_element_type3A_112 = arith.sitofp %get3A_111 : vector<16xi32> to vector<16xf32>
      %mul3A_113 = arith.mulf %select_n3A, %convert_element_type3A_106 : vector<16xf32>
      %mul3A_114 = arith.mulf %select_n3A, %convert_element_type3A_109 : vector<16xf32>
      %mul3A_115 = arith.mulf %select_n3A, %convert_element_type3A_112 : vector<16xf32>
      %mul3A_116 = arith.mulf %mul3A_113, %convert_element_type3A_109 : vector<16xf32>
      %mul3A_117 = arith.mulf %mul3A_113, %convert_element_type3A_112 : vector<16xf32>
      %mul3A_118 = arith.mulf %mul3A_114, %convert_element_type3A_112 : vector<16xf32>
      %mul3A_119 = arith.mulf %mul3A_116, %convert_element_type3A_112 : vector<16xf32>
      %mul3A_120 = arith.mulf %sub3A, %select_n3A : vector<16xf32>
      %add3A_121 = arith.addf %broadcast_in_dim3A_58, %mul3A_120 : vector<16xf32>
      %add3A_122 = arith.addf %broadcast_in_dim3A_58, %select_n3A : vector<16xf32>
      %mul3A_123 = arith.mulf %sub3A, %mul3A_113 : vector<16xf32>
      %add3A_124 = arith.addf %broadcast_in_dim3A_58, %mul3A_123 : vector<16xf32>
      %add3A_125 = arith.addf %broadcast_in_dim3A_58, %mul3A_113 : vector<16xf32>
      %mul3A_126 = arith.mulf %sub3A, %mul3A_114 : vector<16xf32>
      %add3A_127 = arith.addf %broadcast_in_dim3A_58, %mul3A_126 : vector<16xf32>
      %add3A_128 = arith.addf %broadcast_in_dim3A_58, %mul3A_114 : vector<16xf32>
      %mul3A_129 = arith.mulf %sub3A, %mul3A_115 : vector<16xf32>
      %add3A_130 = arith.addf %broadcast_in_dim3A_58, %mul3A_129 : vector<16xf32>
      %add3A_131 = arith.addf %broadcast_in_dim3A_58, %mul3A_115 : vector<16xf32>
      %mul3A_132 = arith.mulf %sub3A, %mul3A_116 : vector<16xf32>
      %add3A_133 = arith.addf %broadcast_in_dim3A_58, %mul3A_132 : vector<16xf32>
      %add3A_134 = arith.addf %broadcast_in_dim3A_58, %mul3A_116 : vector<16xf32>
      %mul3A_135 = arith.mulf %sub3A, %mul3A_117 : vector<16xf32>
      %add3A_136 = arith.addf %broadcast_in_dim3A_58, %mul3A_135 : vector<16xf32>
      %add3A_137 = arith.addf %broadcast_in_dim3A_58, %mul3A_117 : vector<16xf32>
      %mul3A_138 = arith.mulf %sub3A, %mul3A_118 : vector<16xf32>
      %add3A_139 = arith.addf %broadcast_in_dim3A_58, %mul3A_138 : vector<16xf32>
      %add3A_140 = arith.addf %broadcast_in_dim3A_58, %mul3A_118 : vector<16xf32>
      %mul3A_141 = arith.mulf %sub3A, %mul3A_119 : vector<16xf32>
      %add3A_142 = arith.addf %broadcast_in_dim3A_58, %mul3A_141 : vector<16xf32>
      %add3A_143 = arith.addf %broadcast_in_dim3A_58, %mul3A_119 : vector<16xf32>
      %add3A_144 = arith.addf %broadcast_in_dim3A_58, %convert_element_type3A_106 : vector<16xf32>
      %get3A_145 = arith.constant 16 : index
      %get3A_146 = tpu.vector_load %arg10[%get3A_145] {strides = array<i32>} : memref<256xf32, #tpu.memory_space<vmem>>, vector<16xf32>,
      %abs3A_147 = math.absf %get3A_146 : vector<16xf32>
      %neg3A_148 = arith.constant 0.000000e+00 : f32
      %neg3A_149 = vector.broadcast %neg3A_148 : f32 to vector<16xf32>
      %neg3A_150 = arith.subf %neg3A_149, %abs3A_147 : vector<16xf32>
      %exp3A_151 = math.exp %neg3A_150 : vector<16xf32>
      %add3A_152 = arith.constant 2.000000e+00 : f32
      %add3A_153 = vector.broadcast %add3A_152 : f32 to vector<16xf32>
      %add3A_154 = arith.addf %exp3A_151, %add3A_153 : vector<16xf32>
      %div3A_155 = arith.divf %exp3A_151, %add3A_154 : vector<16xf32>
      %mul3A_156 = arith.mulf %div3A_155, %div3A_155 : vector<16xf32>
      %mul3A_157 = arith.constant 0.111111112 : f32
      %mul3A_158 = vector.broadcast %mul3A_157 : f32 to vector<16xf32>
      %mul3A_159 = arith.mulf %mul3A_156, %mul3A_158 : vector<16xf32>
      %add3A_160 = arith.constant 0.142857149 : f32
      %add3A_161 = vector.broadcast %add3A_160 : f32 to vector<16xf32>
      %add3A_162 = arith.addf %mul3A_159, %add3A_161 : vector<16xf32>
      %mul3A_163 = arith.mulf %add3A_162, %mul3A_156 : vector<16xf32>
      %add3A_164 = arith.constant 2.000000e-01 : f32
      %add3A_165 = vector.broadcast %add3A_164 : f32 to vector<16xf32>
      %add3A_166 = arith.addf %mul3A_163, %add3A_165 : vector<16xf32>
      %mul3A_167 = arith.mulf %add3A_166, %mul3A_156 : vector<16xf32>
      %add3A_168 = arith.constant 0.333333343 : f32
      %add3A_169 = vector.broadcast %add3A_168 : f32 to vector<16xf32>
      %add3A_170 = arith.addf %mul3A_167, %add3A_169 : vector<16xf32>
      %mul3A_171 = arith.mulf %add3A_170, %mul3A_156 : vector<16xf32>
      %add3A_172 = arith.constant 1.000000e+00 : f32
      %add3A_173 = vector.broadcast %add3A_172 : f32 to vector<16xf32>
      %add3A_174 = arith.addf %mul3A_171, %add3A_173 : vector<16xf32>
      %min3A_175 = arith.constant 0.000000e+00 : f32
      %min3A_176 = vector.broadcast %min3A_175 : f32 to vector<16xf32>
      %min3A_177 = arith.minimumf %get3A_146, %min3A_176 : vector<16xf32>
      %mul3A_178 = arith.constant 2.000000e+00 : f32
      %mul3A_179 = vector.broadcast %mul3A_178 : f32 to vector<16xf32>
      %mul3A_180 = arith.mulf %mul3A_179, %div3A_155 : vector<16xf32>
      %mul3A_181 = arith.mulf %mul3A_180, %add3A_174 : vector<16xf32>
      %sub3A_182 = arith.subf %min3A_177, %mul3A_181 : vector<16xf32>
      %get3A_183 = arith.constant 16 : index
      %get3A_184 = tpu.vector_load %arg14[%get3A_183] {strides = array<i32>} : memref<256xi32, #tpu.memory_space<vmem>>, vector<16xi32>,
      %eq3A_185 = arith.cmpi eq, %get3A_184, %gather3A : vector<16xi32>
      %get3A_186 = arith.constant 16 : index
      %get3A_187 = tpu.vector_load %arg15[%get3A_186] {strides = array<i32>} : memref<256xi32, #tpu.memory_space<vmem>>, vector<16xi32>,
      %eq3A_188 = arith.cmpi eq, %get3A_187, %gather3A_65 : vector<16xi32>
      %and3A_189 = arith.andi %eq3A_185, %eq3A_188 : vector<16xi1>
      %select_n3A_190 = arith.select %and3A_189, %broadcast_in_dim3A_60, %broadcast_in_dim3A_58 : vector<16xi1>, vector<16xf32>
      %get3A_191 = arith.constant 16 : index
      %get3A_192 = tpu.vector_load %arg11[%get3A_191] {strides = array<i32>} : memref<256xi32, #tpu.memory_space<vmem>>, vector<16xi32>,
      %convert_element_type3A_193 = arith.sitofp %get3A_192 : vector<16xi32> to vector<16xf32>
      %get3A_194 = arith.constant 16 : index
      %get3A_195 = tpu.vector_load %arg12[%get3A_194] {strides = array<i32>} : memref<256xi32, #tpu.memory_space<vmem>>, vector<16xi32>,
      %convert_element_type3A_196 = arith.sitofp %get3A_195 : vector<16xi32> to vector<16xf32>
      %get3A_197 = arith.constant 16 : index
      %get3A_198 = tpu.vector_load %arg13[%get3A_197] {strides = array<i32>} : memref<256xi32, #tpu.memory_space<vmem>>, vector<16xi32>,
      %convert_element_type3A_199 = arith.sitofp %get3A_198 : vector<16xi32> to vector<16xf32>
      %mul3A_200 = arith.mulf %select_n3A_190, %convert_element_type3A_193 : vector<16xf32>
      %mul3A_201 = arith.mulf %select_n3A_190, %convert_element_type3A_196 : vector<16xf32>
      %mul3A_202 = arith.mulf %select_n3A_190, %convert_element_type3A_199 : vector<16xf32>
      %mul3A_203 = arith.mulf %mul3A_200, %convert_element_type3A_196 : vector<16xf32>
      %mul3A_204 = arith.mulf %mul3A_200, %convert_element_type3A_199 : vector<16xf32>
      %mul3A_205 = arith.mulf %mul3A_201, %convert_element_type3A_199 : vector<16xf32>
      %mul3A_206 = arith.mulf %mul3A_203, %convert_element_type3A_199 : vector<16xf32>
      %mul3A_207 = arith.mulf %sub3A_182, %select_n3A_190 : vector<16xf32>
      %add3A_208 = arith.addf %add3A_121, %mul3A_207 : vector<16xf32>
      %add3A_209 = arith.addf %add3A_122, %select_n3A_190 : vector<16xf32>
      %mul3A_210 = arith.mulf %sub3A_182, %mul3A_200 : vector<16xf32>
      %add3A_211 = arith.addf %add3A_124, %mul3A_210 : vector<16xf32>
      %add3A_212 = arith.addf %add3A_125, %mul3A_200 : vector<16xf32>
      %mul3A_213 = arith.mulf %sub3A_182, %mul3A_201 : vector<16xf32>
      %add3A_214 = arith.addf %add3A_127, %mul3A_213 : vector<16xf32>
      %add3A_215 = arith.addf %add3A_128, %mul3A_201 : vector<16xf32>
      %mul3A_216 = arith.mulf %sub3A_182, %mul3A_202 : vector<16xf32>
      %add3A_217 = arith.addf %add3A_130, %mul3A_216 : vector<16xf32>
      %add3A_218 = arith.addf %add3A_131, %mul3A_202 : vector<16xf32>
      %mul3A_219 = arith.mulf %sub3A_182, %mul3A_203 : vector<16xf32>
      %add3A_220 = arith.addf %add3A_133, %mul3A_219 : vector<16xf32>
      %add3A_221 = arith.addf %add3A_134, %mul3A_203 : vector<16xf32>
      %mul3A_222 = arith.mulf %sub3A_182, %mul3A_204 : vector<16xf32>
      %add3A_223 = arith.addf %add3A_136, %mul3A_222 : vector<16xf32>
      %add3A_224 = arith.addf %add3A_137, %mul3A_204 : vector<16xf32>
      %mul3A_225 = arith.mulf %sub3A_182, %mul3A_205 : vector<16xf32>
      %add3A_226 = arith.addf %add3A_139, %mul3A_225 : vector<16xf32>
      %add3A_227 = arith.addf %add3A_140, %mul3A_205 : vector<16xf32>
      %mul3A_228 = arith.mulf %sub3A_182, %mul3A_206 : vector<16xf32>
      %add3A_229 = arith.addf %add3A_142, %mul3A_228 : vector<16xf32>
      %add3A_230 = arith.addf %add3A_143, %mul3A_206 : vector<16xf32>
      %add3A_231 = arith.addf %add3A_144, %convert_element_type3A_193 : vector<16xf32>
      %get3A_232 = arith.constant 32 : index
      %get3A_233 = tpu.vector_load %arg10[%get3A_232] {strides = array<i32>} : memref<256xf32, #tpu.memory_space<vmem>>, vector<16xf32>,
      %abs3A_234 = math.absf %get3A_233 : vector<16xf32>
      %neg3A_235 = arith.constant 0.000000e+00 : f32
      %neg3A_236 = vector.broadcast %neg3A_235 : f32 to vector<16xf32>
      %neg3A_237 = arith.subf %neg3A_236, %abs3A_234 : vector<16xf32>
      %exp3A_238 = math.exp %neg3A_237 : vector<16xf32>
      %add3A_239 = arith.constant 2.000000e+00 : f32
      %add3A_240 = vector.broadcast %add3A_239 : f32 to vector<16xf32>
      %add3A_241 = arith.addf %exp3A_238, %add3A_240 : vector<16xf32>
      %div3A_242 = arith.divf %exp3A_238, %add3A_241 : vector<16xf32>
      %mul3A_243 = arith.mulf %div3A_242, %div3A_242 : vector<16xf32>
      %mul3A_244 = arith.constant 0.111111112 : f32
      %mul3A_245 = vector.broadcast %mul3A_244 : f32 to vector<16xf32>
      %mul3A_246 = arith.mulf %mul3A_243, %mul3A_245 : vector<16xf32>
      %add3A_247 = arith.constant 0.142857149 : f32
      %add3A_248 = vector.broadcast %add3A_247 : f32 to vector<16xf32>
      %add3A_249 = arith.addf %mul3A_246, %add3A_248 : vector<16xf32>
      %mul3A_250 = arith.mulf %add3A_249, %mul3A_243 : vector<16xf32>
      %add3A_251 = arith.constant 2.000000e-01 : f32
      %add3A_252 = vector.broadcast %add3A_251 : f32 to vector<16xf32>
      %add3A_253 = arith.addf %mul3A_250, %add3A_252 : vector<16xf32>
      %mul3A_254 = arith.mulf %add3A_253, %mul3A_243 : vector<16xf32>
      %add3A_255 = arith.constant 0.333333343 : f32
      %add3A_256 = vector.broadcast %add3A_255 : f32 to vector<16xf32>
      %add3A_257 = arith.addf %mul3A_254, %add3A_256 : vector<16xf32>
      %mul3A_258 = arith.mulf %add3A_257, %mul3A_243 : vector<16xf32>
      %add3A_259 = arith.constant 1.000000e+00 : f32
      %add3A_260 = vector.broadcast %add3A_259 : f32 to vector<16xf32>
      %add3A_261 = arith.addf %mul3A_258, %add3A_260 : vector<16xf32>
      %min3A_262 = arith.constant 0.000000e+00 : f32
      %min3A_263 = vector.broadcast %min3A_262 : f32 to vector<16xf32>
      %min3A_264 = arith.minimumf %get3A_233, %min3A_263 : vector<16xf32>
      %mul3A_265 = arith.constant 2.000000e+00 : f32
      %mul3A_266 = vector.broadcast %mul3A_265 : f32 to vector<16xf32>
      %mul3A_267 = arith.mulf %mul3A_266, %div3A_242 : vector<16xf32>
      %mul3A_268 = arith.mulf %mul3A_267, %add3A_261 : vector<16xf32>
      %sub3A_269 = arith.subf %min3A_264, %mul3A_268 : vector<16xf32>
      %get3A_270 = arith.constant 32 : index
      %get3A_271 = tpu.vector_load %arg14[%get3A_270] {strides = array<i32>} : memref<256xi32, #tpu.memory_space<vmem>>, vector<16xi32>,
      %eq3A_272 = arith.cmpi eq, %get3A_271, %gather3A : vector<16xi32>
      %get3A_273 = arith.constant 32 : index
      %get3A_274 = tpu.vector_load %arg15[%get3A_273] {strides = array<i32>} : memref<256xi32, #tpu.memory_space<vmem>>, vector<16xi32>,
      %eq3A_275 = arith.cmpi eq, %get3A_274, %gather3A_65 : vector<16xi32>
      %and3A_276 = arith.andi %eq3A_272, %eq3A_275 : vector<16xi1>
      %select_n3A_277 = arith.select %and3A_276, %broadcast_in_dim3A_60, %broadcast_in_dim3A_58 : vector<16xi1>, vector<16xf32>
      %get3A_278 = arith.constant 32 : index
      %get3A_279 = tpu.vector_load %arg11[%get3A_278] {strides = array<i32>} : memref<256xi32, #tpu.memory_space<vmem>>, vector<16xi32>,
      %convert_element_type3A_280 = arith.sitofp %get3A_279 : vector<16xi32> to vector<16xf32>
      %get3A_281 = arith.constant 32 : index
      %get3A_282 = tpu.vector_load %arg12[%get3A_281] {strides = array<i32>} : memref<256xi32, #tpu.memory_space<vmem>>, vector<16xi32>,
      %convert_element_type3A_283 = arith.sitofp %get3A_282 : vector<16xi32> to vector<16xf32>
      %get3A_284 = arith.constant 32 : index
      %get3A_285 = tpu.vector_load %arg13[%get3A_284] {strides = array<i32>} : memref<256xi32, #tpu.memory_space<vmem>>, vector<16xi32>,
      %convert_element_type3A_286 = arith.sitofp %get3A_285 : vector<16xi32> to vector<16xf32>
      %mul3A_287 = arith.mulf %select_n3A_277, %convert_element_type3A_280 : vector<16xf32>
      %mul3A_288 = arith.mulf %select_n3A_277, %convert_element_type3A_283 : vector<16xf32>
      %mul3A_289 = arith.mulf %select_n3A_277, %convert_element_type3A_286 : vector<16xf32>
      %mul3A_290 = arith.mulf %mul3A_287, %convert_element_type3A_283 : vector<16xf32>
      %mul3A_291 = arith.mulf %mul3A_287, %convert_element_type3A_286 : vector<16xf32>
      %mul3A_292 = arith.mulf %mul3A_288, %convert_element_type3A_286 : vector<16xf32>
      %mul3A_293 = arith.mulf %mul3A_290, %convert_element_type3A_286 : vector<16xf32>
      %mul3A_294 = arith.mulf %sub3A_269, %select_n3A_277 : vector<16xf32>
      %add3A_295 = arith.addf %add3A_208, %mul3A_294 : vector<16xf32>
      %add3A_296 = arith.addf %add3A_209, %select_n3A_277 : vector<16xf32>
      %mul3A_297 = arith.mulf %sub3A_269, %mul3A_287 : vector<16xf32>
      %add3A_298 = arith.addf %add3A_211, %mul3A_297 : vector<16xf32>
      %add3A_299 = arith.addf %add3A_212, %mul3A_287 : vector<16xf32>
      %mul3A_300 = arith.mulf %sub3A_269, %mul3A_288 : vector<16xf32>
      %add3A_301 = arith.addf %add3A_214, %mul3A_300 : vector<16xf32>
      %add3A_302 = arith.addf %add3A_215, %mul3A_288 : vector<16xf32>
      %mul3A_303 = arith.mulf %sub3A_269, %mul3A_289 : vector<16xf32>
      %add3A_304 = arith.addf %add3A_217, %mul3A_303 : vector<16xf32>
      %add3A_305 = arith.addf %add3A_218, %mul3A_289 : vector<16xf32>
      %mul3A_306 = arith.mulf %sub3A_269, %mul3A_290 : vector<16xf32>
      %add3A_307 = arith.addf %add3A_220, %mul3A_306 : vector<16xf32>
      %add3A_308 = arith.addf %add3A_221, %mul3A_290 : vector<16xf32>
      %mul3A_309 = arith.mulf %sub3A_269, %mul3A_291 : vector<16xf32>
      %add3A_310 = arith.addf %add3A_223, %mul3A_309 : vector<16xf32>
      %add3A_311 = arith.addf %add3A_224, %mul3A_291 : vector<16xf32>
      %mul3A_312 = arith.mulf %sub3A_269, %mul3A_292 : vector<16xf32>
      %add3A_313 = arith.addf %add3A_226, %mul3A_312 : vector<16xf32>
      %add3A_314 = arith.addf %add3A_227, %mul3A_292 : vector<16xf32>
      %mul3A_315 = arith.mulf %sub3A_269, %mul3A_293 : vector<16xf32>
      %add3A_316 = arith.addf %add3A_229, %mul3A_315 : vector<16xf32>
      %add3A_317 = arith.addf %add3A_230, %mul3A_293 : vector<16xf32>
      %add3A_318 = arith.addf %add3A_231, %convert_element_type3A_280 : vector<16xf32>
      %get3A_319 = arith.constant 48 : index
      %get3A_320 = tpu.vector_load %arg10[%get3A_319] {strides = array<i32>} : memref<256xf32, #tpu.memory_space<vmem>>, vector<16xf32>,
      %abs3A_321 = math.absf %get3A_320 : vector<16xf32>
      %neg3A_322 = arith.constant 0.000000e+00 : f32
      %neg3A_323 = vector.broadcast %neg3A_322 : f32 to vector<16xf32>
      %neg3A_324 = arith.subf %neg3A_323, %abs3A_321 : vector<16xf32>
      %exp3A_325 = math.exp %neg3A_324 : vector<16xf32>
      %add3A_326 = arith.constant 2.000000e+00 : f32
      %add3A_327 = vector.broadcast %add3A_326 : f32 to vector<16xf32>
      %add3A_328 = arith.addf %exp3A_325, %add3A_327 : vector<16xf32>
      %div3A_329 = arith.divf %exp3A_325, %add3A_328 : vector<16xf32>
      %mul3A_330 = arith.mulf %div3A_329, %div3A_329 : vector<16xf32>
      %mul3A_331 = arith.constant 0.111111112 : f32
      %mul3A_332 = vector.broadcast %mul3A_331 : f32 to vector<16xf32>
      %mul3A_333 = arith.mulf %mul3A_330, %mul3A_332 : vector<16xf32>
      %add3A_334 = arith.constant 0.142857149 : f32
      %add3A_335 = vector.broadcast %add3A_334 : f32 to vector<16xf32>
      %add3A_336 = arith.addf %mul3A_333, %add3A_335 : vector<16xf32>
      %mul3A_337 = arith.mulf %add3A_336, %mul3A_330 : vector<16xf32>
      %add3A_338 = arith.constant 2.000000e-01 : f32
      %add3A_339 = vector.broadcast %add3A_338 : f32 to vector<16xf32>
      %add3A_340 = arith.addf %mul3A_337, %add3A_339 : vector<16xf32>
      %mul3A_341 = arith.mulf %add3A_340, %mul3A_330 : vector<16xf32>
      %add3A_342 = arith.constant 0.333333343 : f32
      %add3A_343 = vector.broadcast %add3A_342 : f32 to vector<16xf32>
      %add3A_344 = arith.addf %mul3A_341, %add3A_343 : vector<16xf32>
      %mul3A_345 = arith.mulf %add3A_344, %mul3A_330 : vector<16xf32>
      %add3A_346 = arith.constant 1.000000e+00 : f32
      %add3A_347 = vector.broadcast %add3A_346 : f32 to vector<16xf32>
      %add3A_348 = arith.addf %mul3A_345, %add3A_347 : vector<16xf32>
      %min3A_349 = arith.constant 0.000000e+00 : f32
      %min3A_350 = vector.broadcast %min3A_349 : f32 to vector<16xf32>
      %min3A_351 = arith.minimumf %get3A_320, %min3A_350 : vector<16xf32>
      %mul3A_352 = arith.constant 2.000000e+00 : f32
      %mul3A_353 = vector.broadcast %mul3A_352 : f32 to vector<16xf32>
      %mul3A_354 = arith.mulf %mul3A_353, %div3A_329 : vector<16xf32>
      %mul3A_355 = arith.mulf %mul3A_354, %add3A_348 : vector<16xf32>
      %sub3A_356 = arith.subf %min3A_351, %mul3A_355 : vector<16xf32>
      %get3A_357 = arith.constant 48 : index
      %get3A_358 = tpu.vector_load %arg14[%get3A_357] {strides = array<i32>} : memref<256xi32, #tpu.memory_space<vmem>>, vector<16xi32>,
      %eq3A_359 = arith.cmpi eq, %get3A_358, %gather3A : vector<16xi32>
      %get3A_360 = arith.constant 48 : index
      %get3A_361 = tpu.vector_load %arg15[%get3A_360] {strides = array<i32>} : memref<256xi32, #tpu.memory_space<vmem>>, vector<16xi32>,
      %eq3A_362 = arith.cmpi eq, %get3A_361, %gather3A_65 : vector<16xi32>
      %and3A_363 = arith.andi %eq3A_359, %eq3A_362 : vector<16xi1>
      %select_n3A_364 = arith.select %and3A_363, %broadcast_in_dim3A_60, %broadcast_in_dim3A_58 : vector<16xi1>, vector<16xf32>
      %get3A_365 = arith.constant 48 : index
      %get3A_366 = tpu.vector_load %arg11[%get3A_365] {strides = array<i32>} : memref<256xi32, #tpu.memory_space<vmem>>, vector<16xi32>,
      %convert_element_type3A_367 = arith.sitofp %get3A_366 : vector<16xi32> to vector<16xf32>
      %get3A_368 = arith.constant 48 : index
      %get3A_369 = tpu.vector_load %arg12[%get3A_368] {strides = array<i32>} : memref<256xi32, #tpu.memory_space<vmem>>, vector<16xi32>,
      %convert_element_type3A_370 = arith.sitofp %get3A_369 : vector<16xi32> to vector<16xf32>
      %get3A_371 = arith.constant 48 : index
      %get3A_372 = tpu.vector_load %arg13[%get3A_371] {strides = array<i32>} : memref<256xi32, #tpu.memory_space<vmem>>, vector<16xi32>,
      %convert_element_type3A_373 = arith.sitofp %get3A_372 : vector<16xi32> to vector<16xf32>
      %mul3A_374 = arith.mulf %select_n3A_364, %convert_element_type3A_367 : vector<16xf32>
      %mul3A_375 = arith.mulf %select_n3A_364, %convert_element_type3A_370 : vector<16xf32>
      %mul3A_376 = arith.mulf %select_n3A_364, %convert_element_type3A_373 : vector<16xf32>
      %mul3A_377 = arith.mulf %mul3A_374, %convert_element_type3A_370 : vector<16xf32>
      %mul3A_378 = arith.mulf %mul3A_374, %convert_element_type3A_373 : vector<16xf32>
      %mul3A_379 = arith.mulf %mul3A_375, %convert_element_type3A_373 : vector<16xf32>
      %mul3A_380 = arith.mulf %mul3A_377, %convert_element_type3A_373 : vector<16xf32>
      %mul3A_381 = arith.mulf %sub3A_356, %select_n3A_364 : vector<16xf32>
      %add3A_382 = arith.addf %add3A_295, %mul3A_381 : vector<16xf32>
      %add3A_383 = arith.addf %add3A_296, %select_n3A_364 : vector<16xf32>
      %mul3A_384 = arith.mulf %sub3A_356, %mul3A_374 : vector<16xf32>
      %add3A_385 = arith.addf %add3A_298, %mul3A_384 : vector<16xf32>
      %add3A_386 = arith.addf %add3A_299, %mul3A_374 : vector<16xf32>
      %mul3A_387 = arith.mulf %sub3A_356, %mul3A_375 : vector<16xf32>
      %add3A_388 = arith.addf %add3A_301, %mul3A_387 : vector<16xf32>
      %add3A_389 = arith.addf %add3A_302, %mul3A_375 : vector<16xf32>
      %mul3A_390 = arith.mulf %sub3A_356, %mul3A_376 : vector<16xf32>
      %add3A_391 = arith.addf %add3A_304, %mul3A_390 : vector<16xf32>
      %add3A_392 = arith.addf %add3A_305, %mul3A_376 : vector<16xf32>
      %mul3A_393 = arith.mulf %sub3A_356, %mul3A_377 : vector<16xf32>
      %add3A_394 = arith.addf %add3A_307, %mul3A_393 : vector<16xf32>
      %add3A_395 = arith.addf %add3A_308, %mul3A_377 : vector<16xf32>
      %mul3A_396 = arith.mulf %sub3A_356, %mul3A_378 : vector<16xf32>
      %add3A_397 = arith.addf %add3A_310, %mul3A_396 : vector<16xf32>
      %add3A_398 = arith.addf %add3A_311, %mul3A_378 : vector<16xf32>
      %mul3A_399 = arith.mulf %sub3A_356, %mul3A_379 : vector<16xf32>
      %add3A_400 = arith.addf %add3A_313, %mul3A_399 : vector<16xf32>
      %add3A_401 = arith.addf %add3A_314, %mul3A_379 : vector<16xf32>
      %mul3A_402 = arith.mulf %sub3A_356, %mul3A_380 : vector<16xf32>
      %add3A_403 = arith.addf %add3A_316, %mul3A_402 : vector<16xf32>
      %add3A_404 = arith.addf %add3A_317, %mul3A_380 : vector<16xf32>
      %add3A_405 = arith.addf %add3A_318, %convert_element_type3A_367 : vector<16xf32>
      %get3A_406 = arith.constant 64 : index
      %get3A_407 = tpu.vector_load %arg10[%get3A_406] {strides = array<i32>} : memref<256xf32, #tpu.memory_space<vmem>>, vector<16xf32>,
      %abs3A_408 = math.absf %get3A_407 : vector<16xf32>
      %neg3A_409 = arith.constant 0.000000e+00 : f32
      %neg3A_410 = vector.broadcast %neg3A_409 : f32 to vector<16xf32>
      %neg3A_411 = arith.subf %neg3A_410, %abs3A_408 : vector<16xf32>
      %exp3A_412 = math.exp %neg3A_411 : vector<16xf32>
      %add3A_413 = arith.constant 2.000000e+00 : f32
      %add3A_414 = vector.broadcast %add3A_413 : f32 to vector<16xf32>
      %add3A_415 = arith.addf %exp3A_412, %add3A_414 : vector<16xf32>
      %div3A_416 = arith.divf %exp3A_412, %add3A_415 : vector<16xf32>
      %mul3A_417 = arith.mulf %div3A_416, %div3A_416 : vector<16xf32>
      %mul3A_418 = arith.constant 0.111111112 : f32
      %mul3A_419 = vector.broadcast %mul3A_418 : f32 to vector<16xf32>
      %mul3A_420 = arith.mulf %mul3A_417, %mul3A_419 : vector<16xf32>
      %add3A_421 = arith.constant 0.142857149 : f32
      %add3A_422 = vector.broadcast %add3A_421 : f32 to vector<16xf32>
      %add3A_423 = arith.addf %mul3A_420, %add3A_422 : vector<16xf32>
      %mul3A_424 = arith.mulf %add3A_423, %mul3A_417 : vector<16xf32>
      %add3A_425 = arith.constant 2.000000e-01 : f32
      %add3A_426 = vector.broadcast %add3A_425 : f32 to vector<16xf32>
      %add3A_427 = arith.addf %mul3A_424, %add3A_426 : vector<16xf32>
      %mul3A_428 = arith.mulf %add3A_427, %mul3A_417 : vector<16xf32>
      %add3A_429 = arith.constant 0.333333343 : f32
      %add3A_430 = vector.broadcast %add3A_429 : f32 to vector<16xf32>
      %add3A_431 = arith.addf %mul3A_428, %add3A_430 : vector<16xf32>
      %mul3A_432 = arith.mulf %add3A_431, %mul3A_417 : vector<16xf32>
      %add3A_433 = arith.constant 1.000000e+00 : f32
      %add3A_434 = vector.broadcast %add3A_433 : f32 to vector<16xf32>
      %add3A_435 = arith.addf %mul3A_432, %add3A_434 : vector<16xf32>
      %min3A_436 = arith.constant 0.000000e+00 : f32
      %min3A_437 = vector.broadcast %min3A_436 : f32 to vector<16xf32>
      %min3A_438 = arith.minimumf %get3A_407, %min3A_437 : vector<16xf32>
      %mul3A_439 = arith.constant 2.000000e+00 : f32
      %mul3A_440 = vector.broadcast %mul3A_439 : f32 to vector<16xf32>
      %mul3A_441 = arith.mulf %mul3A_440, %div3A_416 : vector<16xf32>
      %mul3A_442 = arith.mulf %mul3A_441, %add3A_435 : vector<16xf32>
      %sub3A_443 = arith.subf %min3A_438, %mul3A_442 : vector<16xf32>
      %get3A_444 = arith.constant 64 : index
      %get3A_445 = tpu.vector_load %arg14[%get3A_444] {strides = array<i32>} : memref<256xi32, #tpu.memory_space<vmem>>, vector<16xi32>,
      %eq3A_446 = arith.cmpi eq, %get3A_445, %gather3A : vector<16xi32>
      %get3A_447 = arith.constant 64 : index
      %get3A_448 = tpu.vector_load %arg15[%get3A_447] {strides = array<i32>} : memref<256xi32, #tpu.memory_space<vmem>>, vector<16xi32>,
      %eq3A_449 = arith.cmpi eq, %get3A_448, %gather3A_65 : vector<16xi32>
      %and3A_450 = arith.andi %eq3A_446, %eq3A_449 : vector<16xi1>
      %select_n3A_451 = arith.select %and3A_450, %broadcast_in_dim3A_60, %broadcast_in_dim3A_58 : vector<16xi1>, vector<16xf32>
      %get3A_452 = arith.constant 64 : index
      %get3A_453 = tpu.vector_load %arg11[%get3A_452] {strides = array<i32>} : memref<256xi32, #tpu.memory_space<vmem>>, vector<16xi32>,
      %convert_element_type3A_454 = arith.sitofp %get3A_453 : vector<16xi32> to vector<16xf32>
      %get3A_455 = arith.constant 64 : index
      %get3A_456 = tpu.vector_load %arg12[%get3A_455] {strides = array<i32>} : memref<256xi32, #tpu.memory_space<vmem>>, vector<16xi32>,
      %convert_element_type3A_457 = arith.sitofp %get3A_456 : vector<16xi32> to vector<16xf32>
      %get3A_458 = arith.constant 64 : index
      %get3A_459 = tpu.vector_load %arg13[%get3A_458] {strides = array<i32>} : memref<256xi32, #tpu.memory_space<vmem>>, vector<16xi32>,
      %convert_element_type3A_460 = arith.sitofp %get3A_459 : vector<16xi32> to vector<16xf32>
      %mul3A_461 = arith.mulf %select_n3A_451, %convert_element_type3A_454 : vector<16xf32>
      %mul3A_462 = arith.mulf %select_n3A_451, %convert_element_type3A_457 : vector<16xf32>
      %mul3A_463 = arith.mulf %select_n3A_451, %convert_element_type3A_460 : vector<16xf32>
      %mul3A_464 = arith.mulf %mul3A_461, %convert_element_type3A_457 : vector<16xf32>
      %mul3A_465 = arith.mulf %mul3A_461, %convert_element_type3A_460 : vector<16xf32>
      %mul3A_466 = arith.mulf %mul3A_462, %convert_element_type3A_460 : vector<16xf32>
      %mul3A_467 = arith.mulf %mul3A_464, %convert_element_type3A_460 : vector<16xf32>
      %mul3A_468 = arith.mulf %sub3A_443, %select_n3A_451 : vector<16xf32>
      %add3A_469 = arith.addf %add3A_382, %mul3A_468 : vector<16xf32>
      %add3A_470 = arith.addf %add3A_383, %select_n3A_451 : vector<16xf32>
      %mul3A_471 = arith.mulf %sub3A_443, %mul3A_461 : vector<16xf32>
      %add3A_472 = arith.addf %add3A_385, %mul3A_471 : vector<16xf32>
      %add3A_473 = arith.addf %add3A_386, %mul3A_461 : vector<16xf32>
      %mul3A_474 = arith.mulf %sub3A_443, %mul3A_462 : vector<16xf32>
      %add3A_475 = arith.addf %add3A_388, %mul3A_474 : vector<16xf32>
      %add3A_476 = arith.addf %add3A_389, %mul3A_462 : vector<16xf32>
      %mul3A_477 = arith.mulf %sub3A_443, %mul3A_463 : vector<16xf32>
      %add3A_478 = arith.addf %add3A_391, %mul3A_477 : vector<16xf32>
      %add3A_479 = arith.addf %add3A_392, %mul3A_463 : vector<16xf32>
      %mul3A_480 = arith.mulf %sub3A_443, %mul3A_464 : vector<16xf32>
      %add3A_481 = arith.addf %add3A_394, %mul3A_480 : vector<16xf32>
      %add3A_482 = arith.addf %add3A_395, %mul3A_464 : vector<16xf32>
      %mul3A_483 = arith.mulf %sub3A_443, %mul3A_465 : vector<16xf32>
      %add3A_484 = arith.addf %add3A_397, %mul3A_483 : vector<16xf32>
      %add3A_485 = arith.addf %add3A_398, %mul3A_465 : vector<16xf32>
      %mul3A_486 = arith.mulf %sub3A_443, %mul3A_466 : vector<16xf32>
      %add3A_487 = arith.addf %add3A_400, %mul3A_486 : vector<16xf32>
      %add3A_488 = arith.addf %add3A_401, %mul3A_466 : vector<16xf32>
      %mul3A_489 = arith.mulf %sub3A_443, %mul3A_467 : vector<16xf32>
      %add3A_490 = arith.addf %add3A_403, %mul3A_489 : vector<16xf32>
      %add3A_491 = arith.addf %add3A_404, %mul3A_467 : vector<16xf32>
      %add3A_492 = arith.addf %add3A_405, %convert_element_type3A_454 : vector<16xf32>
      %get3A_493 = arith.constant 80 : index
      %get3A_494 = tpu.vector_load %arg10[%get3A_493] {strides = array<i32>} : memref<256xf32, #tpu.memory_space<vmem>>, vector<16xf32>,
      %abs3A_495 = math.absf %get3A_494 : vector<16xf32>
      %neg3A_496 = arith.constant 0.000000e+00 : f32
      %neg3A_497 = vector.broadcast %neg3A_496 : f32 to vector<16xf32>
      %neg3A_498 = arith.subf %neg3A_497, %abs3A_495 : vector<16xf32>
      %exp3A_499 = math.exp %neg3A_498 : vector<16xf32>
      %add3A_500 = arith.constant 2.000000e+00 : f32
      %add3A_501 = vector.broadcast %add3A_500 : f32 to vector<16xf32>
      %add3A_502 = arith.addf %exp3A_499, %add3A_501 : vector<16xf32>
      %div3A_503 = arith.divf %exp3A_499, %add3A_502 : vector<16xf32>
      %mul3A_504 = arith.mulf %div3A_503, %div3A_503 : vector<16xf32>
      %mul3A_505 = arith.constant 0.111111112 : f32
      %mul3A_506 = vector.broadcast %mul3A_505 : f32 to vector<16xf32>
      %mul3A_507 = arith.mulf %mul3A_504, %mul3A_506 : vector<16xf32>
      %add3A_508 = arith.constant 0.142857149 : f32
      %add3A_509 = vector.broadcast %add3A_508 : f32 to vector<16xf32>
      %add3A_510 = arith.addf %mul3A_507, %add3A_509 : vector<16xf32>
      %mul3A_511 = arith.mulf %add3A_510, %mul3A_504 : vector<16xf32>
      %add3A_512 = arith.constant 2.000000e-01 : f32
      %add3A_513 = vector.broadcast %add3A_512 : f32 to vector<16xf32>
      %add3A_514 = arith.addf %mul3A_511, %add3A_513 : vector<16xf32>
      %mul3A_515 = arith.mulf %add3A_514, %mul3A_504 : vector<16xf32>
      %add3A_516 = arith.constant 0.333333343 : f32
      %add3A_517 = vector.broadcast %add3A_516 : f32 to vector<16xf32>
      %add3A_518 = arith.addf %mul3A_515, %add3A_517 : vector<16xf32>
      %mul3A_519 = arith.mulf %add3A_518, %mul3A_504 : vector<16xf32>
      %add3A_520 = arith.constant 1.000000e+00 : f32
      %add3A_521 = vector.broadcast %add3A_520 : f32 to vector<16xf32>
      %add3A_522 = arith.addf %mul3A_519, %add3A_521 : vector<16xf32>
      %min3A_523 = arith.constant 0.000000e+00 : f32
      %min3A_524 = vector.broadcast %min3A_523 : f32 to vector<16xf32>
      %min3A_525 = arith.minimumf %get3A_494, %min3A_524 : vector<16xf32>
      %mul3A_526 = arith.constant 2.000000e+00 : f32
      %mul3A_527 = vector.broadcast %mul3A_526 : f32 to vector<16xf32>
      %mul3A_528 = arith.mulf %mul3A_527, %div3A_503 : vector<16xf32>
      %mul3A_529 = arith.mulf %mul3A_528, %add3A_522 : vector<16xf32>
      %sub3A_530 = arith.subf %min3A_525, %mul3A_529 : vector<16xf32>
      %get3A_531 = arith.constant 80 : index
      %get3A_532 = tpu.vector_load %arg14[%get3A_531] {strides = array<i32>} : memref<256xi32, #tpu.memory_space<vmem>>, vector<16xi32>,
      %eq3A_533 = arith.cmpi eq, %get3A_532, %gather3A : vector<16xi32>
      %get3A_534 = arith.constant 80 : index
      %get3A_535 = tpu.vector_load %arg15[%get3A_534] {strides = array<i32>} : memref<256xi32, #tpu.memory_space<vmem>>, vector<16xi32>,
      %eq3A_536 = arith.cmpi eq, %get3A_535, %gather3A_65 : vector<16xi32>
      %and3A_537 = arith.andi %eq3A_533, %eq3A_536 : vector<16xi1>
      %select_n3A_538 = arith.select %and3A_537, %broadcast_in_dim3A_60, %broadcast_in_dim3A_58 : vector<16xi1>, vector<16xf32>
      %get3A_539 = arith.constant 80 : index
      %get3A_540 = tpu.vector_load %arg11[%get3A_539] {strides = array<i32>} : memref<256xi32, #tpu.memory_space<vmem>>, vector<16xi32>,
      %convert_element_type3A_541 = arith.sitofp %get3A_540 : vector<16xi32> to vector<16xf32>
      %get3A_542 = arith.constant 80 : index
      %get3A_543 = tpu.vector_load %arg12[%get3A_542] {strides = array<i32>} : memref<256xi32, #tpu.memory_space<vmem>>, vector<16xi32>,
      %convert_element_type3A_544 = arith.sitofp %get3A_543 : vector<16xi32> to vector<16xf32>
      %get3A_545 = arith.constant 80 : index
      %get3A_546 = tpu.vector_load %arg13[%get3A_545] {strides = array<i32>} : memref<256xi32, #tpu.memory_space<vmem>>, vector<16xi32>,
      %convert_element_type3A_547 = arith.sitofp %get3A_546 : vector<16xi32> to vector<16xf32>
      %mul3A_548 = arith.mulf %select_n3A_538, %convert_element_type3A_541 : vector<16xf32>
      %mul3A_549 = arith.mulf %select_n3A_538, %convert_element_type3A_544 : vector<16xf32>
      %mul3A_550 = arith.mulf %select_n3A_538, %convert_element_type3A_547 : vector<16xf32>
      %mul3A_551 = arith.mulf %mul3A_548, %convert_element_type3A_544 : vector<16xf32>
      %mul3A_552 = arith.mulf %mul3A_548, %convert_element_type3A_547 : vector<16xf32>
      %mul3A_553 = arith.mulf %mul3A_549, %convert_element_type3A_547 : vector<16xf32>
      %mul3A_554 = arith.mulf %mul3A_551, %convert_element_type3A_547 : vector<16xf32>
      %mul3A_555 = arith.mulf %sub3A_530, %select_n3A_538 : vector<16xf32>
      %add3A_556 = arith.addf %add3A_469, %mul3A_555 : vector<16xf32>
      %add3A_557 = arith.addf %add3A_470, %select_n3A_538 : vector<16xf32>
      %mul3A_558 = arith.mulf %sub3A_530, %mul3A_548 : vector<16xf32>
      %add3A_559 = arith.addf %add3A_472, %mul3A_558 : vector<16xf32>
      %add3A_560 = arith.addf %add3A_473, %mul3A_548 : vector<16xf32>
      %mul3A_561 = arith.mulf %sub3A_530, %mul3A_549 : vector<16xf32>
      %add3A_562 = arith.addf %add3A_475, %mul3A_561 : vector<16xf32>
      %add3A_563 = arith.addf %add3A_476, %mul3A_549 : vector<16xf32>
      %mul3A_564 = arith.mulf %sub3A_530, %mul3A_550 : vector<16xf32>
      %add3A_565 = arith.addf %add3A_478, %mul3A_564 : vector<16xf32>
      %add3A_566 = arith.addf %add3A_479, %mul3A_550 : vector<16xf32>
      %mul3A_567 = arith.mulf %sub3A_530, %mul3A_551 : vector<16xf32>
      %add3A_568 = arith.addf %add3A_481, %mul3A_567 : vector<16xf32>
      %add3A_569 = arith.addf %add3A_482, %mul3A_551 : vector<16xf32>
      %mul3A_570 = arith.mulf %sub3A_530, %mul3A_552 : vector<16xf32>
      %add3A_571 = arith.addf %add3A_484, %mul3A_570 : vector<16xf32>
      %add3A_572 = arith.addf %add3A_485, %mul3A_552 : vector<16xf32>
      %mul3A_573 = arith.mulf %sub3A_530, %mul3A_553 : vector<16xf32>
      %add3A_574 = arith.addf %add3A_487, %mul3A_573 : vector<16xf32>
      %add3A_575 = arith.addf %add3A_488, %mul3A_553 : vector<16xf32>
      %mul3A_576 = arith.mulf %sub3A_530, %mul3A_554 : vector<16xf32>
      %add3A_577 = arith.addf %add3A_490, %mul3A_576 : vector<16xf32>
      %add3A_578 = arith.addf %add3A_491, %mul3A_554 : vector<16xf32>
      %add3A_579 = arith.addf %add3A_492, %convert_element_type3A_541 : vector<16xf32>
      %get3A_580 = arith.constant 96 : index
      %get3A_581 = tpu.vector_load %arg10[%get3A_580] {strides = array<i32>} : memref<256xf32, #tpu.memory_space<vmem>>, vector<16xf32>,
      %abs3A_582 = math.absf %get3A_581 : vector<16xf32>
      %neg3A_583 = arith.constant 0.000000e+00 : f32
      %neg3A_584 = vector.broadcast %neg3A_583 : f32 to vector<16xf32>
      %neg3A_585 = arith.subf %neg3A_584, %abs3A_582 : vector<16xf32>
      %exp3A_586 = math.exp %neg3A_585 : vector<16xf32>
      %add3A_587 = arith.constant 2.000000e+00 : f32
      %add3A_588 = vector.broadcast %add3A_587 : f32 to vector<16xf32>
      %add3A_589 = arith.addf %exp3A_586, %add3A_588 : vector<16xf32>
      %div3A_590 = arith.divf %exp3A_586, %add3A_589 : vector<16xf32>
      %mul3A_591 = arith.mulf %div3A_590, %div3A_590 : vector<16xf32>
      %mul3A_592 = arith.constant 0.111111112 : f32
      %mul3A_593 = vector.broadcast %mul3A_592 : f32 to vector<16xf32>
      %mul3A_594 = arith.mulf %mul3A_591, %mul3A_593 : vector<16xf32>
      %add3A_595 = arith.constant 0.142857149 : f32
      %add3A_596 = vector.broadcast %add3A_595 : f32 to vector<16xf32>
      %add3A_597 = arith.addf %mul3A_594, %add3A_596 : vector<16xf32>
      %mul3A_598 = arith.mulf %add3A_597, %mul3A_591 : vector<16xf32>
      %add3A_599 = arith.constant 2.000000e-01 : f32
      %add3A_600 = vector.broadcast %add3A_599 : f32 to vector<16xf32>
      %add3A_601 = arith.addf %mul3A_598, %add3A_600 : vector<16xf32>
      %mul3A_602 = arith.mulf %add3A_601, %mul3A_591 : vector<16xf32>
      %add3A_603 = arith.constant 0.333333343 : f32
      %add3A_604 = vector.broadcast %add3A_603 : f32 to vector<16xf32>
      %add3A_605 = arith.addf %mul3A_602, %add3A_604 : vector<16xf32>
      %mul3A_606 = arith.mulf %add3A_605, %mul3A_591 : vector<16xf32>
      %add3A_607 = arith.constant 1.000000e+00 : f32
      %add3A_608 = vector.broadcast %add3A_607 : f32 to vector<16xf32>
      %add3A_609 = arith.addf %mul3A_606, %add3A_608 : vector<16xf32>
      %min3A_610 = arith.constant 0.000000e+00 : f32
      %min3A_611 = vector.broadcast %min3A_610 : f32 to vector<16xf32>
      %min3A_612 = arith.minimumf %get3A_581, %min3A_611 : vector<16xf32>
      %mul3A_613 = arith.constant 2.000000e+00 : f32
      %mul3A_614 = vector.broadcast %mul3A_613 : f32 to vector<16xf32>
      %mul3A_615 = arith.mulf %mul3A_614, %div3A_590 : vector<16xf32>
      %mul3A_616 = arith.mulf %mul3A_615, %add3A_609 : vector<16xf32>
      %sub3A_617 = arith.subf %min3A_612, %mul3A_616 : vector<16xf32>
      %get3A_618 = arith.constant 96 : index
      %get3A_619 = tpu.vector_load %arg14[%get3A_618] {strides = array<i32>} : memref<256xi32, #tpu.memory_space<vmem>>, vector<16xi32>,
      %eq3A_620 = arith.cmpi eq, %get3A_619, %gather3A : vector<16xi32>
      %get3A_621 = arith.constant 96 : index
      %get3A_622 = tpu.vector_load %arg15[%get3A_621] {strides = array<i32>} : memref<256xi32, #tpu.memory_space<vmem>>, vector<16xi32>,
      %eq3A_623 = arith.cmpi eq, %get3A_622, %gather3A_65 : vector<16xi32>
      %and3A_624 = arith.andi %eq3A_620, %eq3A_623 : vector<16xi1>
      %select_n3A_625 = arith.select %and3A_624, %broadcast_in_dim3A_60, %broadcast_in_dim3A_58 : vector<16xi1>, vector<16xf32>
      %get3A_626 = arith.constant 96 : index
      %get3A_627 = tpu.vector_load %arg11[%get3A_626] {strides = array<i32>} : memref<256xi32, #tpu.memory_space<vmem>>, vector<16xi32>,
      %convert_element_type3A_628 = arith.sitofp %get3A_627 : vector<16xi32> to vector<16xf32>
      %get3A_629 = arith.constant 96 : index
      %get3A_630 = tpu.vector_load %arg12[%get3A_629] {strides = array<i32>} : memref<256xi32, #tpu.memory_space<vmem>>, vector<16xi32>,
      %convert_element_type3A_631 = arith.sitofp %get3A_630 : vector<16xi32> to vector<16xf32>
      %get3A_632 = arith.constant 96 : index
      %get3A_633 = tpu.vector_load %arg13[%get3A_632] {strides = array<i32>} : memref<256xi32, #tpu.memory_space<vmem>>, vector<16xi32>,
      %convert_element_type3A_634 = arith.sitofp %get3A_633 : vector<16xi32> to vector<16xf32>
      %mul3A_635 = arith.mulf %select_n3A_625, %convert_element_type3A_628 : vector<16xf32>
      %mul3A_636 = arith.mulf %select_n3A_625, %convert_element_type3A_631 : vector<16xf32>
      %mul3A_637 = arith.mulf %select_n3A_625, %convert_element_type3A_634 : vector<16xf32>
      %mul3A_638 = arith.mulf %mul3A_635, %convert_element_type3A_631 : vector<16xf32>
      %mul3A_639 = arith.mulf %mul3A_635, %convert_element_type3A_634 : vector<16xf32>
      %mul3A_640 = arith.mulf %mul3A_636, %convert_element_type3A_634 : vector<16xf32>
      %mul3A_641 = arith.mulf %mul3A_638, %convert_element_type3A_634 : vector<16xf32>
      %mul3A_642 = arith.mulf %sub3A_617, %select_n3A_625 : vector<16xf32>
      %add3A_643 = arith.addf %add3A_556, %mul3A_642 : vector<16xf32>
      %add3A_644 = arith.addf %add3A_557, %select_n3A_625 : vector<16xf32>
      %mul3A_645 = arith.mulf %sub3A_617, %mul3A_635 : vector<16xf32>
      %add3A_646 = arith.addf %add3A_559, %mul3A_645 : vector<16xf32>
      %add3A_647 = arith.addf %add3A_560, %mul3A_635 : vector<16xf32>
      %mul3A_648 = arith.mulf %sub3A_617, %mul3A_636 : vector<16xf32>
      %add3A_649 = arith.addf %add3A_562, %mul3A_648 : vector<16xf32>
      %add3A_650 = arith.addf %add3A_563, %mul3A_636 : vector<16xf32>
      %mul3A_651 = arith.mulf %sub3A_617, %mul3A_637 : vector<16xf32>
      %add3A_652 = arith.addf %add3A_565, %mul3A_651 : vector<16xf32>
      %add3A_653 = arith.addf %add3A_566, %mul3A_637 : vector<16xf32>
      %mul3A_654 = arith.mulf %sub3A_617, %mul3A_638 : vector<16xf32>
      %add3A_655 = arith.addf %add3A_568, %mul3A_654 : vector<16xf32>
      %add3A_656 = arith.addf %add3A_569, %mul3A_638 : vector<16xf32>
      %mul3A_657 = arith.mulf %sub3A_617, %mul3A_639 : vector<16xf32>
      %add3A_658 = arith.addf %add3A_571, %mul3A_657 : vector<16xf32>
      %add3A_659 = arith.addf %add3A_572, %mul3A_639 : vector<16xf32>
      %mul3A_660 = arith.mulf %sub3A_617, %mul3A_640 : vector<16xf32>
      %add3A_661 = arith.addf %add3A_574, %mul3A_660 : vector<16xf32>
      %add3A_662 = arith.addf %add3A_575, %mul3A_640 : vector<16xf32>
      %mul3A_663 = arith.mulf %sub3A_617, %mul3A_641 : vector<16xf32>
      %add3A_664 = arith.addf %add3A_577, %mul3A_663 : vector<16xf32>
      %add3A_665 = arith.addf %add3A_578, %mul3A_641 : vector<16xf32>
      %add3A_666 = arith.addf %add3A_579, %convert_element_type3A_628 : vector<16xf32>
      %get3A_667 = arith.constant 112 : index
      %get3A_668 = tpu.vector_load %arg10[%get3A_667] {strides = array<i32>} : memref<256xf32, #tpu.memory_space<vmem>>, vector<16xf32>,
      %abs3A_669 = math.absf %get3A_668 : vector<16xf32>
      %neg3A_670 = arith.constant 0.000000e+00 : f32
      %neg3A_671 = vector.broadcast %neg3A_670 : f32 to vector<16xf32>
      %neg3A_672 = arith.subf %neg3A_671, %abs3A_669 : vector<16xf32>
      %exp3A_673 = math.exp %neg3A_672 : vector<16xf32>
      %add3A_674 = arith.constant 2.000000e+00 : f32
      %add3A_675 = vector.broadcast %add3A_674 : f32 to vector<16xf32>
      %add3A_676 = arith.addf %exp3A_673, %add3A_675 : vector<16xf32>
      %div3A_677 = arith.divf %exp3A_673, %add3A_676 : vector<16xf32>
      %mul3A_678 = arith.mulf %div3A_677, %div3A_677 : vector<16xf32>
      %mul3A_679 = arith.constant 0.111111112 : f32
      %mul3A_680 = vector.broadcast %mul3A_679 : f32 to vector<16xf32>
      %mul3A_681 = arith.mulf %mul3A_678, %mul3A_680 : vector<16xf32>
      %add3A_682 = arith.constant 0.142857149 : f32
      %add3A_683 = vector.broadcast %add3A_682 : f32 to vector<16xf32>
      %add3A_684 = arith.addf %mul3A_681, %add3A_683 : vector<16xf32>
      %mul3A_685 = arith.mulf %add3A_684, %mul3A_678 : vector<16xf32>
      %add3A_686 = arith.constant 2.000000e-01 : f32
      %add3A_687 = vector.broadcast %add3A_686 : f32 to vector<16xf32>
      %add3A_688 = arith.addf %mul3A_685, %add3A_687 : vector<16xf32>
      %mul3A_689 = arith.mulf %add3A_688, %mul3A_678 : vector<16xf32>
      %add3A_690 = arith.constant 0.333333343 : f32
      %add3A_691 = vector.broadcast %add3A_690 : f32 to vector<16xf32>
      %add3A_692 = arith.addf %mul3A_689, %add3A_691 : vector<16xf32>
      %mul3A_693 = arith.mulf %add3A_692, %mul3A_678 : vector<16xf32>
      %add3A_694 = arith.constant 1.000000e+00 : f32
      %add3A_695 = vector.broadcast %add3A_694 : f32 to vector<16xf32>
      %add3A_696 = arith.addf %mul3A_693, %add3A_695 : vector<16xf32>
      %min3A_697 = arith.constant 0.000000e+00 : f32
      %min3A_698 = vector.broadcast %min3A_697 : f32 to vector<16xf32>
      %min3A_699 = arith.minimumf %get3A_668, %min3A_698 : vector<16xf32>
      %mul3A_700 = arith.constant 2.000000e+00 : f32
      %mul3A_701 = vector.broadcast %mul3A_700 : f32 to vector<16xf32>
      %mul3A_702 = arith.mulf %mul3A_701, %div3A_677 : vector<16xf32>
      %mul3A_703 = arith.mulf %mul3A_702, %add3A_696 : vector<16xf32>
      %sub3A_704 = arith.subf %min3A_699, %mul3A_703 : vector<16xf32>
      %get3A_705 = arith.constant 112 : index
      %get3A_706 = tpu.vector_load %arg14[%get3A_705] {strides = array<i32>} : memref<256xi32, #tpu.memory_space<vmem>>, vector<16xi32>,
      %eq3A_707 = arith.cmpi eq, %get3A_706, %gather3A : vector<16xi32>
      %get3A_708 = arith.constant 112 : index
      %get3A_709 = tpu.vector_load %arg15[%get3A_708] {strides = array<i32>} : memref<256xi32, #tpu.memory_space<vmem>>, vector<16xi32>,
      %eq3A_710 = arith.cmpi eq, %get3A_709, %gather3A_65 : vector<16xi32>
      %and3A_711 = arith.andi %eq3A_707, %eq3A_710 : vector<16xi1>
      %select_n3A_712 = arith.select %and3A_711, %broadcast_in_dim3A_60, %broadcast_in_dim3A_58 : vector<16xi1>, vector<16xf32>
      %get3A_713 = arith.constant 112 : index
      %get3A_714 = tpu.vector_load %arg11[%get3A_713] {strides = array<i32>} : memref<256xi32, #tpu.memory_space<vmem>>, vector<16xi32>,
      %convert_element_type3A_715 = arith.sitofp %get3A_714 : vector<16xi32> to vector<16xf32>
      %get3A_716 = arith.constant 112 : index
      %get3A_717 = tpu.vector_load %arg12[%get3A_716] {strides = array<i32>} : memref<256xi32, #tpu.memory_space<vmem>>, vector<16xi32>,
      %convert_element_type3A_718 = arith.sitofp %get3A_717 : vector<16xi32> to vector<16xf32>
      %get3A_719 = arith.constant 112 : index
      %get3A_720 = tpu.vector_load %arg13[%get3A_719] {strides = array<i32>} : memref<256xi32, #tpu.memory_space<vmem>>, vector<16xi32>,
      %convert_element_type3A_721 = arith.sitofp %get3A_720 : vector<16xi32> to vector<16xf32>
      %mul3A_722 = arith.mulf %select_n3A_712, %convert_element_type3A_715 : vector<16xf32>
      %mul3A_723 = arith.mulf %select_n3A_712, %convert_element_type3A_718 : vector<16xf32>
      %mul3A_724 = arith.mulf %select_n3A_712, %convert_element_type3A_721 : vector<16xf32>
      %mul3A_725 = arith.mulf %mul3A_722, %convert_element_type3A_718 : vector<16xf32>
      %mul3A_726 = arith.mulf %mul3A_722, %convert_element_type3A_721 : vector<16xf32>
      %mul3A_727 = arith.mulf %mul3A_723, %convert_element_type3A_721 : vector<16xf32>
      %mul3A_728 = arith.mulf %mul3A_725, %convert_element_type3A_721 : vector<16xf32>
      %mul3A_729 = arith.mulf %sub3A_704, %select_n3A_712 : vector<16xf32>
      %add3A_730 = arith.addf %add3A_643, %mul3A_729 : vector<16xf32>
      %add3A_731 = arith.addf %add3A_644, %select_n3A_712 : vector<16xf32>
      %mul3A_732 = arith.mulf %sub3A_704, %mul3A_722 : vector<16xf32>
      %add3A_733 = arith.addf %add3A_646, %mul3A_732 : vector<16xf32>
      %add3A_734 = arith.addf %add3A_647, %mul3A_722 : vector<16xf32>
      %mul3A_735 = arith.mulf %sub3A_704, %mul3A_723 : vector<16xf32>
      %add3A_736 = arith.addf %add3A_649, %mul3A_735 : vector<16xf32>
      %add3A_737 = arith.addf %add3A_650, %mul3A_723 : vector<16xf32>
      %mul3A_738 = arith.mulf %sub3A_704, %mul3A_724 : vector<16xf32>
      %add3A_739 = arith.addf %add3A_652, %mul3A_738 : vector<16xf32>
      %add3A_740 = arith.addf %add3A_653, %mul3A_724 : vector<16xf32>
      %mul3A_741 = arith.mulf %sub3A_704, %mul3A_725 : vector<16xf32>
      %add3A_742 = arith.addf %add3A_655, %mul3A_741 : vector<16xf32>
      %add3A_743 = arith.addf %add3A_656, %mul3A_725 : vector<16xf32>
      %mul3A_744 = arith.mulf %sub3A_704, %mul3A_726 : vector<16xf32>
      %add3A_745 = arith.addf %add3A_658, %mul3A_744 : vector<16xf32>
      %add3A_746 = arith.addf %add3A_659, %mul3A_726 : vector<16xf32>
      %mul3A_747 = arith.mulf %sub3A_704, %mul3A_727 : vector<16xf32>
      %add3A_748 = arith.addf %add3A_661, %mul3A_747 : vector<16xf32>
      %add3A_749 = arith.addf %add3A_662, %mul3A_727 : vector<16xf32>
      %mul3A_750 = arith.mulf %sub3A_704, %mul3A_728 : vector<16xf32>
      %add3A_751 = arith.addf %add3A_664, %mul3A_750 : vector<16xf32>
      %add3A_752 = arith.addf %add3A_665, %mul3A_728 : vector<16xf32>
      %add3A_753 = arith.addf %add3A_666, %convert_element_type3A_715 : vector<16xf32>
      %get3A_754 = arith.constant 128 : index
      %get3A_755 = tpu.vector_load %arg10[%get3A_754] {strides = array<i32>} : memref<256xf32, #tpu.memory_space<vmem>>, vector<16xf32>,
      %abs3A_756 = math.absf %get3A_755 : vector<16xf32>
      %neg3A_757 = arith.constant 0.000000e+00 : f32
      %neg3A_758 = vector.broadcast %neg3A_757 : f32 to vector<16xf32>
      %neg3A_759 = arith.subf %neg3A_758, %abs3A_756 : vector<16xf32>
      %exp3A_760 = math.exp %neg3A_759 : vector<16xf32>
      %add3A_761 = arith.constant 2.000000e+00 : f32
      %add3A_762 = vector.broadcast %add3A_761 : f32 to vector<16xf32>
      %add3A_763 = arith.addf %exp3A_760, %add3A_762 : vector<16xf32>
      %div3A_764 = arith.divf %exp3A_760, %add3A_763 : vector<16xf32>
      %mul3A_765 = arith.mulf %div3A_764, %div3A_764 : vector<16xf32>
      %mul3A_766 = arith.constant 0.111111112 : f32
      %mul3A_767 = vector.broadcast %mul3A_766 : f32 to vector<16xf32>
      %mul3A_768 = arith.mulf %mul3A_765, %mul3A_767 : vector<16xf32>
      %add3A_769 = arith.constant 0.142857149 : f32
      %add3A_770 = vector.broadcast %add3A_769 : f32 to vector<16xf32>
      %add3A_771 = arith.addf %mul3A_768, %add3A_770 : vector<16xf32>
      %mul3A_772 = arith.mulf %add3A_771, %mul3A_765 : vector<16xf32>
      %add3A_773 = arith.constant 2.000000e-01 : f32
      %add3A_774 = vector.broadcast %add3A_773 : f32 to vector<16xf32>
      %add3A_775 = arith.addf %mul3A_772, %add3A_774 : vector<16xf32>
      %mul3A_776 = arith.mulf %add3A_775, %mul3A_765 : vector<16xf32>
      %add3A_777 = arith.constant 0.333333343 : f32
      %add3A_778 = vector.broadcast %add3A_777 : f32 to vector<16xf32>
      %add3A_779 = arith.addf %mul3A_776, %add3A_778 : vector<16xf32>
      %mul3A_780 = arith.mulf %add3A_779, %mul3A_765 : vector<16xf32>
      %add3A_781 = arith.constant 1.000000e+00 : f32
      %add3A_782 = vector.broadcast %add3A_781 : f32 to vector<16xf32>
      %add3A_783 = arith.addf %mul3A_780, %add3A_782 : vector<16xf32>
      %min3A_784 = arith.constant 0.000000e+00 : f32
      %min3A_785 = vector.broadcast %min3A_784 : f32 to vector<16xf32>
      %min3A_786 = arith.minimumf %get3A_755, %min3A_785 : vector<16xf32>
      %mul3A_787 = arith.constant 2.000000e+00 : f32
      %mul3A_788 = vector.broadcast %mul3A_787 : f32 to vector<16xf32>
      %mul3A_789 = arith.mulf %mul3A_788, %div3A_764 : vector<16xf32>
      %mul3A_790 = arith.mulf %mul3A_789, %add3A_783 : vector<16xf32>
      %sub3A_791 = arith.subf %min3A_786, %mul3A_790 : vector<16xf32>
      %get3A_792 = arith.constant 128 : index
      %get3A_793 = tpu.vector_load %arg14[%get3A_792] {strides = array<i32>} : memref<256xi32, #tpu.memory_space<vmem>>, vector<16xi32>,
      %eq3A_794 = arith.cmpi eq, %get3A_793, %gather3A : vector<16xi32>
      %get3A_795 = arith.constant 128 : index
      %get3A_796 = tpu.vector_load %arg15[%get3A_795] {strides = array<i32>} : memref<256xi32, #tpu.memory_space<vmem>>, vector<16xi32>,
      %eq3A_797 = arith.cmpi eq, %get3A_796, %gather3A_65 : vector<16xi32>
      %and3A_798 = arith.andi %eq3A_794, %eq3A_797 : vector<16xi1>
      %select_n3A_799 = arith.select %and3A_798, %broadcast_in_dim3A_60, %broadcast_in_dim3A_58 : vector<16xi1>, vector<16xf32>
      %get3A_800 = arith.constant 128 : index
      %get3A_801 = tpu.vector_load %arg11[%get3A_800] {strides = array<i32>} : memref<256xi32, #tpu.memory_space<vmem>>, vector<16xi32>,
      %convert_element_type3A_802 = arith.sitofp %get3A_801 : vector<16xi32> to vector<16xf32>
      %get3A_803 = arith.constant 128 : index
      %get3A_804 = tpu.vector_load %arg12[%get3A_803] {strides = array<i32>} : memref<256xi32, #tpu.memory_space<vmem>>, vector<16xi32>,
      %convert_element_type3A_805 = arith.sitofp %get3A_804 : vector<16xi32> to vector<16xf32>
      %get3A_806 = arith.constant 128 : index
      %get3A_807 = tpu.vector_load %arg13[%get3A_806] {strides = array<i32>} : memref<256xi32, #tpu.memory_space<vmem>>, vector<16xi32>,
      %convert_element_type3A_808 = arith.sitofp %get3A_807 : vector<16xi32> to vector<16xf32>
      %mul3A_809 = arith.mulf %select_n3A_799, %convert_element_type3A_802 : vector<16xf32>
      %mul3A_810 = arith.mulf %select_n3A_799, %convert_element_type3A_805 : vector<16xf32>
      %mul3A_811 = arith.mulf %select_n3A_799, %convert_element_type3A_808 : vector<16xf32>
      %mul3A_812 = arith.mulf %mul3A_809, %convert_element_type3A_805 : vector<16xf32>
      %mul3A_813 = arith.mulf %mul3A_809, %convert_element_type3A_808 : vector<16xf32>
      %mul3A_814 = arith.mulf %mul3A_810, %convert_element_type3A_808 : vector<16xf32>
      %mul3A_815 = arith.mulf %mul3A_812, %convert_element_type3A_808 : vector<16xf32>
      %mul3A_816 = arith.mulf %sub3A_791, %select_n3A_799 : vector<16xf32>
      %add3A_817 = arith.addf %add3A_730, %mul3A_816 : vector<16xf32>
      %add3A_818 = arith.addf %add3A_731, %select_n3A_799 : vector<16xf32>
      %mul3A_819 = arith.mulf %sub3A_791, %mul3A_809 : vector<16xf32>
      %add3A_820 = arith.addf %add3A_733, %mul3A_819 : vector<16xf32>
      %add3A_821 = arith.addf %add3A_734, %mul3A_809 : vector<16xf32>
      %mul3A_822 = arith.mulf %sub3A_791, %mul3A_810 : vector<16xf32>
      %add3A_823 = arith.addf %add3A_736, %mul3A_822 : vector<16xf32>
      %add3A_824 = arith.addf %add3A_737, %mul3A_810 : vector<16xf32>
      %mul3A_825 = arith.mulf %sub3A_791, %mul3A_811 : vector<16xf32>
      %add3A_826 = arith.addf %add3A_739, %mul3A_825 : vector<16xf32>
      %add3A_827 = arith.addf %add3A_740, %mul3A_811 : vector<16xf32>
      %mul3A_828 = arith.mulf %sub3A_791, %mul3A_812 : vector<16xf32>
      %add3A_829 = arith.addf %add3A_742, %mul3A_828 : vector<16xf32>
      %add3A_830 = arith.addf %add3A_743, %mul3A_812 : vector<16xf32>
      %mul3A_831 = arith.mulf %sub3A_791, %mul3A_813 : vector<16xf32>
      %add3A_832 = arith.addf %add3A_745, %mul3A_831 : vector<16xf32>
      %add3A_833 = arith.addf %add3A_746, %mul3A_813 : vector<16xf32>
      %mul3A_834 = arith.mulf %sub3A_791, %mul3A_814 : vector<16xf32>
      %add3A_835 = arith.addf %add3A_748, %mul3A_834 : vector<16xf32>
      %add3A_836 = arith.addf %add3A_749, %mul3A_814 : vector<16xf32>
      %mul3A_837 = arith.mulf %sub3A_791, %mul3A_815 : vector<16xf32>
      %add3A_838 = arith.addf %add3A_751, %mul3A_837 : vector<16xf32>
      %add3A_839 = arith.addf %add3A_752, %mul3A_815 : vector<16xf32>
      %add3A_840 = arith.addf %add3A_753, %convert_element_type3A_802 : vector<16xf32>
      %get3A_841 = arith.constant 144 : index
      %get3A_842 = tpu.vector_load %arg10[%get3A_841] {strides = array<i32>} : memref<256xf32, #tpu.memory_space<vmem>>, vector<16xf32>,
      %abs3A_843 = math.absf %get3A_842 : vector<16xf32>
      %neg3A_844 = arith.constant 0.000000e+00 : f32
      %neg3A_845 = vector.broadcast %neg3A_844 : f32 to vector<16xf32>
      %neg3A_846 = arith.subf %neg3A_845, %abs3A_843 : vector<16xf32>
      %exp3A_847 = math.exp %neg3A_846 : vector<16xf32>
      %add3A_848 = arith.constant 2.000000e+00 : f32
      %add3A_849 = vector.broadcast %add3A_848 : f32 to vector<16xf32>
      %add3A_850 = arith.addf %exp3A_847, %add3A_849 : vector<16xf32>
      %div3A_851 = arith.divf %exp3A_847, %add3A_850 : vector<16xf32>
      %mul3A_852 = arith.mulf %div3A_851, %div3A_851 : vector<16xf32>
      %mul3A_853 = arith.constant 0.111111112 : f32
      %mul3A_854 = vector.broadcast %mul3A_853 : f32 to vector<16xf32>
      %mul3A_855 = arith.mulf %mul3A_852, %mul3A_854 : vector<16xf32>
      %add3A_856 = arith.constant 0.142857149 : f32
      %add3A_857 = vector.broadcast %add3A_856 : f32 to vector<16xf32>
      %add3A_858 = arith.addf %mul3A_855, %add3A_857 : vector<16xf32>
      %mul3A_859 = arith.mulf %add3A_858, %mul3A_852 : vector<16xf32>
      %add3A_860 = arith.constant 2.000000e-01 : f32
      %add3A_861 = vector.broadcast %add3A_860 : f32 to vector<16xf32>
      %add3A_862 = arith.addf %mul3A_859, %add3A_861 : vector<16xf32>
      %mul3A_863 = arith.mulf %add3A_862, %mul3A_852 : vector<16xf32>
      %add3A_864 = arith.constant 0.333333343 : f32
      %add3A_865 = vector.broadcast %add3A_864 : f32 to vector<16xf32>
      %add3A_866 = arith.addf %mul3A_863, %add3A_865 : vector<16xf32>
      %mul3A_867 = arith.mulf %add3A_866, %mul3A_852 : vector<16xf32>
      %add3A_868 = arith.constant 1.000000e+00 : f32
      %add3A_869 = vector.broadcast %add3A_868 : f32 to vector<16xf32>
      %add3A_870 = arith.addf %mul3A_867, %add3A_869 : vector<16xf32>
      %min3A_871 = arith.constant 0.000000e+00 : f32
      %min3A_872 = vector.broadcast %min3A_871 : f32 to vector<16xf32>
      %min3A_873 = arith.minimumf %get3A_842, %min3A_872 : vector<16xf32>
      %mul3A_874 = arith.constant 2.000000e+00 : f32
      %mul3A_875 = vector.broadcast %mul3A_874 : f32 to vector<16xf32>
      %mul3A_876 = arith.mulf %mul3A_875, %div3A_851 : vector<16xf32>
      %mul3A_877 = arith.mulf %mul3A_876, %add3A_870 : vector<16xf32>
      %sub3A_878 = arith.subf %min3A_873, %mul3A_877 : vector<16xf32>
      %get3A_879 = arith.constant 144 : index
      %get3A_880 = tpu.vector_load %arg14[%get3A_879] {strides = array<i32>} : memref<256xi32, #tpu.memory_space<vmem>>, vector<16xi32>,
      %eq3A_881 = arith.cmpi eq, %get3A_880, %gather3A : vector<16xi32>
      %get3A_882 = arith.constant 144 : index
      %get3A_883 = tpu.vector_load %arg15[%get3A_882] {strides = array<i32>} : memref<256xi32, #tpu.memory_space<vmem>>, vector<16xi32>,
      %eq3A_884 = arith.cmpi eq, %get3A_883, %gather3A_65 : vector<16xi32>
      %and3A_885 = arith.andi %eq3A_881, %eq3A_884 : vector<16xi1>
      %select_n3A_886 = arith.select %and3A_885, %broadcast_in_dim3A_60, %broadcast_in_dim3A_58 : vector<16xi1>, vector<16xf32>
      %get3A_887 = arith.constant 144 : index
      %get3A_888 = tpu.vector_load %arg11[%get3A_887] {strides = array<i32>} : memref<256xi32, #tpu.memory_space<vmem>>, vector<16xi32>,
      %convert_element_type3A_889 = arith.sitofp %get3A_888 : vector<16xi32> to vector<16xf32>
      %get3A_890 = arith.constant 144 : index
      %get3A_891 = tpu.vector_load %arg12[%get3A_890] {strides = array<i32>} : memref<256xi32, #tpu.memory_space<vmem>>, vector<16xi32>,
      %convert_element_type3A_892 = arith.sitofp %get3A_891 : vector<16xi32> to vector<16xf32>
      %get3A_893 = arith.constant 144 : index
      %get3A_894 = tpu.vector_load %arg13[%get3A_893] {strides = array<i32>} : memref<256xi32, #tpu.memory_space<vmem>>, vector<16xi32>,
      %convert_element_type3A_895 = arith.sitofp %get3A_894 : vector<16xi32> to vector<16xf32>
      %mul3A_896 = arith.mulf %select_n3A_886, %convert_element_type3A_889 : vector<16xf32>
      %mul3A_897 = arith.mulf %select_n3A_886, %convert_element_type3A_892 : vector<16xf32>
      %mul3A_898 = arith.mulf %select_n3A_886, %convert_element_type3A_895 : vector<16xf32>
      %mul3A_899 = arith.mulf %mul3A_896, %convert_element_type3A_892 : vector<16xf32>
      %mul3A_900 = arith.mulf %mul3A_896, %convert_element_type3A_895 : vector<16xf32>
      %mul3A_901 = arith.mulf %mul3A_897, %convert_element_type3A_895 : vector<16xf32>
      %mul3A_902 = arith.mulf %mul3A_899, %convert_element_type3A_895 : vector<16xf32>
      %mul3A_903 = arith.mulf %sub3A_878, %select_n3A_886 : vector<16xf32>
      %add3A_904 = arith.addf %add3A_817, %mul3A_903 : vector<16xf32>
      %add3A_905 = arith.addf %add3A_818, %select_n3A_886 : vector<16xf32>
      %mul3A_906 = arith.mulf %sub3A_878, %mul3A_896 : vector<16xf32>
      %add3A_907 = arith.addf %add3A_820, %mul3A_906 : vector<16xf32>
      %add3A_908 = arith.addf %add3A_821, %mul3A_896 : vector<16xf32>
      %mul3A_909 = arith.mulf %sub3A_878, %mul3A_897 : vector<16xf32>
      %add3A_910 = arith.addf %add3A_823, %mul3A_909 : vector<16xf32>
      %add3A_911 = arith.addf %add3A_824, %mul3A_897 : vector<16xf32>
      %mul3A_912 = arith.mulf %sub3A_878, %mul3A_898 : vector<16xf32>
      %add3A_913 = arith.addf %add3A_826, %mul3A_912 : vector<16xf32>
      %add3A_914 = arith.addf %add3A_827, %mul3A_898 : vector<16xf32>
      %mul3A_915 = arith.mulf %sub3A_878, %mul3A_899 : vector<16xf32>
      %add3A_916 = arith.addf %add3A_829, %mul3A_915 : vector<16xf32>
      %add3A_917 = arith.addf %add3A_830, %mul3A_899 : vector<16xf32>
      %mul3A_918 = arith.mulf %sub3A_878, %mul3A_900 : vector<16xf32>
      %add3A_919 = arith.addf %add3A_832, %mul3A_918 : vector<16xf32>
      %add3A_920 = arith.addf %add3A_833, %mul3A_900 : vector<16xf32>
      %mul3A_921 = arith.mulf %sub3A_878, %mul3A_901 : vector<16xf32>
      %add3A_922 = arith.addf %add3A_835, %mul3A_921 : vector<16xf32>
      %add3A_923 = arith.addf %add3A_836, %mul3A_901 : vector<16xf32>
      %mul3A_924 = arith.mulf %sub3A_878, %mul3A_902 : vector<16xf32>
      %add3A_925 = arith.addf %add3A_838, %mul3A_924 : vector<16xf32>
      %add3A_926 = arith.addf %add3A_839, %mul3A_902 : vector<16xf32>
      %add3A_927 = arith.addf %add3A_840, %convert_element_type3A_889 : vector<16xf32>
      %get3A_928 = arith.constant 160 : index
      %get3A_929 = tpu.vector_load %arg10[%get3A_928] {strides = array<i32>} : memref<256xf32, #tpu.memory_space<vmem>>, vector<16xf32>,
      %abs3A_930 = math.absf %get3A_929 : vector<16xf32>
      %neg3A_931 = arith.constant 0.000000e+00 : f32
      %neg3A_932 = vector.broadcast %neg3A_931 : f32 to vector<16xf32>
      %neg3A_933 = arith.subf %neg3A_932, %abs3A_930 : vector<16xf32>
      %exp3A_934 = math.exp %neg3A_933 : vector<16xf32>
      %add3A_935 = arith.constant 2.000000e+00 : f32
      %add3A_936 = vector.broadcast %add3A_935 : f32 to vector<16xf32>
      %add3A_937 = arith.addf %exp3A_934, %add3A_936 : vector<16xf32>
      %div3A_938 = arith.divf %exp3A_934, %add3A_937 : vector<16xf32>
      %mul3A_939 = arith.mulf %div3A_938, %div3A_938 : vector<16xf32>
      %mul3A_940 = arith.constant 0.111111112 : f32
      %mul3A_941 = vector.broadcast %mul3A_940 : f32 to vector<16xf32>
      %mul3A_942 = arith.mulf %mul3A_939, %mul3A_941 : vector<16xf32>
      %add3A_943 = arith.constant 0.142857149 : f32
      %add3A_944 = vector.broadcast %add3A_943 : f32 to vector<16xf32>
      %add3A_945 = arith.addf %mul3A_942, %add3A_944 : vector<16xf32>
      %mul3A_946 = arith.mulf %add3A_945, %mul3A_939 : vector<16xf32>
      %add3A_947 = arith.constant 2.000000e-01 : f32
      %add3A_948 = vector.broadcast %add3A_947 : f32 to vector<16xf32>
      %add3A_949 = arith.addf %mul3A_946, %add3A_948 : vector<16xf32>
      %mul3A_950 = arith.mulf %add3A_949, %mul3A_939 : vector<16xf32>
      %add3A_951 = arith.constant 0.333333343 : f32
      %add3A_952 = vector.broadcast %add3A_951 : f32 to vector<16xf32>
      %add3A_953 = arith.addf %mul3A_950, %add3A_952 : vector<16xf32>
      %mul3A_954 = arith.mulf %add3A_953, %mul3A_939 : vector<16xf32>
      %add3A_955 = arith.constant 1.000000e+00 : f32
      %add3A_956 = vector.broadcast %add3A_955 : f32 to vector<16xf32>
      %add3A_957 = arith.addf %mul3A_954, %add3A_956 : vector<16xf32>
      %min3A_958 = arith.constant 0.000000e+00 : f32
      %min3A_959 = vector.broadcast %min3A_958 : f32 to vector<16xf32>
      %min3A_960 = arith.minimumf %get3A_929, %min3A_959 : vector<16xf32>
      %mul3A_961 = arith.constant 2.000000e+00 : f32
      %mul3A_962 = vector.broadcast %mul3A_961 : f32 to vector<16xf32>
      %mul3A_963 = arith.mulf %mul3A_962, %div3A_938 : vector<16xf32>
      %mul3A_964 = arith.mulf %mul3A_963, %add3A_957 : vector<16xf32>
      %sub3A_965 = arith.subf %min3A_960, %mul3A_964 : vector<16xf32>
      %get3A_966 = arith.constant 160 : index
      %get3A_967 = tpu.vector_load %arg14[%get3A_966] {strides = array<i32>} : memref<256xi32, #tpu.memory_space<vmem>>, vector<16xi32>,
      %eq3A_968 = arith.cmpi eq, %get3A_967, %gather3A : vector<16xi32>
      %get3A_969 = arith.constant 160 : index
      %get3A_970 = tpu.vector_load %arg15[%get3A_969] {strides = array<i32>} : memref<256xi32, #tpu.memory_space<vmem>>, vector<16xi32>,
      %eq3A_971 = arith.cmpi eq, %get3A_970, %gather3A_65 : vector<16xi32>
      %and3A_972 = arith.andi %eq3A_968, %eq3A_971 : vector<16xi1>
      %select_n3A_973 = arith.select %and3A_972, %broadcast_in_dim3A_60, %broadcast_in_dim3A_58 : vector<16xi1>, vector<16xf32>
      %get3A_974 = arith.constant 160 : index
      %get3A_975 = tpu.vector_load %arg11[%get3A_974] {strides = array<i32>} : memref<256xi32, #tpu.memory_space<vmem>>, vector<16xi32>,
      %convert_element_type3A_976 = arith.sitofp %get3A_975 : vector<16xi32> to vector<16xf32>
      %get3A_977 = arith.constant 160 : index
      %get3A_978 = tpu.vector_load %arg12[%get3A_977] {strides = array<i32>} : memref<256xi32, #tpu.memory_space<vmem>>, vector<16xi32>,
      %convert_element_type3A_979 = arith.sitofp %get3A_978 : vector<16xi32> to vector<16xf32>
      %get3A_980 = arith.constant 160 : index
      %get3A_981 = tpu.vector_load %arg13[%get3A_980] {strides = array<i32>} : memref<256xi32, #tpu.memory_space<vmem>>, vector<16xi32>,
      %convert_element_type3A_982 = arith.sitofp %get3A_981 : vector<16xi32> to vector<16xf32>
      %mul3A_983 = arith.mulf %select_n3A_973, %convert_element_type3A_976 : vector<16xf32>
      %mul3A_984 = arith.mulf %select_n3A_973, %convert_element_type3A_979 : vector<16xf32>
      %mul3A_985 = arith.mulf %select_n3A_973, %convert_element_type3A_982 : vector<16xf32>
      %mul3A_986 = arith.mulf %mul3A_983, %convert_element_type3A_979 : vector<16xf32>
      %mul3A_987 = arith.mulf %mul3A_983, %convert_element_type3A_982 : vector<16xf32>
      %mul3A_988 = arith.mulf %mul3A_984, %convert_element_type3A_982 : vector<16xf32>
      %mul3A_989 = arith.mulf %mul3A_986, %convert_element_type3A_982 : vector<16xf32>
      %mul3A_990 = arith.mulf %sub3A_965, %select_n3A_973 : vector<16xf32>
      %add3A_991 = arith.addf %add3A_904, %mul3A_990 : vector<16xf32>
      %add3A_992 = arith.addf %add3A_905, %select_n3A_973 : vector<16xf32>
      %mul3A_993 = arith.mulf %sub3A_965, %mul3A_983 : vector<16xf32>
      %add3A_994 = arith.addf %add3A_907, %mul3A_993 : vector<16xf32>
      %add3A_995 = arith.addf %add3A_908, %mul3A_983 : vector<16xf32>
      %mul3A_996 = arith.mulf %sub3A_965, %mul3A_984 : vector<16xf32>
      %add3A_997 = arith.addf %add3A_910, %mul3A_996 : vector<16xf32>
      %add3A_998 = arith.addf %add3A_911, %mul3A_984 : vector<16xf32>
      %mul3A_999 = arith.mulf %sub3A_965, %mul3A_985 : vector<16xf32>
      %add3A_1000 = arith.addf %add3A_913, %mul3A_999 : vector<16xf32>
      %add3A_1001 = arith.addf %add3A_914, %mul3A_985 : vector<16xf32>
      %mul3A_1002 = arith.mulf %sub3A_965, %mul3A_986 : vector<16xf32>
      %add3A_1003 = arith.addf %add3A_916, %mul3A_1002 : vector<16xf32>
      %add3A_1004 = arith.addf %add3A_917, %mul3A_986 : vector<16xf32>
      %mul3A_1005 = arith.mulf %sub3A_965, %mul3A_987 : vector<16xf32>
      %add3A_1006 = arith.addf %add3A_919, %mul3A_1005 : vector<16xf32>
      %add3A_1007 = arith.addf %add3A_920, %mul3A_987 : vector<16xf32>
      %mul3A_1008 = arith.mulf %sub3A_965, %mul3A_988 : vector<16xf32>
      %add3A_1009 = arith.addf %add3A_922, %mul3A_1008 : vector<16xf32>
      %add3A_1010 = arith.addf %add3A_923, %mul3A_988 : vector<16xf32>
      %mul3A_1011 = arith.mulf %sub3A_965, %mul3A_989 : vector<16xf32>
      %add3A_1012 = arith.addf %add3A_925, %mul3A_1011 : vector<16xf32>
      %add3A_1013 = arith.addf %add3A_926, %mul3A_989 : vector<16xf32>
      %add3A_1014 = arith.addf %add3A_927, %convert_element_type3A_976 : vector<16xf32>
      %get3A_1015 = arith.constant 176 : index
      %get3A_1016 = tpu.vector_load %arg10[%get3A_1015] {strides = array<i32>} : memref<256xf32, #tpu.memory_space<vmem>>, vector<16xf32>,
      %abs3A_1017 = math.absf %get3A_1016 : vector<16xf32>
      %neg3A_1018 = arith.constant 0.000000e+00 : f32
      %neg3A_1019 = vector.broadcast %neg3A_1018 : f32 to vector<16xf32>
      %neg3A_1020 = arith.subf %neg3A_1019, %abs3A_1017 : vector<16xf32>
      %exp3A_1021 = math.exp %neg3A_1020 : vector<16xf32>
      %add3A_1022 = arith.constant 2.000000e+00 : f32
      %add3A_1023 = vector.broadcast %add3A_1022 : f32 to vector<16xf32>
      %add3A_1024 = arith.addf %exp3A_1021, %add3A_1023 : vector<16xf32>
      %div3A_1025 = arith.divf %exp3A_1021, %add3A_1024 : vector<16xf32>
      %mul3A_1026 = arith.mulf %div3A_1025, %div3A_1025 : vector<16xf32>
      %mul3A_1027 = arith.constant 0.111111112 : f32
      %mul3A_1028 = vector.broadcast %mul3A_1027 : f32 to vector<16xf32>
      %mul3A_1029 = arith.mulf %mul3A_1026, %mul3A_1028 : vector<16xf32>
      %add3A_1030 = arith.constant 0.142857149 : f32
      %add3A_1031 = vector.broadcast %add3A_1030 : f32 to vector<16xf32>
      %add3A_1032 = arith.addf %mul3A_1029, %add3A_1031 : vector<16xf32>
      %mul3A_1033 = arith.mulf %add3A_1032, %mul3A_1026 : vector<16xf32>
      %add3A_1034 = arith.constant 2.000000e-01 : f32
      %add3A_1035 = vector.broadcast %add3A_1034 : f32 to vector<16xf32>
      %add3A_1036 = arith.addf %mul3A_1033, %add3A_1035 : vector<16xf32>
      %mul3A_1037 = arith.mulf %add3A_1036, %mul3A_1026 : vector<16xf32>
      %add3A_1038 = arith.constant 0.333333343 : f32
      %add3A_1039 = vector.broadcast %add3A_1038 : f32 to vector<16xf32>
      %add3A_1040 = arith.addf %mul3A_1037, %add3A_1039 : vector<16xf32>
      %mul3A_1041 = arith.mulf %add3A_1040, %mul3A_1026 : vector<16xf32>
      %add3A_1042 = arith.constant 1.000000e+00 : f32
      %add3A_1043 = vector.broadcast %add3A_1042 : f32 to vector<16xf32>
      %add3A_1044 = arith.addf %mul3A_1041, %add3A_1043 : vector<16xf32>
      %min3A_1045 = arith.constant 0.000000e+00 : f32
      %min3A_1046 = vector.broadcast %min3A_1045 : f32 to vector<16xf32>
      %min3A_1047 = arith.minimumf %get3A_1016, %min3A_1046 : vector<16xf32>
      %mul3A_1048 = arith.constant 2.000000e+00 : f32
      %mul3A_1049 = vector.broadcast %mul3A_1048 : f32 to vector<16xf32>
      %mul3A_1050 = arith.mulf %mul3A_1049, %div3A_1025 : vector<16xf32>
      %mul3A_1051 = arith.mulf %mul3A_1050, %add3A_1044 : vector<16xf32>
      %sub3A_1052 = arith.subf %min3A_1047, %mul3A_1051 : vector<16xf32>
      %get3A_1053 = arith.constant 176 : index
      %get3A_1054 = tpu.vector_load %arg14[%get3A_1053] {strides = array<i32>} : memref<256xi32, #tpu.memory_space<vmem>>, vector<16xi32>,
      %eq3A_1055 = arith.cmpi eq, %get3A_1054, %gather3A : vector<16xi32>
      %get3A_1056 = arith.constant 176 : index
      %get3A_1057 = tpu.vector_load %arg15[%get3A_1056] {strides = array<i32>} : memref<256xi32, #tpu.memory_space<vmem>>, vector<16xi32>,
      %eq3A_1058 = arith.cmpi eq, %get3A_1057, %gather3A_65 : vector<16xi32>
      %and3A_1059 = arith.andi %eq3A_1055, %eq3A_1058 : vector<16xi1>
      %select_n3A_1060 = arith.select %and3A_1059, %broadcast_in_dim3A_60, %broadcast_in_dim3A_58 : vector<16xi1>, vector<16xf32>
      %get3A_1061 = arith.constant 176 : index
      %get3A_1062 = tpu.vector_load %arg11[%get3A_1061] {strides = array<i32>} : memref<256xi32, #tpu.memory_space<vmem>>, vector<16xi32>,
      %convert_element_type3A_1063 = arith.sitofp %get3A_1062 : vector<16xi32> to vector<16xf32>
      %get3A_1064 = arith.constant 176 : index
      %get3A_1065 = tpu.vector_load %arg12[%get3A_1064] {strides = array<i32>} : memref<256xi32, #tpu.memory_space<vmem>>, vector<16xi32>,
      %convert_element_type3A_1066 = arith.sitofp %get3A_1065 : vector<16xi32> to vector<16xf32>
      %get3A_1067 = arith.constant 176 : index
      %get3A_1068 = tpu.vector_load %arg13[%get3A_1067] {strides = array<i32>} : memref<256xi32, #tpu.memory_space<vmem>>, vector<16xi32>,
      %convert_element_type3A_1069 = arith.sitofp %get3A_1068 : vector<16xi32> to vector<16xf32>
      %mul3A_1070 = arith.mulf %select_n3A_1060, %convert_element_type3A_1063 : vector<16xf32>
      %mul3A_1071 = arith.mulf %select_n3A_1060, %convert_element_type3A_1066 : vector<16xf32>
      %mul3A_1072 = arith.mulf %select_n3A_1060, %convert_element_type3A_1069 : vector<16xf32>
      %mul3A_1073 = arith.mulf %mul3A_1070, %convert_element_type3A_1066 : vector<16xf32>
      %mul3A_1074 = arith.mulf %mul3A_1070, %convert_element_type3A_1069 : vector<16xf32>
      %mul3A_1075 = arith.mulf %mul3A_1071, %convert_element_type3A_1069 : vector<16xf32>
      %mul3A_1076 = arith.mulf %mul3A_1073, %convert_element_type3A_1069 : vector<16xf32>
      %mul3A_1077 = arith.mulf %sub3A_1052, %select_n3A_1060 : vector<16xf32>
      %add3A_1078 = arith.addf %add3A_991, %mul3A_1077 : vector<16xf32>
      %add3A_1079 = arith.addf %add3A_992, %select_n3A_1060 : vector<16xf32>
      %mul3A_1080 = arith.mulf %sub3A_1052, %mul3A_1070 : vector<16xf32>
      %add3A_1081 = arith.addf %add3A_994, %mul3A_1080 : vector<16xf32>
      %add3A_1082 = arith.addf %add3A_995, %mul3A_1070 : vector<16xf32>
      %mul3A_1083 = arith.mulf %sub3A_1052, %mul3A_1071 : vector<16xf32>
      %add3A_1084 = arith.addf %add3A_997, %mul3A_1083 : vector<16xf32>
      %add3A_1085 = arith.addf %add3A_998, %mul3A_1071 : vector<16xf32>
      %mul3A_1086 = arith.mulf %sub3A_1052, %mul3A_1072 : vector<16xf32>
      %add3A_1087 = arith.addf %add3A_1000, %mul3A_1086 : vector<16xf32>
      %add3A_1088 = arith.addf %add3A_1001, %mul3A_1072 : vector<16xf32>
      %mul3A_1089 = arith.mulf %sub3A_1052, %mul3A_1073 : vector<16xf32>
      %add3A_1090 = arith.addf %add3A_1003, %mul3A_1089 : vector<16xf32>
      %add3A_1091 = arith.addf %add3A_1004, %mul3A_1073 : vector<16xf32>
      %mul3A_1092 = arith.mulf %sub3A_1052, %mul3A_1074 : vector<16xf32>
      %add3A_1093 = arith.addf %add3A_1006, %mul3A_1092 : vector<16xf32>
      %add3A_1094 = arith.addf %add3A_1007, %mul3A_1074 : vector<16xf32>
      %mul3A_1095 = arith.mulf %sub3A_1052, %mul3A_1075 : vector<16xf32>
      %add3A_1096 = arith.addf %add3A_1009, %mul3A_1095 : vector<16xf32>
      %add3A_1097 = arith.addf %add3A_1010, %mul3A_1075 : vector<16xf32>
      %mul3A_1098 = arith.mulf %sub3A_1052, %mul3A_1076 : vector<16xf32>
      %add3A_1099 = arith.addf %add3A_1012, %mul3A_1098 : vector<16xf32>
      %add3A_1100 = arith.addf %add3A_1013, %mul3A_1076 : vector<16xf32>
      %add3A_1101 = arith.addf %add3A_1014, %convert_element_type3A_1063 : vector<16xf32>
      %get3A_1102 = arith.constant 192 : index
      %get3A_1103 = tpu.vector_load %arg10[%get3A_1102] {strides = array<i32>} : memref<256xf32, #tpu.memory_space<vmem>>, vector<16xf32>,
      %abs3A_1104 = math.absf %get3A_1103 : vector<16xf32>
      %neg3A_1105 = arith.constant 0.000000e+00 : f32
      %neg3A_1106 = vector.broadcast %neg3A_1105 : f32 to vector<16xf32>
      %neg3A_1107 = arith.subf %neg3A_1106, %abs3A_1104 : vector<16xf32>
      %exp3A_1108 = math.exp %neg3A_1107 : vector<16xf32>
      %add3A_1109 = arith.constant 2.000000e+00 : f32
      %add3A_1110 = vector.broadcast %add3A_1109 : f32 to vector<16xf32>
      %add3A_1111 = arith.addf %exp3A_1108, %add3A_1110 : vector<16xf32>
      %div3A_1112 = arith.divf %exp3A_1108, %add3A_1111 : vector<16xf32>
      %mul3A_1113 = arith.mulf %div3A_1112, %div3A_1112 : vector<16xf32>
      %mul3A_1114 = arith.constant 0.111111112 : f32
      %mul3A_1115 = vector.broadcast %mul3A_1114 : f32 to vector<16xf32>
      %mul3A_1116 = arith.mulf %mul3A_1113, %mul3A_1115 : vector<16xf32>
      %add3A_1117 = arith.constant 0.142857149 : f32
      %add3A_1118 = vector.broadcast %add3A_1117 : f32 to vector<16xf32>
      %add3A_1119 = arith.addf %mul3A_1116, %add3A_1118 : vector<16xf32>
      %mul3A_1120 = arith.mulf %add3A_1119, %mul3A_1113 : vector<16xf32>
      %add3A_1121 = arith.constant 2.000000e-01 : f32
      %add3A_1122 = vector.broadcast %add3A_1121 : f32 to vector<16xf32>
      %add3A_1123 = arith.addf %mul3A_1120, %add3A_1122 : vector<16xf32>
      %mul3A_1124 = arith.mulf %add3A_1123, %mul3A_1113 : vector<16xf32>
      %add3A_1125 = arith.constant 0.333333343 : f32
      %add3A_1126 = vector.broadcast %add3A_1125 : f32 to vector<16xf32>
      %add3A_1127 = arith.addf %mul3A_1124, %add3A_1126 : vector<16xf32>
      %mul3A_1128 = arith.mulf %add3A_1127, %mul3A_1113 : vector<16xf32>
      %add3A_1129 = arith.constant 1.000000e+00 : f32
      %add3A_1130 = vector.broadcast %add3A_1129 : f32 to vector<16xf32>
      %add3A_1131 = arith.addf %mul3A_1128, %add3A_1130 : vector<16xf32>
      %min3A_1132 = arith.constant 0.000000e+00 : f32
      %min3A_1133 = vector.broadcast %min3A_1132 : f32 to vector<16xf32>
      %min3A_1134 = arith.minimumf %get3A_1103, %min3A_1133 : vector<16xf32>
      %mul3A_1135 = arith.constant 2.000000e+00 : f32
      %mul3A_1136 = vector.broadcast %mul3A_1135 : f32 to vector<16xf32>
      %mul3A_1137 = arith.mulf %mul3A_1136, %div3A_1112 : vector<16xf32>
      %mul3A_1138 = arith.mulf %mul3A_1137, %add3A_1131 : vector<16xf32>
      %sub3A_1139 = arith.subf %min3A_1134, %mul3A_1138 : vector<16xf32>
      %get3A_1140 = arith.constant 192 : index
      %get3A_1141 = tpu.vector_load %arg14[%get3A_1140] {strides = array<i32>} : memref<256xi32, #tpu.memory_space<vmem>>, vector<16xi32>,
      %eq3A_1142 = arith.cmpi eq, %get3A_1141, %gather3A : vector<16xi32>
      %get3A_1143 = arith.constant 192 : index
      %get3A_1144 = tpu.vector_load %arg15[%get3A_1143] {strides = array<i32>} : memref<256xi32, #tpu.memory_space<vmem>>, vector<16xi32>,
      %eq3A_1145 = arith.cmpi eq, %get3A_1144, %gather3A_65 : vector<16xi32>
      %and3A_1146 = arith.andi %eq3A_1142, %eq3A_1145 : vector<16xi1>
      %select_n3A_1147 = arith.select %and3A_1146, %broadcast_in_dim3A_60, %broadcast_in_dim3A_58 : vector<16xi1>, vector<16xf32>
      %get3A_1148 = arith.constant 192 : index
      %get3A_1149 = tpu.vector_load %arg11[%get3A_1148] {strides = array<i32>} : memref<256xi32, #tpu.memory_space<vmem>>, vector<16xi32>,
      %convert_element_type3A_1150 = arith.sitofp %get3A_1149 : vector<16xi32> to vector<16xf32>
      %get3A_1151 = arith.constant 192 : index
      %get3A_1152 = tpu.vector_load %arg12[%get3A_1151] {strides = array<i32>} : memref<256xi32, #tpu.memory_space<vmem>>, vector<16xi32>,
      %convert_element_type3A_1153 = arith.sitofp %get3A_1152 : vector<16xi32> to vector<16xf32>
      %get3A_1154 = arith.constant 192 : index
      %get3A_1155 = tpu.vector_load %arg13[%get3A_1154] {strides = array<i32>} : memref<256xi32, #tpu.memory_space<vmem>>, vector<16xi32>,
      %convert_element_type3A_1156 = arith.sitofp %get3A_1155 : vector<16xi32> to vector<16xf32>
      %mul3A_1157 = arith.mulf %select_n3A_1147, %convert_element_type3A_1150 : vector<16xf32>
      %mul3A_1158 = arith.mulf %select_n3A_1147, %convert_element_type3A_1153 : vector<16xf32>
      %mul3A_1159 = arith.mulf %select_n3A_1147, %convert_element_type3A_1156 : vector<16xf32>
      %mul3A_1160 = arith.mulf %mul3A_1157, %convert_element_type3A_1153 : vector<16xf32>
      %mul3A_1161 = arith.mulf %mul3A_1157, %convert_element_type3A_1156 : vector<16xf32>
      %mul3A_1162 = arith.mulf %mul3A_1158, %convert_element_type3A_1156 : vector<16xf32>
      %mul3A_1163 = arith.mulf %mul3A_1160, %convert_element_type3A_1156 : vector<16xf32>
      %mul3A_1164 = arith.mulf %sub3A_1139, %select_n3A_1147 : vector<16xf32>
      %add3A_1165 = arith.addf %add3A_1078, %mul3A_1164 : vector<16xf32>
      %add3A_1166 = arith.addf %add3A_1079, %select_n3A_1147 : vector<16xf32>
      %mul3A_1167 = arith.mulf %sub3A_1139, %mul3A_1157 : vector<16xf32>
      %add3A_1168 = arith.addf %add3A_1081, %mul3A_1167 : vector<16xf32>
      %add3A_1169 = arith.addf %add3A_1082, %mul3A_1157 : vector<16xf32>
      %mul3A_1170 = arith.mulf %sub3A_1139, %mul3A_1158 : vector<16xf32>
      %add3A_1171 = arith.addf %add3A_1084, %mul3A_1170 : vector<16xf32>
      %add3A_1172 = arith.addf %add3A_1085, %mul3A_1158 : vector<16xf32>
      %mul3A_1173 = arith.mulf %sub3A_1139, %mul3A_1159 : vector<16xf32>
      %add3A_1174 = arith.addf %add3A_1087, %mul3A_1173 : vector<16xf32>
      %add3A_1175 = arith.addf %add3A_1088, %mul3A_1159 : vector<16xf32>
      %mul3A_1176 = arith.mulf %sub3A_1139, %mul3A_1160 : vector<16xf32>
      %add3A_1177 = arith.addf %add3A_1090, %mul3A_1176 : vector<16xf32>
      %add3A_1178 = arith.addf %add3A_1091, %mul3A_1160 : vector<16xf32>
      %mul3A_1179 = arith.mulf %sub3A_1139, %mul3A_1161 : vector<16xf32>
      %add3A_1180 = arith.addf %add3A_1093, %mul3A_1179 : vector<16xf32>
      %add3A_1181 = arith.addf %add3A_1094, %mul3A_1161 : vector<16xf32>
      %mul3A_1182 = arith.mulf %sub3A_1139, %mul3A_1162 : vector<16xf32>
      %add3A_1183 = arith.addf %add3A_1096, %mul3A_1182 : vector<16xf32>
      %add3A_1184 = arith.addf %add3A_1097, %mul3A_1162 : vector<16xf32>
      %mul3A_1185 = arith.mulf %sub3A_1139, %mul3A_1163 : vector<16xf32>
      %add3A_1186 = arith.addf %add3A_1099, %mul3A_1185 : vector<16xf32>
      %add3A_1187 = arith.addf %add3A_1100, %mul3A_1163 : vector<16xf32>
      %add3A_1188 = arith.addf %add3A_1101, %convert_element_type3A_1150 : vector<16xf32>
      %get3A_1189 = arith.constant 208 : index
      %get3A_1190 = tpu.vector_load %arg10[%get3A_1189] {strides = array<i32>} : memref<256xf32, #tpu.memory_space<vmem>>, vector<16xf32>,
      %abs3A_1191 = math.absf %get3A_1190 : vector<16xf32>
      %neg3A_1192 = arith.constant 0.000000e+00 : f32
      %neg3A_1193 = vector.broadcast %neg3A_1192 : f32 to vector<16xf32>
      %neg3A_1194 = arith.subf %neg3A_1193, %abs3A_1191 : vector<16xf32>
      %exp3A_1195 = math.exp %neg3A_1194 : vector<16xf32>
      %add3A_1196 = arith.constant 2.000000e+00 : f32
      %add3A_1197 = vector.broadcast %add3A_1196 : f32 to vector<16xf32>
      %add3A_1198 = arith.addf %exp3A_1195, %add3A_1197 : vector<16xf32>
      %div3A_1199 = arith.divf %exp3A_1195, %add3A_1198 : vector<16xf32>
      %mul3A_1200 = arith.mulf %div3A_1199, %div3A_1199 : vector<16xf32>
      %mul3A_1201 = arith.constant 0.111111112 : f32
      %mul3A_1202 = vector.broadcast %mul3A_1201 : f32 to vector<16xf32>
      %mul3A_1203 = arith.mulf %mul3A_1200, %mul3A_1202 : vector<16xf32>
      %add3A_1204 = arith.constant 0.142857149 : f32
      %add3A_1205 = vector.broadcast %add3A_1204 : f32 to vector<16xf32>
      %add3A_1206 = arith.addf %mul3A_1203, %add3A_1205 : vector<16xf32>
      %mul3A_1207 = arith.mulf %add3A_1206, %mul3A_1200 : vector<16xf32>
      %add3A_1208 = arith.constant 2.000000e-01 : f32
      %add3A_1209 = vector.broadcast %add3A_1208 : f32 to vector<16xf32>
      %add3A_1210 = arith.addf %mul3A_1207, %add3A_1209 : vector<16xf32>
      %mul3A_1211 = arith.mulf %add3A_1210, %mul3A_1200 : vector<16xf32>
      %add3A_1212 = arith.constant 0.333333343 : f32
      %add3A_1213 = vector.broadcast %add3A_1212 : f32 to vector<16xf32>
      %add3A_1214 = arith.addf %mul3A_1211, %add3A_1213 : vector<16xf32>
      %mul3A_1215 = arith.mulf %add3A_1214, %mul3A_1200 : vector<16xf32>
      %add3A_1216 = arith.constant 1.000000e+00 : f32
      %add3A_1217 = vector.broadcast %add3A_1216 : f32 to vector<16xf32>
      %add3A_1218 = arith.addf %mul3A_1215, %add3A_1217 : vector<16xf32>
      %min3A_1219 = arith.constant 0.000000e+00 : f32
      %min3A_1220 = vector.broadcast %min3A_1219 : f32 to vector<16xf32>
      %min3A_1221 = arith.minimumf %get3A_1190, %min3A_1220 : vector<16xf32>
      %mul3A_1222 = arith.constant 2.000000e+00 : f32
      %mul3A_1223 = vector.broadcast %mul3A_1222 : f32 to vector<16xf32>
      %mul3A_1224 = arith.mulf %mul3A_1223, %div3A_1199 : vector<16xf32>
      %mul3A_1225 = arith.mulf %mul3A_1224, %add3A_1218 : vector<16xf32>
      %sub3A_1226 = arith.subf %min3A_1221, %mul3A_1225 : vector<16xf32>
      %get3A_1227 = arith.constant 208 : index
      %get3A_1228 = tpu.vector_load %arg14[%get3A_1227] {strides = array<i32>} : memref<256xi32, #tpu.memory_space<vmem>>, vector<16xi32>,
      %eq3A_1229 = arith.cmpi eq, %get3A_1228, %gather3A : vector<16xi32>
      %get3A_1230 = arith.constant 208 : index
      %get3A_1231 = tpu.vector_load %arg15[%get3A_1230] {strides = array<i32>} : memref<256xi32, #tpu.memory_space<vmem>>, vector<16xi32>,
      %eq3A_1232 = arith.cmpi eq, %get3A_1231, %gather3A_65 : vector<16xi32>
      %and3A_1233 = arith.andi %eq3A_1229, %eq3A_1232 : vector<16xi1>
      %select_n3A_1234 = arith.select %and3A_1233, %broadcast_in_dim3A_60, %broadcast_in_dim3A_58 : vector<16xi1>, vector<16xf32>
      %get3A_1235 = arith.constant 208 : index
      %get3A_1236 = tpu.vector_load %arg11[%get3A_1235] {strides = array<i32>} : memref<256xi32, #tpu.memory_space<vmem>>, vector<16xi32>,
      %convert_element_type3A_1237 = arith.sitofp %get3A_1236 : vector<16xi32> to vector<16xf32>
      %get3A_1238 = arith.constant 208 : index
      %get3A_1239 = tpu.vector_load %arg12[%get3A_1238] {strides = array<i32>} : memref<256xi32, #tpu.memory_space<vmem>>, vector<16xi32>,
      %convert_element_type3A_1240 = arith.sitofp %get3A_1239 : vector<16xi32> to vector<16xf32>
      %get3A_1241 = arith.constant 208 : index
      %get3A_1242 = tpu.vector_load %arg13[%get3A_1241] {strides = array<i32>} : memref<256xi32, #tpu.memory_space<vmem>>, vector<16xi32>,
      %convert_element_type3A_1243 = arith.sitofp %get3A_1242 : vector<16xi32> to vector<16xf32>
      %mul3A_1244 = arith.mulf %select_n3A_1234, %convert_element_type3A_1237 : vector<16xf32>
      %mul3A_1245 = arith.mulf %select_n3A_1234, %convert_element_type3A_1240 : vector<16xf32>
      %mul3A_1246 = arith.mulf %select_n3A_1234, %convert_element_type3A_1243 : vector<16xf32>
      %mul3A_1247 = arith.mulf %mul3A_1244, %convert_element_type3A_1240 : vector<16xf32>
      %mul3A_1248 = arith.mulf %mul3A_1244, %convert_element_type3A_1243 : vector<16xf32>
      %mul3A_1249 = arith.mulf %mul3A_1245, %convert_element_type3A_1243 : vector<16xf32>
      %mul3A_1250 = arith.mulf %mul3A_1247, %convert_element_type3A_1243 : vector<16xf32>
      %mul3A_1251 = arith.mulf %sub3A_1226, %select_n3A_1234 : vector<16xf32>
      %add3A_1252 = arith.addf %add3A_1165, %mul3A_1251 : vector<16xf32>
      %add3A_1253 = arith.addf %add3A_1166, %select_n3A_1234 : vector<16xf32>
      %mul3A_1254 = arith.mulf %sub3A_1226, %mul3A_1244 : vector<16xf32>
      %add3A_1255 = arith.addf %add3A_1168, %mul3A_1254 : vector<16xf32>
      %add3A_1256 = arith.addf %add3A_1169, %mul3A_1244 : vector<16xf32>
      %mul3A_1257 = arith.mulf %sub3A_1226, %mul3A_1245 : vector<16xf32>
      %add3A_1258 = arith.addf %add3A_1171, %mul3A_1257 : vector<16xf32>
      %add3A_1259 = arith.addf %add3A_1172, %mul3A_1245 : vector<16xf32>
      %mul3A_1260 = arith.mulf %sub3A_1226, %mul3A_1246 : vector<16xf32>
      %add3A_1261 = arith.addf %add3A_1174, %mul3A_1260 : vector<16xf32>
      %add3A_1262 = arith.addf %add3A_1175, %mul3A_1246 : vector<16xf32>
      %mul3A_1263 = arith.mulf %sub3A_1226, %mul3A_1247 : vector<16xf32>
      %add3A_1264 = arith.addf %add3A_1177, %mul3A_1263 : vector<16xf32>
      %add3A_1265 = arith.addf %add3A_1178, %mul3A_1247 : vector<16xf32>
      %mul3A_1266 = arith.mulf %sub3A_1226, %mul3A_1248 : vector<16xf32>
      %add3A_1267 = arith.addf %add3A_1180, %mul3A_1266 : vector<16xf32>
      %add3A_1268 = arith.addf %add3A_1181, %mul3A_1248 : vector<16xf32>
      %mul3A_1269 = arith.mulf %sub3A_1226, %mul3A_1249 : vector<16xf32>
      %add3A_1270 = arith.addf %add3A_1183, %mul3A_1269 : vector<16xf32>
      %add3A_1271 = arith.addf %add3A_1184, %mul3A_1249 : vector<16xf32>
      %mul3A_1272 = arith.mulf %sub3A_1226, %mul3A_1250 : vector<16xf32>
      %add3A_1273 = arith.addf %add3A_1186, %mul3A_1272 : vector<16xf32>
      %add3A_1274 = arith.addf %add3A_1187, %mul3A_1250 : vector<16xf32>
      %add3A_1275 = arith.addf %add3A_1188, %convert_element_type3A_1237 : vector<16xf32>
      %get3A_1276 = arith.constant 224 : index
      %get3A_1277 = tpu.vector_load %arg10[%get3A_1276] {strides = array<i32>} : memref<256xf32, #tpu.memory_space<vmem>>, vector<16xf32>,
      %abs3A_1278 = math.absf %get3A_1277 : vector<16xf32>
      %neg3A_1279 = arith.constant 0.000000e+00 : f32
      %neg3A_1280 = vector.broadcast %neg3A_1279 : f32 to vector<16xf32>
      %neg3A_1281 = arith.subf %neg3A_1280, %abs3A_1278 : vector<16xf32>
      %exp3A_1282 = math.exp %neg3A_1281 : vector<16xf32>
      %add3A_1283 = arith.constant 2.000000e+00 : f32
      %add3A_1284 = vector.broadcast %add3A_1283 : f32 to vector<16xf32>
      %add3A_1285 = arith.addf %exp3A_1282, %add3A_1284 : vector<16xf32>
      %div3A_1286 = arith.divf %exp3A_1282, %add3A_1285 : vector<16xf32>
      %mul3A_1287 = arith.mulf %div3A_1286, %div3A_1286 : vector<16xf32>
      %mul3A_1288 = arith.constant 0.111111112 : f32
      %mul3A_1289 = vector.broadcast %mul3A_1288 : f32 to vector<16xf32>
      %mul3A_1290 = arith.mulf %mul3A_1287, %mul3A_1289 : vector<16xf32>
      %add3A_1291 = arith.constant 0.142857149 : f32
      %add3A_1292 = vector.broadcast %add3A_1291 : f32 to vector<16xf32>
      %add3A_1293 = arith.addf %mul3A_1290, %add3A_1292 : vector<16xf32>
      %mul3A_1294 = arith.mulf %add3A_1293, %mul3A_1287 : vector<16xf32>
      %add3A_1295 = arith.constant 2.000000e-01 : f32
      %add3A_1296 = vector.broadcast %add3A_1295 : f32 to vector<16xf32>
      %add3A_1297 = arith.addf %mul3A_1294, %add3A_1296 : vector<16xf32>
      %mul3A_1298 = arith.mulf %add3A_1297, %mul3A_1287 : vector<16xf32>
      %add3A_1299 = arith.constant 0.333333343 : f32
      %add3A_1300 = vector.broadcast %add3A_1299 : f32 to vector<16xf32>
      %add3A_1301 = arith.addf %mul3A_1298, %add3A_1300 : vector<16xf32>
      %mul3A_1302 = arith.mulf %add3A_1301, %mul3A_1287 : vector<16xf32>
      %add3A_1303 = arith.constant 1.000000e+00 : f32
      %add3A_1304 = vector.broadcast %add3A_1303 : f32 to vector<16xf32>
      %add3A_1305 = arith.addf %mul3A_1302, %add3A_1304 : vector<16xf32>
      %min3A_1306 = arith.constant 0.000000e+00 : f32
      %min3A_1307 = vector.broadcast %min3A_1306 : f32 to vector<16xf32>
      %min3A_1308 = arith.minimumf %get3A_1277, %min3A_1307 : vector<16xf32>
      %mul3A_1309 = arith.constant 2.000000e+00 : f32
      %mul3A_1310 = vector.broadcast %mul3A_1309 : f32 to vector<16xf32>
      %mul3A_1311 = arith.mulf %mul3A_1310, %div3A_1286 : vector<16xf32>
      %mul3A_1312 = arith.mulf %mul3A_1311, %add3A_1305 : vector<16xf32>
      %sub3A_1313 = arith.subf %min3A_1308, %mul3A_1312 : vector<16xf32>
      %get3A_1314 = arith.constant 224 : index
      %get3A_1315 = tpu.vector_load %arg14[%get3A_1314] {strides = array<i32>} : memref<256xi32, #tpu.memory_space<vmem>>, vector<16xi32>,
      %eq3A_1316 = arith.cmpi eq, %get3A_1315, %gather3A : vector<16xi32>
      %get3A_1317 = arith.constant 224 : index
      %get3A_1318 = tpu.vector_load %arg15[%get3A_1317] {strides = array<i32>} : memref<256xi32, #tpu.memory_space<vmem>>, vector<16xi32>,
      %eq3A_1319 = arith.cmpi eq, %get3A_1318, %gather3A_65 : vector<16xi32>
      %and3A_1320 = arith.andi %eq3A_1316, %eq3A_1319 : vector<16xi1>
      %select_n3A_1321 = arith.select %and3A_1320, %broadcast_in_dim3A_60, %broadcast_in_dim3A_58 : vector<16xi1>, vector<16xf32>
      %get3A_1322 = arith.constant 224 : index
      %get3A_1323 = tpu.vector_load %arg11[%get3A_1322] {strides = array<i32>} : memref<256xi32, #tpu.memory_space<vmem>>, vector<16xi32>,
      %convert_element_type3A_1324 = arith.sitofp %get3A_1323 : vector<16xi32> to vector<16xf32>
      %get3A_1325 = arith.constant 224 : index
      %get3A_1326 = tpu.vector_load %arg12[%get3A_1325] {strides = array<i32>} : memref<256xi32, #tpu.memory_space<vmem>>, vector<16xi32>,
      %convert_element_type3A_1327 = arith.sitofp %get3A_1326 : vector<16xi32> to vector<16xf32>
      %get3A_1328 = arith.constant 224 : index
      %get3A_1329 = tpu.vector_load %arg13[%get3A_1328] {strides = array<i32>} : memref<256xi32, #tpu.memory_space<vmem>>, vector<16xi32>,
      %convert_element_type3A_1330 = arith.sitofp %get3A_1329 : vector<16xi32> to vector<16xf32>
      %mul3A_1331 = arith.mulf %select_n3A_1321, %convert_element_type3A_1324 : vector<16xf32>
      %mul3A_1332 = arith.mulf %select_n3A_1321, %convert_element_type3A_1327 : vector<16xf32>
      %mul3A_1333 = arith.mulf %select_n3A_1321, %convert_element_type3A_1330 : vector<16xf32>
      %mul3A_1334 = arith.mulf %mul3A_1331, %convert_element_type3A_1327 : vector<16xf32>
      %mul3A_1335 = arith.mulf %mul3A_1331, %convert_element_type3A_1330 : vector<16xf32>
      %mul3A_1336 = arith.mulf %mul3A_1332, %convert_element_type3A_1330 : vector<16xf32>
      %mul3A_1337 = arith.mulf %mul3A_1334, %convert_element_type3A_1330 : vector<16xf32>
      %mul3A_1338 = arith.mulf %sub3A_1313, %select_n3A_1321 : vector<16xf32>
      %add3A_1339 = arith.addf %add3A_1252, %mul3A_1338 : vector<16xf32>
      %add3A_1340 = arith.addf %add3A_1253, %select_n3A_1321 : vector<16xf32>
      %mul3A_1341 = arith.mulf %sub3A_1313, %mul3A_1331 : vector<16xf32>
      %add3A_1342 = arith.addf %add3A_1255, %mul3A_1341 : vector<16xf32>
      %add3A_1343 = arith.addf %add3A_1256, %mul3A_1331 : vector<16xf32>
      %mul3A_1344 = arith.mulf %sub3A_1313, %mul3A_1332 : vector<16xf32>
      %add3A_1345 = arith.addf %add3A_1258, %mul3A_1344 : vector<16xf32>
      %add3A_1346 = arith.addf %add3A_1259, %mul3A_1332 : vector<16xf32>
      %mul3A_1347 = arith.mulf %sub3A_1313, %mul3A_1333 : vector<16xf32>
      %add3A_1348 = arith.addf %add3A_1261, %mul3A_1347 : vector<16xf32>
      %add3A_1349 = arith.addf %add3A_1262, %mul3A_1333 : vector<16xf32>
      %mul3A_1350 = arith.mulf %sub3A_1313, %mul3A_1334 : vector<16xf32>
      %add3A_1351 = arith.addf %add3A_1264, %mul3A_1350 : vector<16xf32>
      %add3A_1352 = arith.addf %add3A_1265, %mul3A_1334 : vector<16xf32>
      %mul3A_1353 = arith.mulf %sub3A_1313, %mul3A_1335 : vector<16xf32>
      %add3A_1354 = arith.addf %add3A_1267, %mul3A_1353 : vector<16xf32>
      %add3A_1355 = arith.addf %add3A_1268, %mul3A_1335 : vector<16xf32>
      %mul3A_1356 = arith.mulf %sub3A_1313, %mul3A_1336 : vector<16xf32>
      %add3A_1357 = arith.addf %add3A_1270, %mul3A_1356 : vector<16xf32>
      %add3A_1358 = arith.addf %add3A_1271, %mul3A_1336 : vector<16xf32>
      %mul3A_1359 = arith.mulf %sub3A_1313, %mul3A_1337 : vector<16xf32>
      %add3A_1360 = arith.addf %add3A_1273, %mul3A_1359 : vector<16xf32>
      %add3A_1361 = arith.addf %add3A_1274, %mul3A_1337 : vector<16xf32>
      %add3A_1362 = arith.addf %add3A_1275, %convert_element_type3A_1324 : vector<16xf32>
      %get3A_1363 = arith.constant 240 : index
      %get3A_1364 = tpu.vector_load %arg10[%get3A_1363] {strides = array<i32>} : memref<256xf32, #tpu.memory_space<vmem>>, vector<16xf32>,
      %abs3A_1365 = math.absf %get3A_1364 : vector<16xf32>
      %neg3A_1366 = arith.constant 0.000000e+00 : f32
      %neg3A_1367 = vector.broadcast %neg3A_1366 : f32 to vector<16xf32>
      %neg3A_1368 = arith.subf %neg3A_1367, %abs3A_1365 : vector<16xf32>
      %exp3A_1369 = math.exp %neg3A_1368 : vector<16xf32>
      %add3A_1370 = arith.constant 2.000000e+00 : f32
      %add3A_1371 = vector.broadcast %add3A_1370 : f32 to vector<16xf32>
      %add3A_1372 = arith.addf %exp3A_1369, %add3A_1371 : vector<16xf32>
      %div3A_1373 = arith.divf %exp3A_1369, %add3A_1372 : vector<16xf32>
      %mul3A_1374 = arith.mulf %div3A_1373, %div3A_1373 : vector<16xf32>
      %mul3A_1375 = arith.constant 0.111111112 : f32
      %mul3A_1376 = vector.broadcast %mul3A_1375 : f32 to vector<16xf32>
      %mul3A_1377 = arith.mulf %mul3A_1374, %mul3A_1376 : vector<16xf32>
      %add3A_1378 = arith.constant 0.142857149 : f32
      %add3A_1379 = vector.broadcast %add3A_1378 : f32 to vector<16xf32>
      %add3A_1380 = arith.addf %mul3A_1377, %add3A_1379 : vector<16xf32>
      %mul3A_1381 = arith.mulf %add3A_1380, %mul3A_1374 : vector<16xf32>
      %add3A_1382 = arith.constant 2.000000e-01 : f32
      %add3A_1383 = vector.broadcast %add3A_1382 : f32 to vector<16xf32>
      %add3A_1384 = arith.addf %mul3A_1381, %add3A_1383 : vector<16xf32>
      %mul3A_1385 = arith.mulf %add3A_1384, %mul3A_1374 : vector<16xf32>
      %add3A_1386 = arith.constant 0.333333343 : f32
      %add3A_1387 = vector.broadcast %add3A_1386 : f32 to vector<16xf32>
      %add3A_1388 = arith.addf %mul3A_1385, %add3A_1387 : vector<16xf32>
      %mul3A_1389 = arith.mulf %add3A_1388, %mul3A_1374 : vector<16xf32>
      %add3A_1390 = arith.constant 1.000000e+00 : f32
      %add3A_1391 = vector.broadcast %add3A_1390 : f32 to vector<16xf32>
      %add3A_1392 = arith.addf %mul3A_1389, %add3A_1391 : vector<16xf32>
      %min3A_1393 = arith.constant 0.000000e+00 : f32
      %min3A_1394 = vector.broadcast %min3A_1393 : f32 to vector<16xf32>
      %min3A_1395 = arith.minimumf %get3A_1364, %min3A_1394 : vector<16xf32>
      %mul3A_1396 = arith.constant 2.000000e+00 : f32
      %mul3A_1397 = vector.broadcast %mul3A_1396 : f32 to vector<16xf32>
      %mul3A_1398 = arith.mulf %mul3A_1397, %div3A_1373 : vector<16xf32>
      %mul3A_1399 = arith.mulf %mul3A_1398, %add3A_1392 : vector<16xf32>
      %sub3A_1400 = arith.subf %min3A_1395, %mul3A_1399 : vector<16xf32>
      %get3A_1401 = arith.constant 240 : index
      %get3A_1402 = tpu.vector_load %arg14[%get3A_1401] {strides = array<i32>} : memref<256xi32, #tpu.memory_space<vmem>>, vector<16xi32>,
      %eq3A_1403 = arith.cmpi eq, %get3A_1402, %gather3A : vector<16xi32>
      %get3A_1404 = arith.constant 240 : index
      %get3A_1405 = tpu.vector_load %arg15[%get3A_1404] {strides = array<i32>} : memref<256xi32, #tpu.memory_space<vmem>>, vector<16xi32>,
      %eq3A_1406 = arith.cmpi eq, %get3A_1405, %gather3A_65 : vector<16xi32>
      %and3A_1407 = arith.andi %eq3A_1403, %eq3A_1406 : vector<16xi1>
      %select_n3A_1408 = arith.select %and3A_1407, %broadcast_in_dim3A_60, %broadcast_in_dim3A_58 : vector<16xi1>, vector<16xf32>
      %get3A_1409 = arith.constant 240 : index
      %get3A_1410 = tpu.vector_load %arg11[%get3A_1409] {strides = array<i32>} : memref<256xi32, #tpu.memory_space<vmem>>, vector<16xi32>,
      %convert_element_type3A_1411 = arith.sitofp %get3A_1410 : vector<16xi32> to vector<16xf32>
      %get3A_1412 = arith.constant 240 : index
      %get3A_1413 = tpu.vector_load %arg12[%get3A_1412] {strides = array<i32>} : memref<256xi32, #tpu.memory_space<vmem>>, vector<16xi32>,
      %convert_element_type3A_1414 = arith.sitofp %get3A_1413 : vector<16xi32> to vector<16xf32>
      %get3A_1415 = arith.constant 240 : index
      %get3A_1416 = tpu.vector_load %arg13[%get3A_1415] {strides = array<i32>} : memref<256xi32, #tpu.memory_space<vmem>>, vector<16xi32>,
      %convert_element_type3A_1417 = arith.sitofp %get3A_1416 : vector<16xi32> to vector<16xf32>
      %mul3A_1418 = arith.mulf %select_n3A_1408, %convert_element_type3A_1411 : vector<16xf32>
      %mul3A_1419 = arith.mulf %select_n3A_1408, %convert_element_type3A_1414 : vector<16xf32>
      %mul3A_1420 = arith.mulf %select_n3A_1408, %convert_element_type3A_1417 : vector<16xf32>
      %mul3A_1421 = arith.mulf %mul3A_1418, %convert_element_type3A_1414 : vector<16xf32>
      %mul3A_1422 = arith.mulf %mul3A_1418, %convert_element_type3A_1417 : vector<16xf32>
      %mul3A_1423 = arith.mulf %mul3A_1419, %convert_element_type3A_1417 : vector<16xf32>
      %mul3A_1424 = arith.mulf %mul3A_1421, %convert_element_type3A_1417 : vector<16xf32>
      %mul3A_1425 = arith.mulf %sub3A_1400, %select_n3A_1408 : vector<16xf32>
      %add3A_1426 = arith.addf %add3A_1339, %mul3A_1425 : vector<16xf32>
      %add3A_1427 = arith.addf %add3A_1340, %select_n3A_1408 : vector<16xf32>
      %mul3A_1428 = arith.mulf %sub3A_1400, %mul3A_1418 : vector<16xf32>
      %add3A_1429 = arith.addf %add3A_1342, %mul3A_1428 : vector<16xf32>
      %add3A_1430 = arith.addf %add3A_1343, %mul3A_1418 : vector<16xf32>
      %mul3A_1431 = arith.mulf %sub3A_1400, %mul3A_1419 : vector<16xf32>
      %add3A_1432 = arith.addf %add3A_1345, %mul3A_1431 : vector<16xf32>
      %add3A_1433 = arith.addf %add3A_1346, %mul3A_1419 : vector<16xf32>
      %mul3A_1434 = arith.mulf %sub3A_1400, %mul3A_1420 : vector<16xf32>
      %add3A_1435 = arith.addf %add3A_1348, %mul3A_1434 : vector<16xf32>
      %add3A_1436 = arith.addf %add3A_1349, %mul3A_1420 : vector<16xf32>
      %mul3A_1437 = arith.mulf %sub3A_1400, %mul3A_1421 : vector<16xf32>
      %add3A_1438 = arith.addf %add3A_1351, %mul3A_1437 : vector<16xf32>
      %add3A_1439 = arith.addf %add3A_1352, %mul3A_1421 : vector<16xf32>
      %mul3A_1440 = arith.mulf %sub3A_1400, %mul3A_1422 : vector<16xf32>
      %add3A_1441 = arith.addf %add3A_1354, %mul3A_1440 : vector<16xf32>
      %add3A_1442 = arith.addf %add3A_1355, %mul3A_1422 : vector<16xf32>
      %mul3A_1443 = arith.mulf %sub3A_1400, %mul3A_1423 : vector<16xf32>
      %add3A_1444 = arith.addf %add3A_1357, %mul3A_1443 : vector<16xf32>
      %add3A_1445 = arith.addf %add3A_1358, %mul3A_1423 : vector<16xf32>
      %mul3A_1446 = arith.mulf %sub3A_1400, %mul3A_1424 : vector<16xf32>
      %add3A_1447 = arith.addf %add3A_1360, %mul3A_1446 : vector<16xf32>
      %add3A_1448 = arith.addf %add3A_1361, %mul3A_1424 : vector<16xf32>
      %add3A_1449 = arith.addf %add3A_1362, %convert_element_type3A_1411 : vector<16xf32>
      %eq3A_1450 = arith.constant 0 : i32
      %eq3A_1451 = vector.broadcast %eq3A_1450 : i32 to vector<16xi32>
      %eq3A_1452 = arith.cmpi eq, %iota3A, %eq3A_1451 : vector<16xi32>
      %reduce_sum3A = arith.constant true
      %reduce_sum3A_1453 = vector.broadcast %reduce_sum3A : i1 to vector<16xi1>
      %reduce_sum3A_1454 = tpu.scan <sum>, %add3A_1426 masked %reduce_sum3A_1453 : vector<16xf32>, vector<16xi1> -> vector<16xf32>
      %reduce_sum3A_1455 = vector.extract %reduce_sum3A_1454[15] : f32 from vector<16xf32>
      %broadcast_in_dim3A_1456 = vector.broadcast %reduce_sum3A_1455 : f32 to vector<16xf32>
      %select_n3A_1457 = arith.select %eq3A_1452, %broadcast_in_dim3A_1456, %broadcast_in_dim3A_58 : vector<16xi1>, vector<16xf32>
      %add3A_1458 = arith.addf %broadcast_in_dim3A_58, %select_n3A_1457 : vector<16xf32>
      %eq3A_1459 = arith.constant 1 : i32
      %eq3A_1460 = vector.broadcast %eq3A_1459 : i32 to vector<16xi32>
      %eq3A_1461 = arith.cmpi eq, %iota3A, %eq3A_1460 : vector<16xi32>
      %reduce_sum3A_1462 = arith.constant true
      %reduce_sum3A_1463 = vector.broadcast %reduce_sum3A_1462 : i1 to vector<16xi1>
      %reduce_sum3A_1464 = tpu.scan <sum>, %add3A_1429 masked %reduce_sum3A_1463 : vector<16xf32>, vector<16xi1> -> vector<16xf32>
      %reduce_sum3A_1465 = vector.extract %reduce_sum3A_1464[15] : f32 from vector<16xf32>
      %broadcast_in_dim3A_1466 = vector.broadcast %reduce_sum3A_1465 : f32 to vector<16xf32>
      %select_n3A_1467 = arith.select %eq3A_1461, %broadcast_in_dim3A_1466, %broadcast_in_dim3A_58 : vector<16xi1>, vector<16xf32>
      %add3A_1468 = arith.addf %add3A_1458, %select_n3A_1467 : vector<16xf32>
      %eq3A_1469 = arith.constant 2 : i32
      %eq3A_1470 = vector.broadcast %eq3A_1469 : i32 to vector<16xi32>
      %eq3A_1471 = arith.cmpi eq, %iota3A, %eq3A_1470 : vector<16xi32>
      %reduce_sum3A_1472 = arith.constant true
      %reduce_sum3A_1473 = vector.broadcast %reduce_sum3A_1472 : i1 to vector<16xi1>
      %reduce_sum3A_1474 = tpu.scan <sum>, %add3A_1432 masked %reduce_sum3A_1473 : vector<16xf32>, vector<16xi1> -> vector<16xf32>
      %reduce_sum3A_1475 = vector.extract %reduce_sum3A_1474[15] : f32 from vector<16xf32>
      %broadcast_in_dim3A_1476 = vector.broadcast %reduce_sum3A_1475 : f32 to vector<16xf32>
      %select_n3A_1477 = arith.select %eq3A_1471, %broadcast_in_dim3A_1476, %broadcast_in_dim3A_58 : vector<16xi1>, vector<16xf32>
      %add3A_1478 = arith.addf %add3A_1468, %select_n3A_1477 : vector<16xf32>
      %eq3A_1479 = arith.constant 3 : i32
      %eq3A_1480 = vector.broadcast %eq3A_1479 : i32 to vector<16xi32>
      %eq3A_1481 = arith.cmpi eq, %iota3A, %eq3A_1480 : vector<16xi32>
      %reduce_sum3A_1482 = arith.constant true
      %reduce_sum3A_1483 = vector.broadcast %reduce_sum3A_1482 : i1 to vector<16xi1>
      %reduce_sum3A_1484 = tpu.scan <sum>, %add3A_1435 masked %reduce_sum3A_1483 : vector<16xf32>, vector<16xi1> -> vector<16xf32>
      %reduce_sum3A_1485 = vector.extract %reduce_sum3A_1484[15] : f32 from vector<16xf32>
      %broadcast_in_dim3A_1486 = vector.broadcast %reduce_sum3A_1485 : f32 to vector<16xf32>
      %select_n3A_1487 = arith.select %eq3A_1481, %broadcast_in_dim3A_1486, %broadcast_in_dim3A_58 : vector<16xi1>, vector<16xf32>
      %add3A_1488 = arith.addf %add3A_1478, %select_n3A_1487 : vector<16xf32>
      %eq3A_1489 = arith.constant 4 : i32
      %eq3A_1490 = vector.broadcast %eq3A_1489 : i32 to vector<16xi32>
      %eq3A_1491 = arith.cmpi eq, %iota3A, %eq3A_1490 : vector<16xi32>
      %reduce_sum3A_1492 = arith.constant true
      %reduce_sum3A_1493 = vector.broadcast %reduce_sum3A_1492 : i1 to vector<16xi1>
      %reduce_sum3A_1494 = tpu.scan <sum>, %add3A_1438 masked %reduce_sum3A_1493 : vector<16xf32>, vector<16xi1> -> vector<16xf32>
      %reduce_sum3A_1495 = vector.extract %reduce_sum3A_1494[15] : f32 from vector<16xf32>
      %broadcast_in_dim3A_1496 = vector.broadcast %reduce_sum3A_1495 : f32 to vector<16xf32>
      %select_n3A_1497 = arith.select %eq3A_1491, %broadcast_in_dim3A_1496, %broadcast_in_dim3A_58 : vector<16xi1>, vector<16xf32>
      %add3A_1498 = arith.addf %add3A_1488, %select_n3A_1497 : vector<16xf32>
      %eq3A_1499 = arith.constant 5 : i32
      %eq3A_1500 = vector.broadcast %eq3A_1499 : i32 to vector<16xi32>
      %eq3A_1501 = arith.cmpi eq, %iota3A, %eq3A_1500 : vector<16xi32>
      %reduce_sum3A_1502 = arith.constant true
      %reduce_sum3A_1503 = vector.broadcast %reduce_sum3A_1502 : i1 to vector<16xi1>
      %reduce_sum3A_1504 = tpu.scan <sum>, %add3A_1441 masked %reduce_sum3A_1503 : vector<16xf32>, vector<16xi1> -> vector<16xf32>
      %reduce_sum3A_1505 = vector.extract %reduce_sum3A_1504[15] : f32 from vector<16xf32>
      %broadcast_in_dim3A_1506 = vector.broadcast %reduce_sum3A_1505 : f32 to vector<16xf32>
      %select_n3A_1507 = arith.select %eq3A_1501, %broadcast_in_dim3A_1506, %broadcast_in_dim3A_58 : vector<16xi1>, vector<16xf32>
      %add3A_1508 = arith.addf %add3A_1498, %select_n3A_1507 : vector<16xf32>
      %eq3A_1509 = arith.constant 6 : i32
      %eq3A_1510 = vector.broadcast %eq3A_1509 : i32 to vector<16xi32>
      %eq3A_1511 = arith.cmpi eq, %iota3A, %eq3A_1510 : vector<16xi32>
      %reduce_sum3A_1512 = arith.constant true
      %reduce_sum3A_1513 = vector.broadcast %reduce_sum3A_1512 : i1 to vector<16xi1>
      %reduce_sum3A_1514 = tpu.scan <sum>, %add3A_1444 masked %reduce_sum3A_1513 : vector<16xf32>, vector<16xi1> -> vector<16xf32>
      %reduce_sum3A_1515 = vector.extract %reduce_sum3A_1514[15] : f32 from vector<16xf32>
      %broadcast_in_dim3A_1516 = vector.broadcast %reduce_sum3A_1515 : f32 to vector<16xf32>
      %select_n3A_1517 = arith.select %eq3A_1511, %broadcast_in_dim3A_1516, %broadcast_in_dim3A_58 : vector<16xi1>, vector<16xf32>
      %add3A_1518 = arith.addf %add3A_1508, %select_n3A_1517 : vector<16xf32>
      %eq3A_1519 = arith.constant 7 : i32
      %eq3A_1520 = vector.broadcast %eq3A_1519 : i32 to vector<16xi32>
      %eq3A_1521 = arith.cmpi eq, %iota3A, %eq3A_1520 : vector<16xi32>
      %reduce_sum3A_1522 = arith.constant true
      %reduce_sum3A_1523 = vector.broadcast %reduce_sum3A_1522 : i1 to vector<16xi1>
      %reduce_sum3A_1524 = tpu.scan <sum>, %add3A_1447 masked %reduce_sum3A_1523 : vector<16xf32>, vector<16xi1> -> vector<16xf32>
      %reduce_sum3A_1525 = vector.extract %reduce_sum3A_1524[15] : f32 from vector<16xf32>
      %broadcast_in_dim3A_1526 = vector.broadcast %reduce_sum3A_1525 : f32 to vector<16xf32>
      %select_n3A_1527 = arith.select %eq3A_1521, %broadcast_in_dim3A_1526, %broadcast_in_dim3A_58 : vector<16xi1>, vector<16xf32>
      %add3A_1528 = arith.addf %add3A_1518, %select_n3A_1527 : vector<16xf32>
      %eq3A_1529 = arith.constant 8 : i32
      %eq3A_1530 = vector.broadcast %eq3A_1529 : i32 to vector<16xi32>
      %eq3A_1531 = arith.cmpi eq, %iota3A, %eq3A_1530 : vector<16xi32>
      %reduce_sum3A_1532 = arith.constant true
      %reduce_sum3A_1533 = vector.broadcast %reduce_sum3A_1532 : i1 to vector<16xi1>
      %reduce_sum3A_1534 = tpu.scan <sum>, %add3A_1427 masked %reduce_sum3A_1533 : vector<16xf32>, vector<16xi1> -> vector<16xf32>
      %reduce_sum3A_1535 = vector.extract %reduce_sum3A_1534[15] : f32 from vector<16xf32>
      %broadcast_in_dim3A_1536 = vector.broadcast %reduce_sum3A_1535 : f32 to vector<16xf32>
      %select_n3A_1537 = arith.select %eq3A_1531, %broadcast_in_dim3A_1536, %broadcast_in_dim3A_58 : vector<16xi1>, vector<16xf32>
      %add3A_1538 = arith.addf %add3A_1528, %select_n3A_1537 : vector<16xf32>
      %eq3A_1539 = arith.constant 9 : i32
      %eq3A_1540 = vector.broadcast %eq3A_1539 : i32 to vector<16xi32>
      %eq3A_1541 = arith.cmpi eq, %iota3A, %eq3A_1540 : vector<16xi32>
      %reduce_sum3A_1542 = arith.constant true
      %reduce_sum3A_1543 = vector.broadcast %reduce_sum3A_1542 : i1 to vector<16xi1>
      %reduce_sum3A_1544 = tpu.scan <sum>, %add3A_1430 masked %reduce_sum3A_1543 : vector<16xf32>, vector<16xi1> -> vector<16xf32>
      %reduce_sum3A_1545 = vector.extract %reduce_sum3A_1544[15] : f32 from vector<16xf32>
      %broadcast_in_dim3A_1546 = vector.broadcast %reduce_sum3A_1545 : f32 to vector<16xf32>
      %select_n3A_1547 = arith.select %eq3A_1541, %broadcast_in_dim3A_1546, %broadcast_in_dim3A_58 : vector<16xi1>, vector<16xf32>
      %add3A_1548 = arith.addf %add3A_1538, %select_n3A_1547 : vector<16xf32>
      %eq3A_1549 = arith.constant 10 : i32
      %eq3A_1550 = vector.broadcast %eq3A_1549 : i32 to vector<16xi32>
      %eq3A_1551 = arith.cmpi eq, %iota3A, %eq3A_1550 : vector<16xi32>
      %reduce_sum3A_1552 = arith.constant true
      %reduce_sum3A_1553 = vector.broadcast %reduce_sum3A_1552 : i1 to vector<16xi1>
      %reduce_sum3A_1554 = tpu.scan <sum>, %add3A_1433 masked %reduce_sum3A_1553 : vector<16xf32>, vector<16xi1> -> vector<16xf32>
      %reduce_sum3A_1555 = vector.extract %reduce_sum3A_1554[15] : f32 from vector<16xf32>
      %broadcast_in_dim3A_1556 = vector.broadcast %reduce_sum3A_1555 : f32 to vector<16xf32>
      %select_n3A_1557 = arith.select %eq3A_1551, %broadcast_in_dim3A_1556, %broadcast_in_dim3A_58 : vector<16xi1>, vector<16xf32>
      %add3A_1558 = arith.addf %add3A_1548, %select_n3A_1557 : vector<16xf32>
      %eq3A_1559 = arith.constant 11 : i32
      %eq3A_1560 = vector.broadcast %eq3A_1559 : i32 to vector<16xi32>
      %eq3A_1561 = arith.cmpi eq, %iota3A, %eq3A_1560 : vector<16xi32>
      %reduce_sum3A_1562 = arith.constant true
      %reduce_sum3A_1563 = vector.broadcast %reduce_sum3A_1562 : i1 to vector<16xi1>
      %reduce_sum3A_1564 = tpu.scan <sum>, %add3A_1436 masked %reduce_sum3A_1563 : vector<16xf32>, vector<16xi1> -> vector<16xf32>
      %reduce_sum3A_1565 = vector.extract %reduce_sum3A_1564[15] : f32 from vector<16xf32>
      %broadcast_in_dim3A_1566 = vector.broadcast %reduce_sum3A_1565 : f32 to vector<16xf32>
      %select_n3A_1567 = arith.select %eq3A_1561, %broadcast_in_dim3A_1566, %broadcast_in_dim3A_58 : vector<16xi1>, vector<16xf32>
      %add3A_1568 = arith.addf %add3A_1558, %select_n3A_1567 : vector<16xf32>
      %eq3A_1569 = arith.constant 12 : i32
      %eq3A_1570 = vector.broadcast %eq3A_1569 : i32 to vector<16xi32>
      %eq3A_1571 = arith.cmpi eq, %iota3A, %eq3A_1570 : vector<16xi32>
      %reduce_sum3A_1572 = arith.constant true
      %reduce_sum3A_1573 = vector.broadcast %reduce_sum3A_1572 : i1 to vector<16xi1>
      %reduce_sum3A_1574 = tpu.scan <sum>, %add3A_1439 masked %reduce_sum3A_1573 : vector<16xf32>, vector<16xi1> -> vector<16xf32>
      %reduce_sum3A_1575 = vector.extract %reduce_sum3A_1574[15] : f32 from vector<16xf32>
      %broadcast_in_dim3A_1576 = vector.broadcast %reduce_sum3A_1575 : f32 to vector<16xf32>
      %select_n3A_1577 = arith.select %eq3A_1571, %broadcast_in_dim3A_1576, %broadcast_in_dim3A_58 : vector<16xi1>, vector<16xf32>
      %add3A_1578 = arith.addf %add3A_1568, %select_n3A_1577 : vector<16xf32>
      %eq3A_1579 = arith.constant 13 : i32
      %eq3A_1580 = vector.broadcast %eq3A_1579 : i32 to vector<16xi32>
      %eq3A_1581 = arith.cmpi eq, %iota3A, %eq3A_1580 : vector<16xi32>
      %reduce_sum3A_1582 = arith.constant true
      %reduce_sum3A_1583 = vector.broadcast %reduce_sum3A_1582 : i1 to vector<16xi1>
      %reduce_sum3A_1584 = tpu.scan <sum>, %add3A_1442 masked %reduce_sum3A_1583 : vector<16xf32>, vector<16xi1> -> vector<16xf32>
      %reduce_sum3A_1585 = vector.extract %reduce_sum3A_1584[15] : f32 from vector<16xf32>
      %broadcast_in_dim3A_1586 = vector.broadcast %reduce_sum3A_1585 : f32 to vector<16xf32>
      %select_n3A_1587 = arith.select %eq3A_1581, %broadcast_in_dim3A_1586, %broadcast_in_dim3A_58 : vector<16xi1>, vector<16xf32>
      %add3A_1588 = arith.addf %add3A_1578, %select_n3A_1587 : vector<16xf32>
      %eq3A_1589 = arith.constant 14 : i32
      %eq3A_1590 = vector.broadcast %eq3A_1589 : i32 to vector<16xi32>
      %eq3A_1591 = arith.cmpi eq, %iota3A, %eq3A_1590 : vector<16xi32>
      %reduce_sum3A_1592 = arith.constant true
      %reduce_sum3A_1593 = vector.broadcast %reduce_sum3A_1592 : i1 to vector<16xi1>
      %reduce_sum3A_1594 = tpu.scan <sum>, %add3A_1445 masked %reduce_sum3A_1593 : vector<16xf32>, vector<16xi1> -> vector<16xf32>
      %reduce_sum3A_1595 = vector.extract %reduce_sum3A_1594[15] : f32 from vector<16xf32>
      %broadcast_in_dim3A_1596 = vector.broadcast %reduce_sum3A_1595 : f32 to vector<16xf32>
      %select_n3A_1597 = arith.select %eq3A_1591, %broadcast_in_dim3A_1596, %broadcast_in_dim3A_58 : vector<16xi1>, vector<16xf32>
      %add3A_1598 = arith.addf %add3A_1588, %select_n3A_1597 : vector<16xf32>
      %eq3A_1599 = arith.constant 15 : i32
      %eq3A_1600 = vector.broadcast %eq3A_1599 : i32 to vector<16xi32>
      %eq3A_1601 = arith.cmpi eq, %iota3A, %eq3A_1600 : vector<16xi32>
      %reduce_sum3A_1602 = arith.constant true
      %reduce_sum3A_1603 = vector.broadcast %reduce_sum3A_1602 : i1 to vector<16xi1>
      %reduce_sum3A_1604 = tpu.scan <sum>, %add3A_1448 masked %reduce_sum3A_1603 : vector<16xf32>, vector<16xi1> -> vector<16xf32>
      %reduce_sum3A_1605 = vector.extract %reduce_sum3A_1604[15] : f32 from vector<16xf32>
      %broadcast_in_dim3A_1606 = vector.broadcast %reduce_sum3A_1605 : f32 to vector<16xf32>
      %select_n3A_1607 = arith.select %eq3A_1601, %broadcast_in_dim3A_1606, %broadcast_in_dim3A_58 : vector<16xi1>, vector<16xf32>
      %add3A_1608 = arith.addf %add3A_1598, %select_n3A_1607 : vector<16xf32>
      %eq3A_1609 = arith.constant 0 : i32
      %eq3A_1610 = vector.broadcast %eq3A_1609 : i32 to vector<16xi32>
      %eq3A_1611 = arith.cmpi eq, %iota3A, %eq3A_1610 : vector<16xi32>
      %reduce_sum3A_1612 = arith.constant true
      %reduce_sum3A_1613 = vector.broadcast %reduce_sum3A_1612 : i1 to vector<16xi1>
      %reduce_sum3A_1614 = tpu.scan <sum>, %add3A_1449 masked %reduce_sum3A_1613 : vector<16xf32>, vector<16xi1> -> vector<16xf32>
      %reduce_sum3A_1615 = vector.extract %reduce_sum3A_1614[15] : f32 from vector<16xf32>
      %broadcast_in_dim3A_1616 = vector.broadcast %reduce_sum3A_1615 : f32 to vector<16xf32>
      %select_n3A_1617 = arith.select %eq3A_1611, %broadcast_in_dim3A_1616, %broadcast_in_dim3A_58 : vector<16xi1>, vector<16xf32>
      %swap3A = arith.constant 0 : i32
      %swap3A_1618 = arith.index_cast %swap3A : i32 to index
      %swap3A_1619 = arith.constant 0 : index
      %swap3A_1620 = tpu.vector_load %arg17[%swap3A_1618, %swap3A_1619] {strides = array<i32>} : memref<8x16xf32, #tpu.memory_space<vmem>>, vector<16xf32>,
      tpu.vector_store %arg17[%swap3A_1618, %swap3A_1619], %add3A_1608 {strides = array<i32>} : memref<8x16xf32, #tpu.memory_space<vmem>>, vector<16xf32>,
      %swap3A_1621 = arith.constant 1 : i32
      %swap3A_1622 = arith.index_cast %swap3A_1621 : i32 to index
      %swap3A_1623 = arith.constant 0 : index
      %swap3A_1624 = tpu.vector_load %arg17[%swap3A_1622, %swap3A_1623] {strides = array<i32>} : memref<8x16xf32, #tpu.memory_space<vmem>>, vector<16xf32>,
      tpu.vector_store %arg17[%swap3A_1622, %swap3A_1623], %select_n3A_1617 {strides = array<i32>} : memref<8x16xf32, #tpu.memory_space<vmem>>, vector<16xf32>,
      %swap3A_1625 = arith.constant 2 : i32
      %swap3A_1626 = arith.index_cast %swap3A_1625 : i32 to index
      %swap3A_1627 = arith.constant 0 : index
      %swap3A_1628 = tpu.vector_load %arg17[%swap3A_1626, %swap3A_1627] {strides = array<i32>} : memref<8x16xf32, #tpu.memory_space<vmem>>, vector<16xf32>,
      tpu.vector_store %arg17[%swap3A_1626, %swap3A_1627], %broadcast_in_dim3A_58 {strides = array<i32>} : memref<8x16xf32, #tpu.memory_space<vmem>>, vector<16xf32>,
      %swap3A_1629 = arith.constant 3 : i32
      %swap3A_1630 = arith.index_cast %swap3A_1629 : i32 to index
      %swap3A_1631 = arith.constant 0 : index
      %swap3A_1632 = tpu.vector_load %arg17[%swap3A_1630, %swap3A_1631] {strides = array<i32>} : memref<8x16xf32, #tpu.memory_space<vmem>>, vector<16xf32>,
      tpu.vector_store %arg17[%swap3A_1630, %swap3A_1631], %broadcast_in_dim3A_58 {strides = array<i32>} : memref<8x16xf32, #tpu.memory_space<vmem>>, vector<16xf32>,
      %swap3A_1633 = arith.constant 4 : i32
      %swap3A_1634 = arith.index_cast %swap3A_1633 : i32 to index
      %swap3A_1635 = arith.constant 0 : index
      %swap3A_1636 = tpu.vector_load %arg17[%swap3A_1634, %swap3A_1635] {strides = array<i32>} : memref<8x16xf32, #tpu.memory_space<vmem>>, vector<16xf32>,
      tpu.vector_store %arg17[%swap3A_1634, %swap3A_1635], %broadcast_in_dim3A_58 {strides = array<i32>} : memref<8x16xf32, #tpu.memory_space<vmem>>, vector<16xf32>,
      %swap3A_1637 = arith.constant 5 : i32
      %swap3A_1638 = arith.index_cast %swap3A_1637 : i32 to index
      %swap3A_1639 = arith.constant 0 : index
      %swap3A_1640 = tpu.vector_load %arg17[%swap3A_1638, %swap3A_1639] {strides = array<i32>} : memref<8x16xf32, #tpu.memory_space<vmem>>, vector<16xf32>,
      tpu.vector_store %arg17[%swap3A_1638, %swap3A_1639], %broadcast_in_dim3A_58 {strides = array<i32>} : memref<8x16xf32, #tpu.memory_space<vmem>>, vector<16xf32>,
      %swap3A_1641 = arith.constant 6 : i32
      %swap3A_1642 = arith.index_cast %swap3A_1641 : i32 to index
      %swap3A_1643 = arith.constant 0 : index
      %swap3A_1644 = tpu.vector_load %arg17[%swap3A_1642, %swap3A_1643] {strides = array<i32>} : memref<8x16xf32, #tpu.memory_space<vmem>>, vector<16xf32>,
      tpu.vector_store %arg17[%swap3A_1642, %swap3A_1643], %broadcast_in_dim3A_58 {strides = array<i32>} : memref<8x16xf32, #tpu.memory_space<vmem>>, vector<16xf32>,
      %swap3A_1645 = arith.constant 7 : i32
      %swap3A_1646 = arith.index_cast %swap3A_1645 : i32 to index
      %swap3A_1647 = arith.constant 0 : index
      %swap3A_1648 = tpu.vector_load %arg17[%swap3A_1646, %swap3A_1647] {strides = array<i32>} : memref<8x16xf32, #tpu.memory_space<vmem>>, vector<16xf32>,
      tpu.vector_store %arg17[%swap3A_1646, %swap3A_1647], %broadcast_in_dim3A_58 {strides = array<i32>} : memref<8x16xf32, #tpu.memory_space<vmem>>, vector<16xf32>,
      %mul3A_1649 = arith.constant 8 : i32
      %mul3A_1650 = arith.muli %arg1, %mul3A_1649 : i32
      "tpu.region"() ({
        %run_scoped3A = tpu.sem_alloc : memref<!tpu.dma_semaphore, #tpu.memory_space<semaphore_mem>>
        %dma_start3A_1651 = arith.constant 0 : i32
        %dma_start3A_1652 = tpu.memref_slice %arg9[%mul3A_1650, %dma_start3A_1651] : memref<128x16xf32, #tpu.memory_space<hbm>> -> memref<8x16xf32, #tpu.memory_space<hbm>>
        %dma_start3A_1653 = arith.constant 0 : i32
        %dma_start3A_1654 = tpu.memref_slice %arg9[%mul3A_1650, %dma_start3A_1653] : memref<128x16xf32, #tpu.memory_space<hbm>> -> memref<8x16xf32, #tpu.memory_space<hbm>>
        tpu.enqueue_dma source(%arg17 : memref<8x16xf32, #tpu.memory_space<vmem>>) target(%dma_start3A_1654 : memref<8x16xf32, #tpu.memory_space<hbm>>) target_semaphore(%run_scoped3A : memref<!tpu.dma_semaphore, #tpu.memory_space<semaphore_mem>>)
        %dma_wait3A_1655 = arith.constant 0 : i32
        %dma_wait3A_1656 = tpu.memref_slice %arg9[%mul3A_1650, %dma_wait3A_1655] : memref<128x16xf32, #tpu.memory_space<hbm>> -> memref<8x16xf32, #tpu.memory_space<hbm>>
        %dma_wait3A_1657 = arith.constant 0 : i32
        %dma_wait3A_1658 = tpu.memref_slice %arg9[%mul3A_1650, %dma_wait3A_1657] : memref<128x16xf32, #tpu.memory_space<hbm>> -> memref<8x16xf32, #tpu.memory_space<hbm>>
        tpu.wait_dma2 semaphore(%run_scoped3A : memref<!tpu.dma_semaphore, #tpu.memory_space<semaphore_mem>>) src(%arg17 : memref<8x16xf32, #tpu.memory_space<vmem>>) dst(%dma_wait3A_1658 : memref<8x16xf32, #tpu.memory_space<hbm>>)
        tpu.yield
      }) : () -> ()
    } else {
    }
    %barrier3A = arith.constant 0 : index
    tpu.barrier barrier_id(%barrier3A)
    %eq3A_2 = arith.constant 0 : i32
    %eq3A_3 = arith.cmpi eq, %arg0, %eq3A_2 : i32
    %eq3A_4 = arith.constant 0 : i32
    %eq3A_5 = arith.cmpi eq, %arg1, %eq3A_4 : i32
    %and3A = arith.andi %eq3A_3, %eq3A_5 : i1
    %convert_element_type3A_6 = arith.extui %and3A : i1 to i32
    %cond3A_7 = arith.constant 0 : i32
    %cond3A_8 = arith.cmpi ne, %convert_element_type3A_6, %cond3A_7 : i32
    scf.if %cond3A_8 {
      "tpu.region"() ({
        %run_scoped3A = tpu.sem_alloc : memref<!tpu.dma_semaphore, #tpu.memory_space<semaphore_mem>>
        tpu.enqueue_dma source(%arg9 : memref<128x16xf32, #tpu.memory_space<hbm>>) target(%arg18 : memref<128x16xf32, #tpu.memory_space<vmem>>) target_semaphore(%run_scoped3A : memref<!tpu.dma_semaphore, #tpu.memory_space<semaphore_mem>>)
        tpu.wait_dma2 semaphore(%run_scoped3A : memref<!tpu.dma_semaphore, #tpu.memory_space<semaphore_mem>>) src(%arg9 : memref<128x16xf32, #tpu.memory_space<hbm>>) dst(%arg18 : memref<128x16xf32, #tpu.memory_space<vmem>>)
        tpu.yield
      }) : () -> ()
      %broadcast_in_dim3A = arith.constant 0.000000e+00 : f32
      %broadcast_in_dim3A_9 = vector.broadcast %broadcast_in_dim3A : f32 to vector<16xf32>
      %broadcast_in_dim3A_10 = arith.constant 1.000000e+00 : f32
      %broadcast_in_dim3A_11 = vector.broadcast %broadcast_in_dim3A_10 : f32 to vector<16xf32>
      %iota3A = tpu.iota {dimensions = array<i32: 0>} : vector<16xi32>
      %get3A = arith.constant 0 : i32
      %get3A_12 = arith.index_cast %get3A : i32 to index
      %get3A_13 = arith.constant 0 : index
      %get3A_14 = tpu.vector_load %arg18[%get3A_12, %get3A_13] {strides = array<i32>} : memref<128x16xf32, #tpu.memory_space<vmem>>, vector<16xf32>,
      %get3A_15 = arith.constant 1 : i32
      %get3A_16 = arith.index_cast %get3A_15 : i32 to index
      %get3A_17 = arith.constant 0 : index
      %get3A_18 = tpu.vector_load %arg18[%get3A_16, %get3A_17] {strides = array<i32>} : memref<128x16xf32, #tpu.memory_space<vmem>>, vector<16xf32>,
      %get3A_19 = arith.constant 8 : i32
      %get3A_20 = arith.index_cast %get3A_19 : i32 to index
      %get3A_21 = arith.constant 0 : index
      %get3A_22 = tpu.vector_load %arg18[%get3A_20, %get3A_21] {strides = array<i32>} : memref<128x16xf32, #tpu.memory_space<vmem>>, vector<16xf32>,
      %add3A = arith.addf %get3A_14, %get3A_22 : vector<16xf32>
      %get3A_23 = arith.constant 9 : i32
      %get3A_24 = arith.index_cast %get3A_23 : i32 to index
      %get3A_25 = arith.constant 0 : index
      %get3A_26 = tpu.vector_load %arg18[%get3A_24, %get3A_25] {strides = array<i32>} : memref<128x16xf32, #tpu.memory_space<vmem>>, vector<16xf32>,
      %add3A_27 = arith.addf %get3A_18, %get3A_26 : vector<16xf32>
      %get3A_28 = arith.constant 16 : i32
      %get3A_29 = arith.index_cast %get3A_28 : i32 to index
      %get3A_30 = arith.constant 0 : index
      %get3A_31 = tpu.vector_load %arg18[%get3A_29, %get3A_30] {strides = array<i32>} : memref<128x16xf32, #tpu.memory_space<vmem>>, vector<16xf32>,
      %add3A_32 = arith.addf %add3A, %get3A_31 : vector<16xf32>
      %get3A_33 = arith.constant 17 : i32
      %get3A_34 = arith.index_cast %get3A_33 : i32 to index
      %get3A_35 = arith.constant 0 : index
      %get3A_36 = tpu.vector_load %arg18[%get3A_34, %get3A_35] {strides = array<i32>} : memref<128x16xf32, #tpu.memory_space<vmem>>, vector<16xf32>,
      %add3A_37 = arith.addf %add3A_27, %get3A_36 : vector<16xf32>
      %get3A_38 = arith.constant 24 : i32
      %get3A_39 = arith.index_cast %get3A_38 : i32 to index
      %get3A_40 = arith.constant 0 : index
      %get3A_41 = tpu.vector_load %arg18[%get3A_39, %get3A_40] {strides = array<i32>} : memref<128x16xf32, #tpu.memory_space<vmem>>, vector<16xf32>,
      %add3A_42 = arith.addf %add3A_32, %get3A_41 : vector<16xf32>
      %get3A_43 = arith.constant 25 : i32
      %get3A_44 = arith.index_cast %get3A_43 : i32 to index
      %get3A_45 = arith.constant 0 : index
      %get3A_46 = tpu.vector_load %arg18[%get3A_44, %get3A_45] {strides = array<i32>} : memref<128x16xf32, #tpu.memory_space<vmem>>, vector<16xf32>,
      %add3A_47 = arith.addf %add3A_37, %get3A_46 : vector<16xf32>
      %get3A_48 = arith.constant 32 : i32
      %get3A_49 = arith.index_cast %get3A_48 : i32 to index
      %get3A_50 = arith.constant 0 : index
      %get3A_51 = tpu.vector_load %arg18[%get3A_49, %get3A_50] {strides = array<i32>} : memref<128x16xf32, #tpu.memory_space<vmem>>, vector<16xf32>,
      %add3A_52 = arith.addf %add3A_42, %get3A_51 : vector<16xf32>
      %get3A_53 = arith.constant 33 : i32
      %get3A_54 = arith.index_cast %get3A_53 : i32 to index
      %get3A_55 = arith.constant 0 : index
      %get3A_56 = tpu.vector_load %arg18[%get3A_54, %get3A_55] {strides = array<i32>} : memref<128x16xf32, #tpu.memory_space<vmem>>, vector<16xf32>,
      %add3A_57 = arith.addf %add3A_47, %get3A_56 : vector<16xf32>
      %get3A_58 = arith.constant 40 : i32
      %get3A_59 = arith.index_cast %get3A_58 : i32 to index
      %get3A_60 = arith.constant 0 : index
      %get3A_61 = tpu.vector_load %arg18[%get3A_59, %get3A_60] {strides = array<i32>} : memref<128x16xf32, #tpu.memory_space<vmem>>, vector<16xf32>,
      %add3A_62 = arith.addf %add3A_52, %get3A_61 : vector<16xf32>
      %get3A_63 = arith.constant 41 : i32
      %get3A_64 = arith.index_cast %get3A_63 : i32 to index
      %get3A_65 = arith.constant 0 : index
      %get3A_66 = tpu.vector_load %arg18[%get3A_64, %get3A_65] {strides = array<i32>} : memref<128x16xf32, #tpu.memory_space<vmem>>, vector<16xf32>,
      %add3A_67 = arith.addf %add3A_57, %get3A_66 : vector<16xf32>
      %get3A_68 = arith.constant 48 : i32
      %get3A_69 = arith.index_cast %get3A_68 : i32 to index
      %get3A_70 = arith.constant 0 : index
      %get3A_71 = tpu.vector_load %arg18[%get3A_69, %get3A_70] {strides = array<i32>} : memref<128x16xf32, #tpu.memory_space<vmem>>, vector<16xf32>,
      %add3A_72 = arith.addf %add3A_62, %get3A_71 : vector<16xf32>
      %get3A_73 = arith.constant 49 : i32
      %get3A_74 = arith.index_cast %get3A_73 : i32 to index
      %get3A_75 = arith.constant 0 : index
      %get3A_76 = tpu.vector_load %arg18[%get3A_74, %get3A_75] {strides = array<i32>} : memref<128x16xf32, #tpu.memory_space<vmem>>, vector<16xf32>,
      %add3A_77 = arith.addf %add3A_67, %get3A_76 : vector<16xf32>
      %get3A_78 = arith.constant 56 : i32
      %get3A_79 = arith.index_cast %get3A_78 : i32 to index
      %get3A_80 = arith.constant 0 : index
      %get3A_81 = tpu.vector_load %arg18[%get3A_79, %get3A_80] {strides = array<i32>} : memref<128x16xf32, #tpu.memory_space<vmem>>, vector<16xf32>,
      %add3A_82 = arith.addf %add3A_72, %get3A_81 : vector<16xf32>
      %get3A_83 = arith.constant 57 : i32
      %get3A_84 = arith.index_cast %get3A_83 : i32 to index
      %get3A_85 = arith.constant 0 : index
      %get3A_86 = tpu.vector_load %arg18[%get3A_84, %get3A_85] {strides = array<i32>} : memref<128x16xf32, #tpu.memory_space<vmem>>, vector<16xf32>,
      %add3A_87 = arith.addf %add3A_77, %get3A_86 : vector<16xf32>
      %get3A_88 = arith.constant 64 : i32
      %get3A_89 = arith.index_cast %get3A_88 : i32 to index
      %get3A_90 = arith.constant 0 : index
      %get3A_91 = tpu.vector_load %arg18[%get3A_89, %get3A_90] {strides = array<i32>} : memref<128x16xf32, #tpu.memory_space<vmem>>, vector<16xf32>,
      %add3A_92 = arith.addf %add3A_82, %get3A_91 : vector<16xf32>
      %get3A_93 = arith.constant 65 : i32
      %get3A_94 = arith.index_cast %get3A_93 : i32 to index
      %get3A_95 = arith.constant 0 : index
      %get3A_96 = tpu.vector_load %arg18[%get3A_94, %get3A_95] {strides = array<i32>} : memref<128x16xf32, #tpu.memory_space<vmem>>, vector<16xf32>,
      %add3A_97 = arith.addf %add3A_87, %get3A_96 : vector<16xf32>
      %get3A_98 = arith.constant 72 : i32
      %get3A_99 = arith.index_cast %get3A_98 : i32 to index
      %get3A_100 = arith.constant 0 : index
      %get3A_101 = tpu.vector_load %arg18[%get3A_99, %get3A_100] {strides = array<i32>} : memref<128x16xf32, #tpu.memory_space<vmem>>, vector<16xf32>,
      %add3A_102 = arith.addf %add3A_92, %get3A_101 : vector<16xf32>
      %get3A_103 = arith.constant 73 : i32
      %get3A_104 = arith.index_cast %get3A_103 : i32 to index
      %get3A_105 = arith.constant 0 : index
      %get3A_106 = tpu.vector_load %arg18[%get3A_104, %get3A_105] {strides = array<i32>} : memref<128x16xf32, #tpu.memory_space<vmem>>, vector<16xf32>,
      %add3A_107 = arith.addf %add3A_97, %get3A_106 : vector<16xf32>
      %get3A_108 = arith.constant 80 : i32
      %get3A_109 = arith.index_cast %get3A_108 : i32 to index
      %get3A_110 = arith.constant 0 : index
      %get3A_111 = tpu.vector_load %arg18[%get3A_109, %get3A_110] {strides = array<i32>} : memref<128x16xf32, #tpu.memory_space<vmem>>, vector<16xf32>,
      %add3A_112 = arith.addf %add3A_102, %get3A_111 : vector<16xf32>
      %get3A_113 = arith.constant 81 : i32
      %get3A_114 = arith.index_cast %get3A_113 : i32 to index
      %get3A_115 = arith.constant 0 : index
      %get3A_116 = tpu.vector_load %arg18[%get3A_114, %get3A_115] {strides = array<i32>} : memref<128x16xf32, #tpu.memory_space<vmem>>, vector<16xf32>,
      %add3A_117 = arith.addf %add3A_107, %get3A_116 : vector<16xf32>
      %get3A_118 = arith.constant 88 : i32
      %get3A_119 = arith.index_cast %get3A_118 : i32 to index
      %get3A_120 = arith.constant 0 : index
      %get3A_121 = tpu.vector_load %arg18[%get3A_119, %get3A_120] {strides = array<i32>} : memref<128x16xf32, #tpu.memory_space<vmem>>, vector<16xf32>,
      %add3A_122 = arith.addf %add3A_112, %get3A_121 : vector<16xf32>
      %get3A_123 = arith.constant 89 : i32
      %get3A_124 = arith.index_cast %get3A_123 : i32 to index
      %get3A_125 = arith.constant 0 : index
      %get3A_126 = tpu.vector_load %arg18[%get3A_124, %get3A_125] {strides = array<i32>} : memref<128x16xf32, #tpu.memory_space<vmem>>, vector<16xf32>,
      %add3A_127 = arith.addf %add3A_117, %get3A_126 : vector<16xf32>
      %get3A_128 = arith.constant 96 : i32
      %get3A_129 = arith.index_cast %get3A_128 : i32 to index
      %get3A_130 = arith.constant 0 : index
      %get3A_131 = tpu.vector_load %arg18[%get3A_129, %get3A_130] {strides = array<i32>} : memref<128x16xf32, #tpu.memory_space<vmem>>, vector<16xf32>,
      %add3A_132 = arith.addf %add3A_122, %get3A_131 : vector<16xf32>
      %get3A_133 = arith.constant 97 : i32
      %get3A_134 = arith.index_cast %get3A_133 : i32 to index
      %get3A_135 = arith.constant 0 : index
      %get3A_136 = tpu.vector_load %arg18[%get3A_134, %get3A_135] {strides = array<i32>} : memref<128x16xf32, #tpu.memory_space<vmem>>, vector<16xf32>,
      %add3A_137 = arith.addf %add3A_127, %get3A_136 : vector<16xf32>
      %get3A_138 = arith.constant 104 : i32
      %get3A_139 = arith.index_cast %get3A_138 : i32 to index
      %get3A_140 = arith.constant 0 : index
      %get3A_141 = tpu.vector_load %arg18[%get3A_139, %get3A_140] {strides = array<i32>} : memref<128x16xf32, #tpu.memory_space<vmem>>, vector<16xf32>,
      %add3A_142 = arith.addf %add3A_132, %get3A_141 : vector<16xf32>
      %get3A_143 = arith.constant 105 : i32
      %get3A_144 = arith.index_cast %get3A_143 : i32 to index
      %get3A_145 = arith.constant 0 : index
      %get3A_146 = tpu.vector_load %arg18[%get3A_144, %get3A_145] {strides = array<i32>} : memref<128x16xf32, #tpu.memory_space<vmem>>, vector<16xf32>,
      %add3A_147 = arith.addf %add3A_137, %get3A_146 : vector<16xf32>
      %get3A_148 = arith.constant 112 : i32
      %get3A_149 = arith.index_cast %get3A_148 : i32 to index
      %get3A_150 = arith.constant 0 : index
      %get3A_151 = tpu.vector_load %arg18[%get3A_149, %get3A_150] {strides = array<i32>} : memref<128x16xf32, #tpu.memory_space<vmem>>, vector<16xf32>,
      %add3A_152 = arith.addf %add3A_142, %get3A_151 : vector<16xf32>
      %get3A_153 = arith.constant 113 : i32
      %get3A_154 = arith.index_cast %get3A_153 : i32 to index
      %get3A_155 = arith.constant 0 : index
      %get3A_156 = tpu.vector_load %arg18[%get3A_154, %get3A_155] {strides = array<i32>} : memref<128x16xf32, #tpu.memory_space<vmem>>, vector<16xf32>,
      %add3A_157 = arith.addf %add3A_147, %get3A_156 : vector<16xf32>
      %get3A_158 = arith.constant 120 : i32
      %get3A_159 = arith.index_cast %get3A_158 : i32 to index
      %get3A_160 = arith.constant 0 : index
      %get3A_161 = tpu.vector_load %arg18[%get3A_159, %get3A_160] {strides = array<i32>} : memref<128x16xf32, #tpu.memory_space<vmem>>, vector<16xf32>,
      %add3A_162 = arith.addf %add3A_152, %get3A_161 : vector<16xf32>
      %get3A_163 = arith.constant 121 : i32
      %get3A_164 = arith.index_cast %get3A_163 : i32 to index
      %get3A_165 = arith.constant 0 : index
      %get3A_166 = tpu.vector_load %arg18[%get3A_164, %get3A_165] {strides = array<i32>} : memref<128x16xf32, #tpu.memory_space<vmem>>, vector<16xf32>,
      %add3A_167 = arith.addf %add3A_157, %get3A_166 : vector<16xf32>
      %eq3A_168 = arith.constant 0 : i32
      %eq3A_169 = vector.broadcast %eq3A_168 : i32 to vector<16xi32>
      %eq3A_170 = arith.cmpi eq, %iota3A, %eq3A_169 : vector<16xi32>
      %select_n3A = arith.select %eq3A_170, %add3A_162, %broadcast_in_dim3A_9 : vector<16xi1>, vector<16xf32>
      %reduce_sum3A = arith.constant true
      %reduce_sum3A_171 = vector.broadcast %reduce_sum3A : i1 to vector<16xi1>
      %reduce_sum3A_172 = tpu.scan <sum>, %select_n3A masked %reduce_sum3A_171 : vector<16xf32>, vector<16xi1> -> vector<16xf32>
      %reduce_sum3A_173 = vector.extract %reduce_sum3A_172[15] : f32 from vector<16xf32>
      %broadcast_in_dim3A_174 = vector.broadcast %reduce_sum3A_173 : f32 to vector<16xf32>
      %eq3A_175 = arith.constant 1 : i32
      %eq3A_176 = vector.broadcast %eq3A_175 : i32 to vector<16xi32>
      %eq3A_177 = arith.cmpi eq, %iota3A, %eq3A_176 : vector<16xi32>
      %select_n3A_178 = arith.select %eq3A_177, %add3A_162, %broadcast_in_dim3A_9 : vector<16xi1>, vector<16xf32>
      %reduce_sum3A_179 = arith.constant true
      %reduce_sum3A_180 = vector.broadcast %reduce_sum3A_179 : i1 to vector<16xi1>
      %reduce_sum3A_181 = tpu.scan <sum>, %select_n3A_178 masked %reduce_sum3A_180 : vector<16xf32>, vector<16xi1> -> vector<16xf32>
      %reduce_sum3A_182 = vector.extract %reduce_sum3A_181[15] : f32 from vector<16xf32>
      %broadcast_in_dim3A_183 = vector.broadcast %reduce_sum3A_182 : f32 to vector<16xf32>
      %eq3A_184 = arith.constant 2 : i32
      %eq3A_185 = vector.broadcast %eq3A_184 : i32 to vector<16xi32>
      %eq3A_186 = arith.cmpi eq, %iota3A, %eq3A_185 : vector<16xi32>
      %select_n3A_187 = arith.select %eq3A_186, %add3A_162, %broadcast_in_dim3A_9 : vector<16xi1>, vector<16xf32>
      %reduce_sum3A_188 = arith.constant true
      %reduce_sum3A_189 = vector.broadcast %reduce_sum3A_188 : i1 to vector<16xi1>
      %reduce_sum3A_190 = tpu.scan <sum>, %select_n3A_187 masked %reduce_sum3A_189 : vector<16xf32>, vector<16xi1> -> vector<16xf32>
      %reduce_sum3A_191 = vector.extract %reduce_sum3A_190[15] : f32 from vector<16xf32>
      %broadcast_in_dim3A_192 = vector.broadcast %reduce_sum3A_191 : f32 to vector<16xf32>
      %eq3A_193 = arith.constant 3 : i32
      %eq3A_194 = vector.broadcast %eq3A_193 : i32 to vector<16xi32>
      %eq3A_195 = arith.cmpi eq, %iota3A, %eq3A_194 : vector<16xi32>
      %select_n3A_196 = arith.select %eq3A_195, %add3A_162, %broadcast_in_dim3A_9 : vector<16xi1>, vector<16xf32>
      %reduce_sum3A_197 = arith.constant true
      %reduce_sum3A_198 = vector.broadcast %reduce_sum3A_197 : i1 to vector<16xi1>
      %reduce_sum3A_199 = tpu.scan <sum>, %select_n3A_196 masked %reduce_sum3A_198 : vector<16xf32>, vector<16xi1> -> vector<16xf32>
      %reduce_sum3A_200 = vector.extract %reduce_sum3A_199[15] : f32 from vector<16xf32>
      %broadcast_in_dim3A_201 = vector.broadcast %reduce_sum3A_200 : f32 to vector<16xf32>
      %eq3A_202 = arith.constant 4 : i32
      %eq3A_203 = vector.broadcast %eq3A_202 : i32 to vector<16xi32>
      %eq3A_204 = arith.cmpi eq, %iota3A, %eq3A_203 : vector<16xi32>
      %select_n3A_205 = arith.select %eq3A_204, %add3A_162, %broadcast_in_dim3A_9 : vector<16xi1>, vector<16xf32>
      %reduce_sum3A_206 = arith.constant true
      %reduce_sum3A_207 = vector.broadcast %reduce_sum3A_206 : i1 to vector<16xi1>
      %reduce_sum3A_208 = tpu.scan <sum>, %select_n3A_205 masked %reduce_sum3A_207 : vector<16xf32>, vector<16xi1> -> vector<16xf32>
      %reduce_sum3A_209 = vector.extract %reduce_sum3A_208[15] : f32 from vector<16xf32>
      %broadcast_in_dim3A_210 = vector.broadcast %reduce_sum3A_209 : f32 to vector<16xf32>
      %eq3A_211 = arith.constant 5 : i32
      %eq3A_212 = vector.broadcast %eq3A_211 : i32 to vector<16xi32>
      %eq3A_213 = arith.cmpi eq, %iota3A, %eq3A_212 : vector<16xi32>
      %select_n3A_214 = arith.select %eq3A_213, %add3A_162, %broadcast_in_dim3A_9 : vector<16xi1>, vector<16xf32>
      %reduce_sum3A_215 = arith.constant true
      %reduce_sum3A_216 = vector.broadcast %reduce_sum3A_215 : i1 to vector<16xi1>
      %reduce_sum3A_217 = tpu.scan <sum>, %select_n3A_214 masked %reduce_sum3A_216 : vector<16xf32>, vector<16xi1> -> vector<16xf32>
      %reduce_sum3A_218 = vector.extract %reduce_sum3A_217[15] : f32 from vector<16xf32>
      %broadcast_in_dim3A_219 = vector.broadcast %reduce_sum3A_218 : f32 to vector<16xf32>
      %eq3A_220 = arith.constant 6 : i32
      %eq3A_221 = vector.broadcast %eq3A_220 : i32 to vector<16xi32>
      %eq3A_222 = arith.cmpi eq, %iota3A, %eq3A_221 : vector<16xi32>
      %select_n3A_223 = arith.select %eq3A_222, %add3A_162, %broadcast_in_dim3A_9 : vector<16xi1>, vector<16xf32>
      %reduce_sum3A_224 = arith.constant true
      %reduce_sum3A_225 = vector.broadcast %reduce_sum3A_224 : i1 to vector<16xi1>
      %reduce_sum3A_226 = tpu.scan <sum>, %select_n3A_223 masked %reduce_sum3A_225 : vector<16xf32>, vector<16xi1> -> vector<16xf32>
      %reduce_sum3A_227 = vector.extract %reduce_sum3A_226[15] : f32 from vector<16xf32>
      %broadcast_in_dim3A_228 = vector.broadcast %reduce_sum3A_227 : f32 to vector<16xf32>
      %eq3A_229 = arith.constant 7 : i32
      %eq3A_230 = vector.broadcast %eq3A_229 : i32 to vector<16xi32>
      %eq3A_231 = arith.cmpi eq, %iota3A, %eq3A_230 : vector<16xi32>
      %select_n3A_232 = arith.select %eq3A_231, %add3A_162, %broadcast_in_dim3A_9 : vector<16xi1>, vector<16xf32>
      %reduce_sum3A_233 = arith.constant true
      %reduce_sum3A_234 = vector.broadcast %reduce_sum3A_233 : i1 to vector<16xi1>
      %reduce_sum3A_235 = tpu.scan <sum>, %select_n3A_232 masked %reduce_sum3A_234 : vector<16xf32>, vector<16xi1> -> vector<16xf32>
      %reduce_sum3A_236 = vector.extract %reduce_sum3A_235[15] : f32 from vector<16xf32>
      %broadcast_in_dim3A_237 = vector.broadcast %reduce_sum3A_236 : f32 to vector<16xf32>
      %eq3A_238 = arith.constant 8 : i32
      %eq3A_239 = vector.broadcast %eq3A_238 : i32 to vector<16xi32>
      %eq3A_240 = arith.cmpi eq, %iota3A, %eq3A_239 : vector<16xi32>
      %select_n3A_241 = arith.select %eq3A_240, %add3A_162, %broadcast_in_dim3A_9 : vector<16xi1>, vector<16xf32>
      %reduce_sum3A_242 = arith.constant true
      %reduce_sum3A_243 = vector.broadcast %reduce_sum3A_242 : i1 to vector<16xi1>
      %reduce_sum3A_244 = tpu.scan <sum>, %select_n3A_241 masked %reduce_sum3A_243 : vector<16xf32>, vector<16xi1> -> vector<16xf32>
      %reduce_sum3A_245 = vector.extract %reduce_sum3A_244[15] : f32 from vector<16xf32>
      %broadcast_in_dim3A_246 = vector.broadcast %reduce_sum3A_245 : f32 to vector<16xf32>
      %eq3A_247 = arith.constant 9 : i32
      %eq3A_248 = vector.broadcast %eq3A_247 : i32 to vector<16xi32>
      %eq3A_249 = arith.cmpi eq, %iota3A, %eq3A_248 : vector<16xi32>
      %select_n3A_250 = arith.select %eq3A_249, %add3A_162, %broadcast_in_dim3A_9 : vector<16xi1>, vector<16xf32>
      %reduce_sum3A_251 = arith.constant true
      %reduce_sum3A_252 = vector.broadcast %reduce_sum3A_251 : i1 to vector<16xi1>
      %reduce_sum3A_253 = tpu.scan <sum>, %select_n3A_250 masked %reduce_sum3A_252 : vector<16xf32>, vector<16xi1> -> vector<16xf32>
      %reduce_sum3A_254 = vector.extract %reduce_sum3A_253[15] : f32 from vector<16xf32>
      %broadcast_in_dim3A_255 = vector.broadcast %reduce_sum3A_254 : f32 to vector<16xf32>
      %eq3A_256 = arith.constant 10 : i32
      %eq3A_257 = vector.broadcast %eq3A_256 : i32 to vector<16xi32>
      %eq3A_258 = arith.cmpi eq, %iota3A, %eq3A_257 : vector<16xi32>
      %select_n3A_259 = arith.select %eq3A_258, %add3A_162, %broadcast_in_dim3A_9 : vector<16xi1>, vector<16xf32>
      %reduce_sum3A_260 = arith.constant true
      %reduce_sum3A_261 = vector.broadcast %reduce_sum3A_260 : i1 to vector<16xi1>
      %reduce_sum3A_262 = tpu.scan <sum>, %select_n3A_259 masked %reduce_sum3A_261 : vector<16xf32>, vector<16xi1> -> vector<16xf32>
      %reduce_sum3A_263 = vector.extract %reduce_sum3A_262[15] : f32 from vector<16xf32>
      %broadcast_in_dim3A_264 = vector.broadcast %reduce_sum3A_263 : f32 to vector<16xf32>
      %eq3A_265 = arith.constant 11 : i32
      %eq3A_266 = vector.broadcast %eq3A_265 : i32 to vector<16xi32>
      %eq3A_267 = arith.cmpi eq, %iota3A, %eq3A_266 : vector<16xi32>
      %select_n3A_268 = arith.select %eq3A_267, %add3A_162, %broadcast_in_dim3A_9 : vector<16xi1>, vector<16xf32>
      %reduce_sum3A_269 = arith.constant true
      %reduce_sum3A_270 = vector.broadcast %reduce_sum3A_269 : i1 to vector<16xi1>
      %reduce_sum3A_271 = tpu.scan <sum>, %select_n3A_268 masked %reduce_sum3A_270 : vector<16xf32>, vector<16xi1> -> vector<16xf32>
      %reduce_sum3A_272 = vector.extract %reduce_sum3A_271[15] : f32 from vector<16xf32>
      %broadcast_in_dim3A_273 = vector.broadcast %reduce_sum3A_272 : f32 to vector<16xf32>
      %eq3A_274 = arith.constant 12 : i32
      %eq3A_275 = vector.broadcast %eq3A_274 : i32 to vector<16xi32>
      %eq3A_276 = arith.cmpi eq, %iota3A, %eq3A_275 : vector<16xi32>
      %select_n3A_277 = arith.select %eq3A_276, %add3A_162, %broadcast_in_dim3A_9 : vector<16xi1>, vector<16xf32>
      %reduce_sum3A_278 = arith.constant true
      %reduce_sum3A_279 = vector.broadcast %reduce_sum3A_278 : i1 to vector<16xi1>
      %reduce_sum3A_280 = tpu.scan <sum>, %select_n3A_277 masked %reduce_sum3A_279 : vector<16xf32>, vector<16xi1> -> vector<16xf32>
      %reduce_sum3A_281 = vector.extract %reduce_sum3A_280[15] : f32 from vector<16xf32>
      %broadcast_in_dim3A_282 = vector.broadcast %reduce_sum3A_281 : f32 to vector<16xf32>
      %eq3A_283 = arith.constant 13 : i32
      %eq3A_284 = vector.broadcast %eq3A_283 : i32 to vector<16xi32>
      %eq3A_285 = arith.cmpi eq, %iota3A, %eq3A_284 : vector<16xi32>
      %select_n3A_286 = arith.select %eq3A_285, %add3A_162, %broadcast_in_dim3A_9 : vector<16xi1>, vector<16xf32>
      %reduce_sum3A_287 = arith.constant true
      %reduce_sum3A_288 = vector.broadcast %reduce_sum3A_287 : i1 to vector<16xi1>
      %reduce_sum3A_289 = tpu.scan <sum>, %select_n3A_286 masked %reduce_sum3A_288 : vector<16xf32>, vector<16xi1> -> vector<16xf32>
      %reduce_sum3A_290 = vector.extract %reduce_sum3A_289[15] : f32 from vector<16xf32>
      %broadcast_in_dim3A_291 = vector.broadcast %reduce_sum3A_290 : f32 to vector<16xf32>
      %eq3A_292 = arith.constant 14 : i32
      %eq3A_293 = vector.broadcast %eq3A_292 : i32 to vector<16xi32>
      %eq3A_294 = arith.cmpi eq, %iota3A, %eq3A_293 : vector<16xi32>
      %select_n3A_295 = arith.select %eq3A_294, %add3A_162, %broadcast_in_dim3A_9 : vector<16xi1>, vector<16xf32>
      %reduce_sum3A_296 = arith.constant true
      %reduce_sum3A_297 = vector.broadcast %reduce_sum3A_296 : i1 to vector<16xi1>
      %reduce_sum3A_298 = tpu.scan <sum>, %select_n3A_295 masked %reduce_sum3A_297 : vector<16xf32>, vector<16xi1> -> vector<16xf32>
      %reduce_sum3A_299 = vector.extract %reduce_sum3A_298[15] : f32 from vector<16xf32>
      %broadcast_in_dim3A_300 = vector.broadcast %reduce_sum3A_299 : f32 to vector<16xf32>
      %eq3A_301 = arith.constant 15 : i32
      %eq3A_302 = vector.broadcast %eq3A_301 : i32 to vector<16xi32>
      %eq3A_303 = arith.cmpi eq, %iota3A, %eq3A_302 : vector<16xi32>
      %select_n3A_304 = arith.select %eq3A_303, %add3A_162, %broadcast_in_dim3A_9 : vector<16xi1>, vector<16xf32>
      %reduce_sum3A_305 = arith.constant true
      %reduce_sum3A_306 = vector.broadcast %reduce_sum3A_305 : i1 to vector<16xi1>
      %reduce_sum3A_307 = tpu.scan <sum>, %select_n3A_304 masked %reduce_sum3A_306 : vector<16xf32>, vector<16xi1> -> vector<16xf32>
      %reduce_sum3A_308 = vector.extract %reduce_sum3A_307[15] : f32 from vector<16xf32>
      %broadcast_in_dim3A_309 = vector.broadcast %reduce_sum3A_308 : f32 to vector<16xf32>
      %reduce_sum3A_310 = arith.constant true
      %reduce_sum3A_311 = vector.broadcast %reduce_sum3A_310 : i1 to vector<16xi1>
      %reduce_sum3A_312 = tpu.scan <sum>, %add3A_167 masked %reduce_sum3A_311 : vector<16xf32>, vector<16xi1> -> vector<16xf32>
      %reduce_sum3A_313 = vector.extract %reduce_sum3A_312[15] : f32 from vector<16xf32>
      %broadcast_in_dim3A_314 = vector.broadcast %reduce_sum3A_313 : f32 to vector<16xf32>
      %sub3A = arith.subf %broadcast_in_dim3A_174, %broadcast_in_dim3A_183 : vector<16xf32>
      %sub3A_315 = arith.subf %sub3A, %broadcast_in_dim3A_192 : vector<16xf32>
      %sub3A_316 = arith.subf %sub3A_315, %broadcast_in_dim3A_201 : vector<16xf32>
      %add3A_317 = arith.addf %sub3A_316, %broadcast_in_dim3A_210 : vector<16xf32>
      %add3A_318 = arith.addf %add3A_317, %broadcast_in_dim3A_219 : vector<16xf32>
      %add3A_319 = arith.addf %add3A_318, %broadcast_in_dim3A_228 : vector<16xf32>
      %sub3A_320 = arith.subf %add3A_319, %broadcast_in_dim3A_237 : vector<16xf32>
      %sub3A_321 = arith.subf %broadcast_in_dim3A_201, %broadcast_in_dim3A_219 : vector<16xf32>
      %sub3A_322 = arith.subf %sub3A_321, %broadcast_in_dim3A_228 : vector<16xf32>
      %add3A_323 = arith.addf %sub3A_322, %broadcast_in_dim3A_237 : vector<16xf32>
      %sub3A_324 = arith.subf %broadcast_in_dim3A_192, %broadcast_in_dim3A_228 : vector<16xf32>
      %sub3A_325 = arith.subf %sub3A_324, %broadcast_in_dim3A_210 : vector<16xf32>
      %add3A_326 = arith.addf %sub3A_325, %broadcast_in_dim3A_237 : vector<16xf32>
      %sub3A_327 = arith.subf %broadcast_in_dim3A_228, %broadcast_in_dim3A_237 : vector<16xf32>
      %sub3A_328 = arith.subf %broadcast_in_dim3A_183, %broadcast_in_dim3A_210 : vector<16xf32>
      %sub3A_329 = arith.subf %sub3A_328, %broadcast_in_dim3A_219 : vector<16xf32>
      %add3A_330 = arith.addf %sub3A_329, %broadcast_in_dim3A_237 : vector<16xf32>
      %sub3A_331 = arith.subf %broadcast_in_dim3A_219, %broadcast_in_dim3A_237 : vector<16xf32>
      %sub3A_332 = arith.subf %broadcast_in_dim3A_210, %broadcast_in_dim3A_237 : vector<16xf32>
      %sub3A_333 = arith.subf %broadcast_in_dim3A_246, %broadcast_in_dim3A_255 : vector<16xf32>
      %sub3A_334 = arith.subf %sub3A_333, %broadcast_in_dim3A_264 : vector<16xf32>
      %sub3A_335 = arith.subf %sub3A_334, %broadcast_in_dim3A_273 : vector<16xf32>
      %add3A_336 = arith.addf %sub3A_335, %broadcast_in_dim3A_282 : vector<16xf32>
      %add3A_337 = arith.addf %add3A_336, %broadcast_in_dim3A_291 : vector<16xf32>
      %add3A_338 = arith.addf %add3A_337, %broadcast_in_dim3A_300 : vector<16xf32>
      %sub3A_339 = arith.subf %add3A_338, %broadcast_in_dim3A_309 : vector<16xf32>
      %sub3A_340 = arith.subf %broadcast_in_dim3A_273, %broadcast_in_dim3A_291 : vector<16xf32>
      %sub3A_341 = arith.subf %sub3A_340, %broadcast_in_dim3A_300 : vector<16xf32>
      %add3A_342 = arith.addf %sub3A_341, %broadcast_in_dim3A_309 : vector<16xf32>
      %sub3A_343 = arith.subf %broadcast_in_dim3A_264, %broadcast_in_dim3A_300 : vector<16xf32>
      %sub3A_344 = arith.subf %sub3A_343, %broadcast_in_dim3A_282 : vector<16xf32>
      %add3A_345 = arith.addf %sub3A_344, %broadcast_in_dim3A_309 : vector<16xf32>
      %sub3A_346 = arith.subf %broadcast_in_dim3A_300, %broadcast_in_dim3A_309 : vector<16xf32>
      %sub3A_347 = arith.subf %broadcast_in_dim3A_255, %broadcast_in_dim3A_282 : vector<16xf32>
      %sub3A_348 = arith.subf %sub3A_347, %broadcast_in_dim3A_291 : vector<16xf32>
      %add3A_349 = arith.addf %sub3A_348, %broadcast_in_dim3A_309 : vector<16xf32>
      %sub3A_350 = arith.subf %broadcast_in_dim3A_291, %broadcast_in_dim3A_309 : vector<16xf32>
      %sub3A_351 = arith.subf %broadcast_in_dim3A_282, %broadcast_in_dim3A_309 : vector<16xf32>
      %max3A = arith.maximumf %sub3A_339, %broadcast_in_dim3A_11 : vector<16xf32>
      %div3A = arith.divf %sub3A_320, %max3A : vector<16xf32>
      %max3A_352 = arith.maximumf %add3A_342, %broadcast_in_dim3A_11 : vector<16xf32>
      %div3A_353 = arith.divf %add3A_323, %max3A_352 : vector<16xf32>
      %max3A_354 = arith.maximumf %add3A_345, %broadcast_in_dim3A_11 : vector<16xf32>
      %div3A_355 = arith.divf %add3A_326, %max3A_354 : vector<16xf32>
      %max3A_356 = arith.maximumf %sub3A_346, %broadcast_in_dim3A_11 : vector<16xf32>
      %div3A_357 = arith.divf %sub3A_327, %max3A_356 : vector<16xf32>
      %max3A_358 = arith.maximumf %add3A_349, %broadcast_in_dim3A_11 : vector<16xf32>
      %div3A_359 = arith.divf %add3A_330, %max3A_358 : vector<16xf32>
      %max3A_360 = arith.maximumf %sub3A_350, %broadcast_in_dim3A_11 : vector<16xf32>
      %div3A_361 = arith.divf %sub3A_331, %max3A_360 : vector<16xf32>
      %max3A_362 = arith.maximumf %sub3A_351, %broadcast_in_dim3A_11 : vector<16xf32>
      %div3A_363 = arith.divf %sub3A_332, %max3A_362 : vector<16xf32>
      %max3A_364 = arith.maximumf %broadcast_in_dim3A_309, %broadcast_in_dim3A_11 : vector<16xf32>
      %div3A_365 = arith.divf %broadcast_in_dim3A_237, %max3A_364 : vector<16xf32>
      %gt3A = arith.constant 0.000000e+00 : f32
      %gt3A_366 = vector.broadcast %gt3A : f32 to vector<16xf32>
      %gt3A_367 = arith.cmpf ogt, %sub3A_339, %gt3A_366 : vector<16xf32>
      %select_n3A_368 = arith.select %gt3A_367, %broadcast_in_dim3A_11, %broadcast_in_dim3A_9 : vector<16xi1>, vector<16xf32>
      %gt3A_369 = arith.constant 0.000000e+00 : f32
      %gt3A_370 = vector.broadcast %gt3A_369 : f32 to vector<16xf32>
      %gt3A_371 = arith.cmpf ogt, %add3A_342, %gt3A_370 : vector<16xf32>
      %select_n3A_372 = arith.select %gt3A_371, %broadcast_in_dim3A_11, %broadcast_in_dim3A_9 : vector<16xi1>, vector<16xf32>
      %gt3A_373 = arith.constant 0.000000e+00 : f32
      %gt3A_374 = vector.broadcast %gt3A_373 : f32 to vector<16xf32>
      %gt3A_375 = arith.cmpf ogt, %add3A_345, %gt3A_374 : vector<16xf32>
      %select_n3A_376 = arith.select %gt3A_375, %broadcast_in_dim3A_11, %broadcast_in_dim3A_9 : vector<16xi1>, vector<16xf32>
      %gt3A_377 = arith.constant 0.000000e+00 : f32
      %gt3A_378 = vector.broadcast %gt3A_377 : f32 to vector<16xf32>
      %gt3A_379 = arith.cmpf ogt, %sub3A_346, %gt3A_378 : vector<16xf32>
      %select_n3A_380 = arith.select %gt3A_379, %broadcast_in_dim3A_11, %broadcast_in_dim3A_9 : vector<16xi1>, vector<16xf32>
      %gt3A_381 = arith.constant 0.000000e+00 : f32
      %gt3A_382 = vector.broadcast %gt3A_381 : f32 to vector<16xf32>
      %gt3A_383 = arith.cmpf ogt, %add3A_349, %gt3A_382 : vector<16xf32>
      %select_n3A_384 = arith.select %gt3A_383, %broadcast_in_dim3A_11, %broadcast_in_dim3A_9 : vector<16xi1>, vector<16xf32>
      %gt3A_385 = arith.constant 0.000000e+00 : f32
      %gt3A_386 = vector.broadcast %gt3A_385 : f32 to vector<16xf32>
      %gt3A_387 = arith.cmpf ogt, %sub3A_350, %gt3A_386 : vector<16xf32>
      %select_n3A_388 = arith.select %gt3A_387, %broadcast_in_dim3A_11, %broadcast_in_dim3A_9 : vector<16xi1>, vector<16xf32>
      %gt3A_389 = arith.constant 0.000000e+00 : f32
      %gt3A_390 = vector.broadcast %gt3A_389 : f32 to vector<16xf32>
      %gt3A_391 = arith.cmpf ogt, %sub3A_351, %gt3A_390 : vector<16xf32>
      %select_n3A_392 = arith.select %gt3A_391, %broadcast_in_dim3A_11, %broadcast_in_dim3A_9 : vector<16xi1>, vector<16xf32>
      %gt3A_393 = arith.constant 0.000000e+00 : f32
      %gt3A_394 = vector.broadcast %gt3A_393 : f32 to vector<16xf32>
      %gt3A_395 = arith.cmpf ogt, %broadcast_in_dim3A_309, %gt3A_394 : vector<16xf32>
      %select_n3A_396 = arith.select %gt3A_395, %broadcast_in_dim3A_11, %broadcast_in_dim3A_9 : vector<16xi1>, vector<16xf32>
      %lt3A = arith.constant 4.096000e+03 : f32
      %lt3A_397 = vector.broadcast %lt3A : f32 to vector<16xf32>
      %lt3A_398 = arith.cmpf olt, %broadcast_in_dim3A_314, %lt3A_397 : vector<16xf32>
      %select_n3A_399 = arith.select %lt3A_398, %broadcast_in_dim3A_11, %broadcast_in_dim3A_9 : vector<16xi1>, vector<16xf32>
      %gt3A_400 = arith.constant 0.000000e+00 : f32
      %gt3A_401 = vector.broadcast %gt3A_400 : f32 to vector<16xf32>
      %gt3A_402 = arith.cmpf ogt, %broadcast_in_dim3A_314, %gt3A_401 : vector<16xf32>
      %select_n3A_403 = arith.select %gt3A_402, %broadcast_in_dim3A_11, %broadcast_in_dim3A_9 : vector<16xi1>, vector<16xf32>
      %mul3A = arith.mulf %select_n3A_368, %select_n3A_372 : vector<16xf32>
      %sub3A_404 = arith.subf %div3A, %div3A_353 : vector<16xf32>
      %mul3A_405 = arith.mulf %mul3A, %sub3A_404 : vector<16xf32>
      %mul3A_406 = arith.mulf %mul3A_405, %sub3A_404 : vector<16xf32>
      %add3A_407 = arith.addf %broadcast_in_dim3A_9, %mul3A_406 : vector<16xf32>
      %mul3A_408 = arith.mulf %select_n3A_368, %select_n3A_376 : vector<16xf32>
      %sub3A_409 = arith.subf %div3A, %div3A_355 : vector<16xf32>
      %mul3A_410 = arith.mulf %mul3A_408, %sub3A_409 : vector<16xf32>
      %mul3A_411 = arith.mulf %mul3A_410, %sub3A_409 : vector<16xf32>
      %add3A_412 = arith.addf %add3A_407, %mul3A_411 : vector<16xf32>
      %mul3A_413 = arith.mulf %select_n3A_368, %select_n3A_380 : vector<16xf32>
      %sub3A_414 = arith.subf %div3A, %div3A_357 : vector<16xf32>
      %mul3A_415 = arith.mulf %mul3A_413, %sub3A_414 : vector<16xf32>
      %mul3A_416 = arith.mulf %mul3A_415, %sub3A_414 : vector<16xf32>
      %add3A_417 = arith.addf %add3A_412, %mul3A_416 : vector<16xf32>
      %mul3A_418 = arith.mulf %select_n3A_372, %select_n3A_376 : vector<16xf32>
      %sub3A_419 = arith.subf %div3A_353, %div3A_355 : vector<16xf32>
      %mul3A_420 = arith.mulf %mul3A_418, %sub3A_419 : vector<16xf32>
      %mul3A_421 = arith.mulf %mul3A_420, %sub3A_419 : vector<16xf32>
      %add3A_422 = arith.addf %add3A_417, %mul3A_421 : vector<16xf32>
      %mul3A_423 = arith.mulf %select_n3A_372, %select_n3A_380 : vector<16xf32>
      %sub3A_424 = arith.subf %div3A_353, %div3A_357 : vector<16xf32>
      %mul3A_425 = arith.mulf %mul3A_423, %sub3A_424 : vector<16xf32>
      %mul3A_426 = arith.mulf %mul3A_425, %sub3A_424 : vector<16xf32>
      %add3A_427 = arith.addf %add3A_422, %mul3A_426 : vector<16xf32>
      %mul3A_428 = arith.mulf %select_n3A_376, %select_n3A_380 : vector<16xf32>
      %sub3A_429 = arith.subf %div3A_355, %div3A_357 : vector<16xf32>
      %mul3A_430 = arith.mulf %mul3A_428, %sub3A_429 : vector<16xf32>
      %mul3A_431 = arith.mulf %mul3A_430, %sub3A_429 : vector<16xf32>
      %add3A_432 = arith.addf %add3A_427, %mul3A_431 : vector<16xf32>
      %mul3A_433 = arith.mulf %select_n3A_399, %add3A_432 : vector<16xf32>
      %add3A_434 = arith.addf %broadcast_in_dim3A_9, %mul3A_433 : vector<16xf32>
      %mul3A_435 = arith.mulf %select_n3A_384, %select_n3A_388 : vector<16xf32>
      %sub3A_436 = arith.subf %div3A_359, %div3A_361 : vector<16xf32>
      %mul3A_437 = arith.mulf %mul3A_435, %sub3A_436 : vector<16xf32>
      %mul3A_438 = arith.mulf %mul3A_437, %sub3A_436 : vector<16xf32>
      %add3A_439 = arith.addf %broadcast_in_dim3A_9, %mul3A_438 : vector<16xf32>
      %mul3A_440 = arith.mulf %select_n3A_384, %select_n3A_392 : vector<16xf32>
      %sub3A_441 = arith.subf %div3A_359, %div3A_363 : vector<16xf32>
      %mul3A_442 = arith.mulf %mul3A_440, %sub3A_441 : vector<16xf32>
      %mul3A_443 = arith.mulf %mul3A_442, %sub3A_441 : vector<16xf32>
      %add3A_444 = arith.addf %add3A_439, %mul3A_443 : vector<16xf32>
      %mul3A_445 = arith.mulf %select_n3A_384, %select_n3A_396 : vector<16xf32>
      %sub3A_446 = arith.subf %div3A_359, %div3A_365 : vector<16xf32>
      %mul3A_447 = arith.mulf %mul3A_445, %sub3A_446 : vector<16xf32>
      %mul3A_448 = arith.mulf %mul3A_447, %sub3A_446 : vector<16xf32>
      %add3A_449 = arith.addf %add3A_444, %mul3A_448 : vector<16xf32>
      %mul3A_450 = arith.mulf %select_n3A_388, %select_n3A_392 : vector<16xf32>
      %sub3A_451 = arith.subf %div3A_361, %div3A_363 : vector<16xf32>
      %mul3A_452 = arith.mulf %mul3A_450, %sub3A_451 : vector<16xf32>
      %mul3A_453 = arith.mulf %mul3A_452, %sub3A_451 : vector<16xf32>
      %add3A_454 = arith.addf %add3A_449, %mul3A_453 : vector<16xf32>
      %mul3A_455 = arith.mulf %select_n3A_388, %select_n3A_396 : vector<16xf32>
      %sub3A_456 = arith.subf %div3A_361, %div3A_365 : vector<16xf32>
      %mul3A_457 = arith.mulf %mul3A_455, %sub3A_456 : vector<16xf32>
      %mul3A_458 = arith.mulf %mul3A_457, %sub3A_456 : vector<16xf32>
      %add3A_459 = arith.addf %add3A_454, %mul3A_458 : vector<16xf32>
      %mul3A_460 = arith.mulf %select_n3A_392, %select_n3A_396 : vector<16xf32>
      %sub3A_461 = arith.subf %div3A_363, %div3A_365 : vector<16xf32>
      %mul3A_462 = arith.mulf %mul3A_460, %sub3A_461 : vector<16xf32>
      %mul3A_463 = arith.mulf %mul3A_462, %sub3A_461 : vector<16xf32>
      %add3A_464 = arith.addf %add3A_459, %mul3A_463 : vector<16xf32>
      %mul3A_465 = arith.mulf %select_n3A_403, %add3A_464 : vector<16xf32>
      %add3A_466 = arith.addf %add3A_434, %mul3A_465 : vector<16xf32>
      %swap3A = arith.constant 0 : index
      %swap3A_467 = tpu.vector_load %arg19[%swap3A] {strides = array<i32>} : memref<16xf32, #tpu.memory_space<vmem>>, vector<16xf32>,
      tpu.vector_store %arg19[%swap3A], %add3A_466 {strides = array<i32>} : memref<16xf32, #tpu.memory_space<vmem>>, vector<16xf32>,
      "tpu.region"() ({
        %run_scoped3A = tpu.sem_alloc : memref<!tpu.dma_semaphore, #tpu.memory_space<semaphore_mem>>
        %dma_start3A = arith.constant 0 : i32
        %dma_start3A_468 = tpu.memref_slice %arg19[%dma_start3A] : memref<16xf32, #tpu.memory_space<vmem>> -> memref<1xf32, #tpu.memory_space<vmem>>
        %dma_start3A_469 = arith.constant 0 : i32
        %dma_start3A_470 = tpu.memref_slice %arg19[%dma_start3A_469] : memref<16xf32, #tpu.memory_space<vmem>> -> memref<1xf32, #tpu.memory_space<vmem>>
        tpu.enqueue_dma source(%dma_start3A_470 : memref<1xf32, #tpu.memory_space<vmem>>) target(%arg8 : memref<1xf32, #tpu.memory_space<hbm>>) target_semaphore(%run_scoped3A : memref<!tpu.dma_semaphore, #tpu.memory_space<semaphore_mem>>)
        %dma_wait3A = arith.constant 0 : i32
        %dma_wait3A_471 = tpu.memref_slice %arg19[%dma_wait3A] : memref<16xf32, #tpu.memory_space<vmem>> -> memref<1xf32, #tpu.memory_space<vmem>>
        %dma_wait3A_472 = arith.constant 0 : i32
        %dma_wait3A_473 = tpu.memref_slice %arg19[%dma_wait3A_472] : memref<16xf32, #tpu.memory_space<vmem>> -> memref<1xf32, #tpu.memory_space<vmem>>
        tpu.wait_dma2 semaphore(%run_scoped3A : memref<!tpu.dma_semaphore, #tpu.memory_space<semaphore_mem>>) src(%dma_wait3A_473 : memref<1xf32, #tpu.memory_space<vmem>>) dst(%arg8 : memref<1xf32, #tpu.memory_space<hbm>>)
        tpu.yield
      }) : () -> ()
    } else {
    }
    return
  }
}

</mosaic_0001>

<sc_bundles>
// kernel: _mean_loss_sc.3.cloned.1.call-start
scs
__scs_entry_jumppad:
0x0: {  	(pc) =	sbr.rel $0x88, $3  }
0x1: {  	(tag) =	ssettag $0x0;
	lr =	simm.s32 $0x1  }
0x2: {  	[smem:$0x3F9B] =	sst lr;
	_ =	strace $0xD0000000  }
0x3: {  	_ = 	snop  }
0x4: {  	_ = 	snop  }
0x5: {  	_ = 	snop  }
0x6: {  	_ = 	snop  }
0x7: {  	_ = 	snop  }
__scs_overlays_trampoline_lowered:
0x8: {  	[smem:$0x3FAA] =	sst s0  }
0x9: {  	[smem:$0x3FAB] =	sst s1  }
0xa: {  	[smem:$0x3FAC] =	sst s2  }
0xb: {  	[smem:$0x3FAD] =	sst s3  }
0xc: {  	[smem:$0x3FAE] =	sst s4  }
0xd: {  	[smem:$0x3FAF] =	sst s5  }
0xe: {  	[smem:$0x3FB0] =	sst s6  }
0xf: {  	[smem:$0x3FB1] =	sst s7  }
0x10: {  	[smem:$0x3FB2] =	sst s8  }
0x11: {  	[smem:$0x3FB3] =	sst s9;
	s0 =	simm.s32 @!p0 $0x0  }
0x12: {  	s1 =	sld [smem:$0x3F99];
	s0 =	simm.s32 @p0 $0x1  }
0x13: {  	[smem:$0x3FB4] =	sst s0;
	s0 =	simm.s32 @!p1 $0x0  }
0x14: {  	s2 =	sld [smem:$0x3F98];
	s0 =	simm.s32 @p1 $0x1  }
0x15: {  	[smem:$0x3FB5] =	sst s0;
	s0 =	simm.s32 @!p2 $0x0  }
0x16: {  	s3 =	sld [smem:$0x3FDB];
	s0 =	simm.s32 @p2 $0x1  }
0x17: {  	s4 =	simm.s32 $0x1BF5;
	[smem:$0x3FB7] =	sst s0  }
0x18: {  	s0 =	sld [smem:$0x3F9A];
	_ =	swait.ge [sflag:s4], $0x0  }
0x19: {  	s7 =	sld [smem:$0x3F9B]  }
0x1a: {  	s8 =	sadd.s32 $0xFFFFE003, lr  }
0x1b: {  	s9 =	sadd.s32 $0xFFFFFEF7, lr;
	s5 =	simm.s32 $0xFFFFFFFF;
	p2 =	slt.u32 s8, $0xFFFFF086  }
0x1c: {  	p1 =	slt.u32 s9, $0xF7A;
	s5 =	simm.s32 @!p2 $0x0  }
0x1d: {  	s5 =	simm.s32 @p1 $0x1;
	p0 =	seq.s32 s7, s2  }
0x1e: {  	s7 =	smul.u32 @!p0 $0xF7A, s2;
	p2 =	seq.s32 @!p0 s5, $0x0  }
0x1f: {  	s9 =	smul.u32 $0xF7A, s1;
	s8 =	simm.s32 @!p0 $0x1BF5;
	p2 =	por !p2, p0  }
0x20: {  	[sflag:s8] =	ssyncset.s32 @!p0 $0xFFFFF086;
	s6 =	sadd.s32 @!p0 s3, s7;
	s7 =	simm.s32 @!p0 $0x108  }
0x21: {  	s3 =	sadd.s32 s3, s9;
	s6 =	sadd.s32 @!p0 $0x88, s6;
	s7 =	simm.s32 @p2 $0x1082  }
0x22: {  	[simem:s7], [sflag:s8] =	dma.local @!p0 [hbm:s6], $0xF7A  }
0x23: {  	s9 =	sor.u32 $0xD0000000, s2;
	s6 =	simm.s32 $0x108;
	_ =	swait.ge @!p0 [sflag:s8], $0x0  }
0x24: {  	s3 =	sadd.s32 $0x88, s3;
	s6 =	simm.s32 @!p1 $0x1082;
	[sflag:s4] =	ssyncset.s32 $0xFFFFF086  }
0x25: {  	[simem:s6], [sflag:s4] =	dma.local [hbm:s3], $0xF7A  }
0x26: {  	[smem:$0x3F9B] =	sst s1;
	(tag) =	ssettag s2;
	_ =	strace s9  }
0x27: {  	s1 =	sld [smem:$0x3FAB]  }
0x28: {  	s2 =	sld [smem:$0x3FAC]  }
0x29: {  	s4 =	sld [smem:$0x3FAE]  }
0x2a: {  	p0 =	seq.s32 s5, $0x0;
	s5 =	sld [smem:$0x3FAF]  }
0x2b: {  	s6 =	sld [smem:$0x3FB0]  }
0x2c: {  	s7 =	sld [smem:$0x3FB1]  }
0x2d: {  	s3 =	simm.s32 $0x108;
	s8 =	sld [smem:$0x3FB2]  }
0x2e: {  	s3 =	simm.s32 @!p0 $0x1082;
	s9 =	sld [smem:$0x3FB3]  }
0x2f: {  	lr =	sadd.s32 s0, s3;
	s0 =	sld [smem:$0x3FAA]  }
0x30: {  	s3 =	sld [smem:$0x3FAD]  }
0x31: {  	[smem:$0x3FB6] =	sst s10  }
0x32: {  	s10 =	sld [smem:$0x3FB4];
	_ =	sdelay $0x3  }
0x33: {  	p0 =	seq.s32 s10, $0x1;
	s10 =	sld [smem:$0x3FB6];
	_ =	sdelay $0x3  }
0x34: {  	[smem:$0x3FB6] =	sst s10  }
0x35: {  	s10 =	sld [smem:$0x3FB5];
	_ =	sdelay $0x3  }
0x36: {  	p1 =	seq.s32 s10, $0x1;
	s10 =	sld [smem:$0x3FB6];
	_ =	sdelay $0x3  }
0x37: {  	[smem:$0x3FB6] =	sst s10  }
0x38: {  	s10 =	sld [smem:$0x3FB7]  }
0x39: {  	_ = 	snop;
	(pc) =	sbr.ind lr, $3  }
0x3a: {  	_ = 	snop  }
0x3b: {  	_ = 	snop  }
0x3c: {  	p2 =	seq.s32 s10, $0x1;
	s10 =	sld [smem:$0x3FB6]  }
0x3d: {  	_ =	shalt  }
0x3e: {  	_ =	shalt  }
0x3f: {  	_ =	shalt  }
0x40: {  	_ =	shalt  }
0x41: {  	_ =	shalt  }
0x42: {  	_ =	shalt  }
0x43: {  	_ =	shalt  }
0x44: {  	_ =	shalt  }
0x45: {  	_ =	shalt  }
0x46: {  	_ =	shalt  }
0x47: {  	_ =	shalt  }
0x48: {  	_ =	shalt  }
0x49: {  	_ =	shalt  }
0x4a: {  	_ =	shalt  }
0x4b: {  	_ =	shalt  }
0x4c: {  	_ =	shalt  }
0x4d: {  	_ =	shalt  }
0x4e: {  	_ =	shalt  }
0x4f: {  	_ =	shalt  }
0x50: {  	_ =	shalt  }
0x51: {  	_ =	shalt  }
0x52: {  	_ =	shalt  }
0x53: {  	_ =	shalt  }
0x54: {  	_ =	shalt  }
0x55: {  	_ =	shalt  }
0x56: {  	_ =	shalt  }
0x57: {  	_ =	shalt  }
0x58: {  	_ =	shalt  }
0x59: {  	_ =	shalt  }
0x5a: {  	_ =	shalt  }
0x5b: {  	_ =	shalt  }
0x5c: {  	_ =	shalt  }
0x5d: {  	_ =	shalt  }
0x5e: {  	_ =	shalt  }
0x5f: {  	_ =	shalt  }
0x60: {  	_ =	shalt  }
0x61: {  	_ =	shalt  }
0x62: {  	_ =	shalt  }
0x63: {  	_ =	shalt  }
0x64: {  	_ =	shalt  }
0x65: {  	_ =	shalt  }
0x66: {  	_ =	shalt  }
0x67: {  	_ =	shalt  }
0x68: {  	_ =	shalt  }
0x69: {  	_ =	shalt  }
0x6a: {  	_ =	shalt  }
0x6b: {  	_ =	shalt  }
0x6c: {  	_ =	shalt  }
0x6d: {  	_ =	shalt  }
0x6e: {  	_ =	shalt  }
0x6f: {  	_ =	shalt  }
0x70: {  	_ =	shalt  }
0x71: {  	_ =	shalt  }
0x72: {  	_ =	shalt  }
0x73: {  	_ =	shalt  }
0x74: {  	_ =	shalt  }
0x75: {  	_ =	shalt  }
0x76: {  	_ =	shalt  }
0x77: {  	_ =	shalt  }
0x78: {  	_ =	shalt  }
0x79: {  	_ =	shalt  }
0x7a: {  	_ =	shalt  }
0x7b: {  	_ =	shalt  }
0x7c: {  	_ =	shalt  }
0x7d: {  	_ =	shalt  }
0x7e: {  	_ =	shalt  }
0x7f: {  	_ =	shalt  }
0x80: {  	_ =	shalt  }
0x81: {  	_ =	shalt  }
0x82: {  	_ =	shalt  }
0x83: {  	_ =	shalt  }
0x84: {  	_ =	shalt  }
0x85: {  	_ =	shalt  }
0x86: {  	_ =	shalt  }
0x87: {  	_ =	shalt  }
.Lfunc_end0:
.L_simem_size_0:
called_computation_lowered:
.L_overlay_start_0:
0x88: {  	s2 =	sld [smem:$0x3FD9]  }
0x89: {  	s3 =	sld [smem:$0x3FFE];
	_ =	sdelay $0x1  }
0x8a: {  	s1 =	srdreg.scid  }
0x8b: {  	s0 =	sand.u32 $0x1, s1  }
0x8c: {  	s17 =	sshll.u32 s0, $0xA;
	s2 =	sadd.s32 s3, s2  }
0x8d: {  	s2 =	sadd.s32 s2, s17  }
0x8e: {  	[smem:$0x3FC2] =	sst s2  }
0x8f: {  	_ = 	snop  }
0x90: {  	s2 =	sld [smem:$0x3FC9]  }
0x91: {  	s18 =	sld [smem:$0x3FC8]  }
0x92: {  	s4 =	sld [smem:$0x3FC7]  }
0x93: {  	s5 =	sld [smem:$0x3FC6]  }
0x94: {  	s6 =	sld [smem:$0x3FC5]  }
0x95: {  	s7 =	sld [smem:$0x3FC4]  }
0x96: {  	s8 =	sld [smem:$0x3FD0];
	(tm) =	ssettm $0x1  }
0x97: {  	s9 =	sld [smem:$0x3FFB];
	_ =	sdelay $0x3  }
0x98: {  	_ =	strace s9  }
0x99: {  	s9 =	sld [smem:$0x3FFC];
	_ =	sdelay $0x3  }
0x9a: {  	_ =	strace s9  }
0x9b: {  	s9 =	sld [smem:$0x3FFD];
	_ =	sdelay $0x3  }
0x9c: {  	_ =	strace s9  }
0x9d: {  	_ =	strace $0x8FFFFFFF  }
0x9e: {  	s19 =	sld [smem:$0x3FDB];
	_ =	sdelay $0x1  }
0x9f: {  	s10 =	simm.s32 $_scs_section_size  }
0xa0: {  	s11 =	simm.s32 $_size__tile_overlayer_lowered;
	s12 =	simm.s32 $_tile_overlayer_lowered  }
0xa1: {  	s22 =	simm.s32 $0x1BFF;
	s21 =	sshll.u32 s12, $0x1;
	s9 =	sadd.s32 s10, s19  }
0xa2: {  	s13 =	simm.s32 $0x0;
	s20 =	sshll.u32 s11, $0x1;
	s11 =	sadd.s32 s21, s9  }
0xa3: {  	[timem:s13], [sflag:s22] =	dma.local [hbm:s11], s20  }
0xa4: {  	_ =	swait.ge [sflag:s22], s20  }
0xa5: {  	s10 =	ssub.s32 $0x0, s20;
	[sflag:s22] =	ssyncset.done $0x0  }
0xa6: {  	[sflag:s22] =	ssyncadd.s32 s10;
	_ =	sdelay $0x1  }
0xa7: {  	s23 =	simm.s32 $0x1B8B  }
0xa8: {  	_ =	swait.ge [sflag:s23], $0x1  }
0xa9: {  	[sflag:s23] =	ssyncset.done $0x0  }
0xaa: {  	s25 =	simm.s32 $0x1B8E;
	s24 =	sld [smem:$0x3FFE];
	[sflag:s23] =	ssyncadd.s32 $0xFFFFFFFF  }
0xab: {  	s26 =	simm.s32 $execute0_lowered;
	[smem:$0x3FD2] =	sst s25  }
0xac: {  	s11 =	sshll.u32 s26, $0x1;
	_ =	strace $0x80000046;
	[dreg:$0x1] =	wrdreg $0xFFFFFFFF  }
0xad: {  	s28 =	simm.s32 $_size_execute0_lowered;
	s9 =	sadd.s32 s9, s11;
	[dreg:$0x0] =	wrdreg $0x0  }
0xae: {  	s11 =	sshll.u32 s28, $0x1;
	[dreg:$0x2] =	wrdreg s9  }
0xaf: {  	[dreg:$0x3] =	wrdreg s11  }
0xb0: {  	[dreg:$0x4] =	wrdreg $0xC0  }
0xb1: {  	_ =	task [dreg:s13], $0x5FFFF  }
0xb2: {  	[dreg:$0x1] =	wrdreg $0xFFFFFFFF  }
0xb3: {  	[dreg:$0x0] =	wrdreg $0x60  }
0xb4: {  	[dreg:$0x2] =	wrdreg s2  }
0xb5: {  	[dreg:$0x3] =	wrdreg s18  }
0xb6: {  	[dreg:$0x4] =	wrdreg s4  }
0xb7: {  	[dreg:$0x5] =	wrdreg s5  }
0xb8: {  	[dreg:$0x6] =	wrdreg s6  }
0xb9: {  	[dreg:$0x7] =	wrdreg s7  }
0xba: {  	[dreg:$0x8] =	wrdreg s8  }
0xbb: {  	[dreg:$0x9] =	wrdreg s24  }
0xbc: {  	[dreg:$0xa] =	wrdreg $0x9  }
0xbd: {  	_ =	task.clear_ibuf [dreg:s13], $0xBFFFF;
	_ =	strace $0x90000046  }
0xbe: {  	s29 =	simm.s32 $0x9;
	_ =	strace $0x80000048  }
0xbf: {  	_ =	swait.ge [sflag:s29], $0x1  }
0xc0: {  	[sflag:s29] =	ssyncadd.s32 $0xFFFFFFFF  }
0xc1: {  	_ =	strace $0x90000048  }
0xc2: {  	_ =	sfence  }
0xc3: {  	s30 =	sld [smem:$0x0];
	_ =	sdelay $0x2  }
0xc4: {  	s31 =	sshll.u32 s1, $0xD;
	s1 =	sshrl.u32 s1, $0x2  }
0xc5: {  	s3 =	sand.u32 $0x4000, s31;
	s1 =	sadd.s32 s1, s30  }
0xc6: {  	s0 =	sor.u32 s3, s0;
	s1 =	sshll.u32 s1, $0x11  }
0xc7: {  	s0 =	sor.u32 s1, s0  }
0xc8: {  	s0 =	sadd.s32 $0x8F2B, s0  }
0xc9: {  	[sflag:s0] =	ssyncadd.remote.s32 $0x1  }
0xca: {  	_ =	sfence.sel $0xFFFF  }
0xcb: {  	[dreg:$0x0] =	wrdreg $0xFFFFFFFF;
	(pc) =	sbr.abs _section_cstart, $3  }
0xcc: {  	[dreg:$0x1] =	wrdreg $0xFFFFFFFF  }
0xcd: {  	_ =	task.clear_ibuf [dreg:s13], $0x2FFFF;
	_ =	strace $0x9FFFFFFF  }
0xce: {  	(tm) =	ssettm $0x7FFFFFFF  }
0xcf: {  	_ =	shalt  }
tec
execute0_lowered:
.L_overlay_start_1:
0x0: {  	(tag) =	ssettag $0x1  }
0x1: {  	s6 =	rddreg [dreg:$0x0]  }
0x2: {  	s8 =	rddreg [dreg:$0x1]  }
0x3: {  	s7 =	rddreg [dreg:$0x2]  }
0x4: {  	s10 =	rddreg [dreg:$0x3]  }
0x5: {  	s11 =	rddreg [dreg:$0x4]  }
0x6: {  	s1 =	rddreg [dreg:$0x5]  }
0x7: {  	s2 =	rddreg [dreg:$0x6]  }
0x8: {  	s4 =	rddreg [dreg:$0x7]  }
0x9: {  	s0 =	rddreg [dreg:$0x8]  }
0xa: {  	s3 =	simm.s32 $0x0;
	s5 =	srdreg.scid;
	s17 =	simm.s32 $0x300  }
0xb: {  	s18 =	simm.s32 $0x400;
	s19 =	simm.s32 $0x500;
	s20 =	simm.s32 $0x600  }
0xc: {  	s21 =	simm.s32 $0x1;
	s22 =	simm.s32 $0x680;
	s23 =	simm.s32 $0x2  }
0xd: {  	s25 =	simm.s32 $0x4A80;
	[smem:$0x7FF] =	sst s3;
	s14 =	sand.u32 $0x1, s5  }
0xe: {  	s5 =	sadd.s32 $0x800, s4;
	s4 =	stileid.u32;
	_ =	strace $0x80000047  }
0xf: {  	s9 =	ssub.s32 $0x2, s14;
	s13 =	sshll.u32 s4, $0x5;
	s15 =	sshll.u32 s4, $0x7  }
0x10: {  	s24 =	sor.u32 s4, s14;
	p0 =	sne.s32 s14, $0x0;
	s14 =	simm.s32 $0x100  }
.Ltmp0:
0x11: {  	v0 =	vimm.s32 $0x1;
	v1 =	vimm.f32 $0.0e+00;
	vm0 =	vmmov $0x1;
	s12 =	sshrl.u32 s9, $0x1;
	s6 =	sadd.s32 s6, s13;
	(pc) =	sbr.rel .LBB2_1-.Ltmp0, $4  }
0x12: {  	vm4 =	vcmask $0x1310;
	vm5 =	vcmask $0x1714;
	vm6 =	vcmask $0x1B18;
	s7 =	sadd.s32 s7, s15;
	s8 =	sadd.s32 s8, s13;
	s10 =	sadd.s32 s10, s13  }
0x13: {  	vm7 =	vcmask $0x1F1C;
	vm8 =	vcmask $0x2320;
	vm9 =	vcmask $0x2724;
	s11 =	sadd.s32 s11, s13;
	p1 =	sne.s32 s24, $0x0;
	s24 =	simm.s32 $0xA80  }
0x14: {  	vm10 =	vcmask $0x2B28;
	vm11 =	vcmask $0x2F2C;
	vm12 =	vcmask $0x3330;
	s16 =	ssub.s32 s9, s12;
	s9 =	sadd.s32 $0x10, s7;
	s12 =	sadd.s32 s5, s15  }
0x15: {  	vm13 =	vcmask $0x3734;
	vm14 =	vcmask $0x3B38;
	vm15 =	vmmov $0x7fff;
	s15 =	simm.s32 $0x80;
	s13 =	smax.u32 s16, $0x1;
	s16 =	simm.s32 $0x200  }
.LBB2_3:
.Ltmp1:
0x16: {  	(pc) =	sbr.rel @!p1 .LBB2_4-.Ltmp1, $2  }
0x17: {  	_ =	sdelay $0x1  }
0x18: {  	[bflag:$0x0] =	sbarrier.arrive $0xFFFF;
	_ =	sdelay $0x1  }
.LBB2_5:
0x19: {  	s13 =	sadd.s32 $0xFFFFFFFF, s13  }
0x1a: {  	p2 =	sne.s32 s13, $0x0  }
.Ltmp2:
0x1b: {  	_ = 	snop;
	(pc) =	sbr.rel @!p2 .LBB2_6-.Ltmp2, $1  }
0x1c: {  	_ =	sdelay $0x3  }
.LBB2_1:
.Ltmp3:
0x1d: {  	(pc) =	sbr.rel @p0 .LBB2_3-.Ltmp3, $1  }
0x1e: {  	_ =	sdelay $0x3  }
0x1f: {  	[tilespmem:s3], [sflag:$0x1] =	stream.linear.gather [hbm4b:s6+s3], $0x100, $0x38;
	[tilespmem:$0x4B00] =	vst v63  }
0x20: {  	_ = 	snop  }
0x21: {  	[tilespmem:s14], [sflag:$0x1] =	stream.linear.gather [hbm4b:s8+s3], $0x100, $0x38;
	[tilespmem:$0x4B00] =	vst v63  }
0x22: {  	_ = 	snop  }
0x23: {  	[tilespmem:s16], [sflag:$0x1] =	stream.strided.gather [hbm4b:s7+s15], $0x100, s16, s15, $0x38;
	[tilespmem:$0x4B00] =	vst v63  }
0x24: {  	_ = 	snop  }
0x25: {  	[tilespmem:s17], [sflag:$0x1] =	stream.strided.gather [hbm4b:s9+s15], $0x100, s16, s15, $0x38;
	[tilespmem:$0x4B00] =	vst v63  }
0x26: {  	_ = 	snop  }
0x27: {  	[tilespmem:s18], [sflag:$0x1] =	stream.linear.gather [hbm4b:s10+s3], $0x100, $0x38;
	[tilespmem:$0x4B00] =	vst v63  }
0x28: {  	_ = 	snop  }
0x29: {  	[tilespmem:s19], [sflag:$0x1] =	stream.linear.gather [hbm4b:s11+s3], $0x100, $0x38;
	[tilespmem:$0x4B00] =	vst v63  }
0x2a: {  	_ = 	snop  }
0x2b: {  	[tilespmem:s20], [sflag:$0x1] =	stream.linear.gather [hbm4b:s1+s3], $0x80, $0x38;
	[tilespmem:$0x4B00] =	vst v63  }
0x2c: {  	_ =	swait.ge [sflag:s21], $0x100  }
0x2d: {  	[sflag:s21] =	ssyncset.done $0x0  }
0x2e: {  	[sflag:s21] =	ssyncadd.s32 $0xFFFFFF00  }
0x2f: {  	_ =	swait.ge [sflag:s21], $0x100  }
0x30: {  	[sflag:s21] =	ssyncset.done $0x0  }
0x31: {  	[sflag:s21] =	ssyncadd.s32 $0xFFFFFF00  }
0x32: {  	_ =	swait.ge [sflag:s21], $0x100  }
0x33: {  	[sflag:s21] =	ssyncset.done $0x0  }
0x34: {  	[sflag:s21] =	ssyncadd.s32 $0xFFFFFF00  }
0x35: {  	_ =	swait.ge [sflag:s21], $0x100  }
0x36: {  	[sflag:s21] =	ssyncset.done $0x0  }
0x37: {  	[sflag:s21] =	ssyncadd.s32 $0xFFFFFF00  }
0x38: {  	_ =	swait.ge [sflag:s21], $0x100  }
0x39: {  	[sflag:s21] =	ssyncset.done $0x0  }
0x3a: {  	[sflag:s21] =	ssyncadd.s32 $0xFFFFFF00  }
0x3b: {  	_ =	swait.ge [sflag:s21], $0x100  }
0x3c: {  	[sflag:s21] =	ssyncset.done $0x0  }
0x3d: {  	[sflag:s21] =	ssyncadd.s32 $0xFFFFFF00  }
0x3e: {  	_ =	swait.ge [sflag:s21], $0x80  }
0x3f: {  	[sflag:s21] =	ssyncset.done $0x0  }
0x40: {  	[sflag:s21] =	ssyncadd.s32 $0xFFFFFF80  }
0x41: {  	v2 =	vld [tilespmem:$0x0];
	_ =	sdelay $0x4  }
0x42: {  	v3 =	vand.u32 $0x7FFFFFFF, v2  }
0x43: {  	v3 =	vsub.f32 $0.0e+00, v3;
	_ =	sdelay $0x1  }
0x44: {  	v3 =	vmul.f32 $1.442695020e+00, v3;
	_ =	sdelay $0x1  }
0x45: {  	(erf) = vpow2.f32 v3;
	_ =	sdelay $0x8  }
0x46: {  	v3 =	vpop (erf)  }
0x47: {  	v16 =	vld [tilespmem:$0x10];
	v4 =	vadd.f32 $2.000000000e+00, v3  }
0x48: {  	v21 =	vld.msk [tilespmem:s20+$0x0], $0xffff  }
0x49: {  	v22 =	vld.idx.msk [tilespmem:v0+s20+$0x0], $0xffff;
	(erf) = vrcp.f32 v4  }
0x4a: {  	v31 =	vld [tilespmem:$0x400]  }
0x4b: {  	v5 =	vld [tilespmem:$0x500]  }
0x4c: {  	v8 =	vld [tilespmem:$0x100]  }
0x4d: {  	v17 =	vld [tilespmem:$0x200]  }
0x4e: {  	v23 =	vld [tilespmem:$0x300]  }
0x4f: {  	v12 =	vld [tilespmem:$0x520];
	v7 =	vand.u32 $0x7FFFFFFF, v16  }
0x50: {  	v10 =	vld [tilespmem:$0x410];
	v7 =	vsub.f32 $0.0e+00, v7  }
0x51: {  	v11 =	vld [tilespmem:$0x510]  }
0x52: {  	v33 =	vld [tilespmem:$0x420];
	v7 =	vmul.f32 $1.442695020e+00, v7;
	v4 =	vpop (erf)  }
0x53: {  	v34 =	vld [tilespmem:$0x530];
	vm1 =	veq.s32 v31, v21;
	vm2 =	veq.s32 v5, v22;
	v3 =	vmul.f32 v4, v3  }
0x54: {  	v13 =	vld [tilespmem:$0x430];
	vm3 =	veq.s32 v12, v22;
	v2 =	vmin.f32 v2, $0.0e+00;
	(erf) = vpow2.f32 v7  }
0x55: {  	v37 =	vld [tilespmem:$0x540];
	v52 =	vcvt.s32.f32 v17;
	vm1 =	vmand vm1, vm2;
	v6 =	vmul.f32 v3, v3  }
0x56: {  	v14 =	vld [tilespmem:$0x20];
	vm2 =	veq.s32 v11, v22;
	v19 =	vsel vm1, $0x3F800000, v1;
	vm1 =	veq.s32 v10, v21  }
0x57: {  	v36 =	vld [tilespmem:$0x440];
	vm1 =	vmand vm1, vm2;
	vm2 =	veq.s32 v33, v21;
	v9 =	vmul.f32 $1.111111120e-01, v6  }
0x58: {  	v39 =	vld [tilespmem:$0x550];
	v20 =	vsel vm1, $0x3F800000, v1;
	vm1 =	vmand vm2, vm3;
	vm2 =	veq.s32 v34, v22  }
0x59: {  	v17 =	vld [tilespmem:$0x30];
	v15 =	vsel vm1, $0x3F800000, v1;
	vm1 =	veq.s32 v13, v21;
	v9 =	vadd.f32 $1.428571490e-01, v9  }
0x5a: {  	v23 =	vcvt.s32.f32 v23;
	vm1 =	vmand vm1, vm2;
	vm2 =	veq.s32 v37, v22;
	v37 =	vld [tilespmem:$0x210]  }
0x5b: {  	v38 =	vld [tilespmem:$0x450];
	v46 =	vand.u32 $0x7FFFFFFF, v14;
	v16 =	vmin.f32 v16, $0.0e+00;
	v32 =	vmul.f32 v9, v6  }
0x5c: {  	v18 =	vld [tilespmem:$0x560];
	v14 =	vmin.f32 v14, $0.0e+00;
	v33 =	vmul.f32 v52, v19;
	v59 =	vmul.f32 v23, v19  }
0x5d: {  	v40 =	vld [tilespmem:$0x460];
	v13 =	vsel vm1, $0x3F800000, v1;
	vm1 =	veq.s32 v36, v21;
	v24 =	vpop (erf);
	v7 =	vadd.f32 $2.000000030e-01, v32  }
0x5e: {  	v42 =	vld [tilespmem:$0x470];
	v61 =	vand.u32 $0x7FFFFFFF, v17;
	vm1 =	vmand vm1, vm2;
	v41 =	vadd.f32 $2.000000000e+00, v24  }
0x5f: {  	v43 =	vld [tilespmem:$0x570];
	vm2 =	veq.s32 v39, v22;
	v37 =	vcvt.s32.f32 v37;
	v35 =	vmul.f32 v7, v6  }
0x60: {  	v44 =	vld [tilespmem:$0x480];
	(erf) = vrcp.f32 v41;
	v7 =	vsel vm1, $0x3F800000, v1;
	vm1 =	veq.s32 v38, v21  }
0x61: {  	v25 =	vld [tilespmem:$0x580];
	vm1 =	vmand vm1, vm2;
	vm2 =	veq.s32 v18, v22;
	v5 =	vadd.f32 $3.333333430e-01, v35  }
0x62: {  	v26 =	vld [tilespmem:$0x590];
	v18 =	vcvt.s32.f32 v8;
	v12 =	vsel vm1, $0x3F800000, v1;
	vm1 =	veq.s32 v40, v21  }
0x63: {  	v3 =	vadd.f32 v3, v3;
	v38 =	vld [tilespmem:$0x310];
	vm1 =	vmand vm1, vm2;
	v5 =	vmul.f32 v5, v6  }
0x64: {  	vm2 =	veq.s32 v43, v22;
	v32 =	vmul.f32 v18, v19;
	v43 =	vmul.f32 v37, v20  }
0x65: {  	v45 =	vld [tilespmem:$0x490];
	v11 =	vsel vm1, $0x3F800000, v1;
	vm1 =	veq.s32 v42, v21;
	v5 =	vadd.f32 $1.000000000e+00, v5  }
0x66: {  	vm1 =	vmand vm1, vm2;
	vm2 =	veq.s32 v25, v22;
	v63 =	vmul.f32 v23, v32  }
0x67: {  	v47 =	vld [tilespmem:$0x4A0];
	v10 =	vsel vm1, $0x3F800000, v1;
	vm1 =	veq.s32 v44, v21;
	v3 =	vmul.f32 v5, v3  }
0x68: {  	v38 =	vcvt.s32.f32 v38;
	vm1 =	vmand vm1, vm2;
	vm2 =	veq.s32 v26, v22  }
0x69: {  	v26 =	vmul.f32 v52, v32;
	v27 =	vsub.f32 v2, v3;
	v2 =	vsub.f32 $0.0e+00, v46  }
0x6a: {  	v50 =	vpop (erf);
	v9 =	vsel vm1, $0x3F800000, v1;
	vm1 =	veq.s32 v45, v21;
	v45 =	vmul.f32 v38, v20  }
0x6b: {  	v24 =	vmul.f32 v50, v24;
	vm1 =	vmand vm1, vm2;
	v3 =	vld [tilespmem:$0x5A0];
	v2 =	vmul.f32 $1.442695020e+00, v2  }
0x6c: {  	v48 =	vld [tilespmem:$0x4B0];
	v42 =	vadd.f32 $0.0e+00, v26;
	v8 =	vsel vm1, $0x3F800000, v1;
	vm1 =	veq.s32 v47, v21  }
0x6d: {  	v49 =	vld [tilespmem:$0x5B0];
	v28 =	vmul.f32 v24, v24;
	v24 =	vadd.f32 v24, v24;
	(erf) = vpow2.f32 v2  }
0x6e: {  	v60 =	vmul.f32 v27, v19;
	v62 =	vmul.f32 v27, v32;
	v32 =	vadd.f32 $0.0e+00, v32;
	v2 =	vld [tilespmem:$0x5C0]  }
0x6f: {  	v51 =	vld [tilespmem:$0x4C0];
	v35 =	vmul.f32 v27, v33;
	v36 =	vmul.f32 v27, v59;
	v19 =	vadd.f32 v20, v19  }
0x70: {  	v53 =	vld [tilespmem:$0x5D0];
	v39 =	vmul.f32 v27, v26;
	v29 =	vmul.f32 $1.111111120e-01, v28;
	vm2 =	veq.s32 v3, v22  }
0x71: {  	v25 =	vadd.f32 $0.0e+00, v60;
	v19 =	vadd.f32 v15, v19;
	v3 =	vld [tilespmem:$0x4D0];
	vm1 =	vmand vm1, vm2  }
0x72: {  	vm2 =	veq.s32 v49, v22;
	v6 =	vsel vm1, $0x3F800000, v1;
	vm1 =	veq.s32 v48, v21  }
0x73: {  	v30 =	vld [tilespmem:$0x5E0];
	vm1 =	vmand vm1, vm2;
	vm2 =	veq.s32 v2, v22;
	v2 =	vadd.f32 $1.428571490e-01, v29  }
0x74: {  	v54 =	vld [tilespmem:$0x4E0];
	v35 =	vadd.f32 $0.0e+00, v35;
	v5 =	vsel vm1, $0x3F800000, v1;
	vm1 =	veq.s32 v51, v21  }
0x75: {  	v19 =	vadd.f32 v13, v19;
	vm1 =	vmand vm1, vm2;
	v2 =	vmul.f32 v2, v28  }
0x76: {  	v31 =	vld [tilespmem:$0x4F0];
	vm2 =	veq.s32 v53, v22;
	v4 =	vsel vm1, $0x3F800000, v1;
	vm1 =	veq.s32 v3, v21;
	v34 =	vpop (erf)  }
0x77: {  	vm1 =	vmand vm1, vm2;
	v56 =	vadd.f32 $2.000000030e-01, v2;
	v57 =	vadd.f32 $2.000000000e+00, v34  }
0x78: {  	v29 =	vsub.f32 $0.0e+00, v61;
	vm2 =	veq.s32 v30, v22;
	v3 =	vsel vm1, $0x3F800000, v1  }
0x79: {  	vm1 =	veq.s32 v54, v21;
	v58 =	vmul.f32 v56, v28;
	(erf) = vrcp.f32 v57  }
0x7a: {  	v19 =	vadd.f32 v7, v19;
	v29 =	vmul.f32 $1.442695020e+00, v29;
	vm1 =	vmand vm1, vm2  }
0x7b: {  	v55 =	vld [tilespmem:$0x5F0];
	v2 =	vsel vm1, $0x3F800000, v1;
	vm1 =	veq.s32 v31, v21;
	v21 =	vadd.f32 $3.333333430e-01, v58  }
0x7c: {  	v49 =	vmul.f32 v23, v33;
	v33 =	vadd.f32 $0.0e+00, v33;
	(erf) = vpow2.f32 v29  }
0x7d: {  	v36 =	vadd.f32 $0.0e+00, v36;
	v19 =	vadd.f32 v12, v19;
	v21 =	vmul.f32 v21, v28  }
0x7e: {  	v50 =	vmul.f32 v27, v63;
	v39 =	vadd.f32 $0.0e+00, v39;
	v33 =	vadd.f32 v43, v33  }
0x7f: {  	v23 =	vmul.f32 v23, v26;
	v48 =	vld [tilespmem:$0x110];
	v19 =	vadd.f32 v11, v19;
	v21 =	vadd.f32 $1.000000000e+00, v21  }
0x80: {  	v30 =	vadd.f32 $0.0e+00, v62;
	vm2 =	veq.s32 v55, v22;
	v22 =	vadd.f32 $0.0e+00, v59  }
0x81: {  	v19 =	vadd.f32 v10, v19;
	v31 =	vadd.f32 $0.0e+00, v63;
	v21 =	vmul.f32 v21, v24  }
0x82: {  	v57 =	vmul.f32 v27, v49;
	v27 =	vmul.f32 v27, v23;
	v23 =	vadd.f32 $0.0e+00, v23;
	v40 =	vpop (erf)  }
0x83: {  	v22 =	vadd.f32 v45, v22;
	v21 =	vsub.f32 v16, v21;
	v34 =	vmul.f32 v40, v34  }
0x84: {  	v19 =	vadd.f32 v9, v19;
	v29 =	vadd.f32 $0.0e+00, v49;
	v28 =	vcvt.s32.f32 v48  }
0x85: {  	v27 =	vadd.f32 $0.0e+00, v27;
	v53 =	vpop (erf);
	v16 =	vmul.f32 v21, v20;
	v41 =	vmul.f32 v34, v34  }
0x86: {  	v17 =	vmin.f32 v17, $0.0e+00;
	v19 =	vadd.f32 v8, v19;
	v55 =	vadd.f32 $2.000000000e+00, v53  }
0x87: {  	v51 =	vmul.f32 v28, v20;
	v25 =	vadd.f32 v16, v25;
	v16 =	vld [tilespmem:$0x40];
	v46 =	vmul.f32 $1.111111120e-01, v41  }
0x88: {  	v19 =	vadd.f32 v6, v19;
	v28 =	vadd.f32 v28, v18;
	(erf) = vrcp.f32 v55  }
0x89: {  	v37 =	vmul.f32 v37, v51;
	v44 =	vmul.f32 v21, v51;
	v54 =	vadd.f32 $1.428571490e-01, v46  }
0x8a: {  	v24 =	vadd.f32 $0.0e+00, v50;
	v52 =	vmul.f32 v21, v43;
	v56 =	vmul.f32 v21, v45  }
0x8b: {  	v40 =	vmul.f32 v38, v51;
	v20 =	vadd.f32 v44, v30;
	v26 =	vmul.f32 v54, v41  }
0x8c: {  	v30 =	vadd.f32 v52, v35;
	v35 =	vadd.f32 v56, v36;
	v58 =	vand.u32 $0x7FFFFFFF, v16  }
0x8d: {  	v59 =	vmul.f32 v21, v37;
	v36 =	vsub.f32 $0.0e+00, v58;
	v26 =	vadd.f32 $2.000000030e-01, v26  }
0x8e: {  	v48 =	vld [tilespmem:$0x220];
	v32 =	vadd.f32 v51, v32;
	v43 =	vmul.f32 v38, v43;
	v38 =	vmul.f32 v38, v37  }
0x8f: {  	v37 =	vadd.f32 v37, v42;
	v36 =	vmul.f32 $1.442695020e+00, v36;
	v26 =	vmul.f32 v26, v41  }
0x90: {  	v60 =	vmul.f32 v21, v40;
	v34 =	vadd.f32 v34, v34;
	v31 =	vadd.f32 v40, v31  }
0x91: {  	v18 =	vld [tilespmem:$0x50];
	v61 =	vmul.f32 v21, v43;
	v63 =	vpop (erf);
	(erf) = vpow2.f32 v36;
	v26 =	vadd.f32 $3.333333430e-01, v26  }
0x92: {  	v21 =	vmul.f32 v21, v38;
	v29 =	vadd.f32 v43, v29;
	v44 =	vmul.f32 v63, v53  }
0x93: {  	v23 =	vadd.f32 v38, v23;
	v52 =	vcvt.s32.f32 v48;
	v26 =	vmul.f32 v26, v41  }
0x94: {  	v62 =	vld [tilespmem:$0x120];
	v24 =	vadd.f32 v60, v24;
	v21 =	vadd.f32 v21, v27;
	v50 =	vmul.f32 v44, v44  }
0x95: {  	v49 =	vld [tilespmem:$0x320];
	v45 =	vmul.f32 v52, v15;
	v46 =	vadd.f32 $0.0e+00, v57;
	v26 =	vadd.f32 $1.000000000e+00, v26  }
0x96: {  	v36 =	vadd.f32 v59, v39;
	v59 =	vand.u32 $0x7FFFFFFF, v18;
	v51 =	vmul.f32 $1.111111120e-01, v50  }
0x97: {  	v39 =	vadd.f32 v61, v46;
	v46 =	vsub.f32 $0.0e+00, v59;
	v26 =	vmul.f32 v26, v34  }
0x98: {  	vm1 =	vmand vm1, vm2;
	v33 =	vadd.f32 v45, v33;
	v27 =	vadd.f32 $1.428571490e-01, v51  }
0x99: {  	v46 =	vmul.f32 $1.442695020e+00, v46;
	v14 =	vsub.f32 v14, v26;
	v26 =	vcvt.s32.f32 v62  }
0x9a: {  	v16 =	vmin.f32 v16, $0.0e+00;
	v34 =	vcvt.s32.f32 v49;
	v27 =	vmul.f32 v27, v50;
	v55 =	vpop (erf)  }
0x9b: {  	v56 =	vadd.f32 $2.000000000e+00, v55;
	v53 =	vmul.f32 v26, v15;
	v54 =	vmul.f32 v14, v15  }
0x9c: {  	v27 =	vadd.f32 $2.000000030e-01, v27;
	v15 =	vmul.f32 v34, v15;
	v58 =	vmul.f32 v14, v45  }
0x9d: {  	v18 =	vmin.f32 v18, $0.0e+00;
	v45 =	vmul.f32 v34, v45;
	(erf) = vrcp.f32 v56  }
0x9e: {  	v26 =	vadd.f32 v26, v28;
	v27 =	vmul.f32 v27, v50;
	v25 =	vadd.f32 v54, v25  }
0x9f: {  	v57 =	vmul.f32 v14, v53;
	v38 =	vmul.f32 v52, v53;
	v32 =	vadd.f32 v53, v32  }
0xa0: {  	v41 =	vmul.f32 v34, v53;
	v30 =	vadd.f32 v58, v30;
	v27 =	vadd.f32 $3.333333430e-01, v27  }
0xa1: {  	v60 =	vmul.f32 v14, v15;
	v15 =	vadd.f32 v15, v22;
	(erf) = vpow2.f32 v46  }
0xa2: {  	v48 =	vld [tilespmem:$0x130];
	v49 =	vmul.f32 v14, v45;
	v29 =	vadd.f32 v45, v29;
	v62 =	vmul.f32 v27, v50  }
0xa3: {  	v53 =	vld [tilespmem:$0x330];
	v20 =	vadd.f32 v57, v20;
	v34 =	vmul.f32 v34, v38;
	v35 =	vadd.f32 v60, v35  }
0xa4: {  	v51 =	vld [tilespmem:$0x230];
	v61 =	vmul.f32 v14, v38;
	v50 =	vadd.f32 v44, v44;
	v22 =	vadd.f32 $1.000000000e+00, v62  }
0xa5: {  	v63 =	vmul.f32 v14, v41;
	v31 =	vadd.f32 v41, v31;
	v14 =	vmul.f32 v14, v34  }
0xa6: {  	v39 =	vadd.f32 v49, v39;
	v27 =	vadd.f32 v61, v36;
	v22 =	vmul.f32 v22, v50;
	v52 =	vpop (erf)  }
0xa7: {  	v36 =	vadd.f32 v38, v37;
	v21 =	vadd.f32 v14, v21;
	v14 =	vld [tilespmem:$0x60];
	v37 =	vmul.f32 v52, v55  }
0xa8: {  	v40 =	vcvt.s32.f32 v53;
	v17 =	vsub.f32 v17, v22;
	v22 =	vcvt.s32.f32 v48  }
0xa9: {  	v24 =	vadd.f32 v63, v24;
	v55 =	vcvt.s32.f32 v51;
	v54 =	vmul.f32 v37, v37  }
0xaa: {  	v23 =	vadd.f32 v34, v23;
	v60 =	vpop (erf);
	v57 =	vmul.f32 v22, v13;
	v58 =	vmul.f32 v17, v13  }
0xab: {  	v62 =	vadd.f32 $2.000000000e+00, v60;
	v59 =	vmul.f32 v55, v13;
	v13 =	vmul.f32 v40, v13  }
0xac: {  	v48 =	vand.u32 $0x7FFFFFFF, v14;
	v37 =	vadd.f32 v37, v37;
	v22 =	vadd.f32 v22, v26  }
0xad: {  	(erf) = vrcp.f32 v62;
	v45 =	vsub.f32 $0.0e+00, v48;
	v56 =	vmul.f32 $1.111111120e-01, v54  }
0xae: {  	v53 =	vld [tilespmem:$0x240];
	v14 =	vmin.f32 v14, $0.0e+00;
	v61 =	vmul.f32 v17, v57;
	v34 =	vmul.f32 v55, v57  }
0xaf: {  	v25 =	vadd.f32 v58, v25;
	v63 =	vmul.f32 v17, v59;
	v45 =	vmul.f32 $1.442695020e+00, v45  }
0xb0: {  	v32 =	vadd.f32 v57, v32;
	v28 =	vmul.f32 v40, v57;
	v38 =	vadd.f32 $1.428571490e-01, v56  }
0xb1: {  	v49 =	vmul.f32 v17, v13;
	v33 =	vadd.f32 v59, v33;
	(erf) = vpow2.f32 v45  }
0xb2: {  	v43 =	vmul.f32 v40, v59;
	v13 =	vadd.f32 v13, v15;
	v55 =	vld [tilespmem:$0x340];
	v38 =	vmul.f32 v38, v54  }
0xb3: {  	v58 =	vcvt.s32.f32 v53;
	v15 =	vld [tilespmem:$0x70];
	v20 =	vadd.f32 v61, v20;
	v30 =	vadd.f32 v63, v30  }
0xb4: {  	v35 =	vadd.f32 v49, v35;
	v50 =	vmul.f32 v17, v34;
	v38 =	vadd.f32 $2.000000030e-01, v38  }
0xb5: {  	v51 =	vmul.f32 v17, v28;
	v40 =	vmul.f32 v40, v34;
	v34 =	vadd.f32 v34, v36  }
0xb6: {  	v28 =	vadd.f32 v28, v31;
	v29 =	vadd.f32 v43, v29;
	v38 =	vmul.f32 v38, v54  }
0xb7: {  	v61 =	vmul.f32 v58, v7;
	v27 =	vadd.f32 v50, v27;
	v36 =	vcvt.s32.f32 v55  }
0xb8: {  	v52 =	vld [tilespmem:$0x140];
	v24 =	vadd.f32 v51, v24;
	v53 =	vand.u32 $0x7FFFFFFF, v15;
	v38 =	vadd.f32 $3.333333430e-01, v38  }
0xb9: {  	v23 =	vadd.f32 v40, v23;
	v42 =	vsub.f32 $0.0e+00, v53;
	v63 =	vmul.f32 v36, v7;
	v56 =	vpop (erf)  }
0xba: {  	v26 =	vadd.f32 v61, v33;
	v38 =	vmul.f32 v38, v54;
	v54 =	vmul.f32 v17, v43;
	v43 =	vpop (erf)  }
0xbb: {  	v42 =	vmul.f32 $1.442695020e+00, v42;
	v17 =	vmul.f32 v17, v40;
	v48 =	vadd.f32 $2.000000000e+00, v43  }
0xbc: {  	v38 =	vadd.f32 $1.000000000e+00, v38;
	v31 =	vadd.f32 v54, v39;
	v39 =	vmul.f32 v56, v60  }
0xbd: {  	v17 =	vadd.f32 v17, v21;
	v21 =	vcvt.s32.f32 v52;
	v54 =	vmul.f32 v36, v61  }
0xbe: {  	v15 =	vmin.f32 v15, $0.0e+00;
	(erf) = vrcp.f32 v48;
	v57 =	vmul.f32 v38, v37  }
0xbf: {  	v44 =	vadd.f32 v63, v13;
	v37 =	vmul.f32 v39, v39;
	v59 =	vmul.f32 v21, v7  }
0xc0: {  	(erf) = vpow2.f32 v42;
	v39 =	vadd.f32 v39, v39;
	v16 =	vsub.f32 v16, v57  }
0xc1: {  	v29 =	vadd.f32 v54, v29;
	v60 =	vmul.f32 $1.111111120e-01, v37;
	v38 =	vmul.f32 v58, v59  }
0xc2: {  	v21 =	vadd.f32 v21, v22;
	v51 =	vmul.f32 v36, v59;
	v62 =	vmul.f32 v16, v7  }
0xc3: {  	v41 =	vadd.f32 $1.428571490e-01, v60;
	v49 =	vmul.f32 v16, v59;
	v52 =	vmul.f32 v16, v61  }
0xc4: {  	v13 =	vld [tilespmem:$0x80];
	v32 =	vadd.f32 v59, v32;
	v36 =	vmul.f32 v36, v38;
	v55 =	vmul.f32 v16, v63  }
0xc5: {  	v58 =	vld [tilespmem:$0x150];
	v33 =	vadd.f32 v38, v34;
	v28 =	vadd.f32 v51, v28;
	v50 =	vmul.f32 v41, v37  }
0xc6: {  	v56 =	vmul.f32 v16, v38;
	v60 =	vld [tilespmem:$0x250];
	v25 =	vadd.f32 v62, v25;
	v20 =	vadd.f32 v49, v20  }
0xc7: {  	v57 =	vmul.f32 v16, v51;
	v63 =	vld [tilespmem:$0x350];
	v30 =	vadd.f32 v52, v30;
	v7 =	vadd.f32 $2.000000030e-01, v50  }
0xc8: {  	v59 =	vmul.f32 v16, v54;
	v35 =	vadd.f32 v55, v35;
	v27 =	vadd.f32 v56, v27  }
0xc9: {  	v24 =	vadd.f32 v57, v24;
	v16 =	vmul.f32 v16, v36;
	v7 =	vmul.f32 v7, v37  }
0xca: {  	v31 =	vadd.f32 v59, v31;
	v23 =	vadd.f32 v36, v23;
	v57 =	vand.u32 $0x7FFFFFFF, v13;
	v61 =	vpop (erf)  }
0xcb: {  	v36 =	vcvt.s32.f32 v58;
	v38 =	vmul.f32 v61, v43;
	v7 =	vadd.f32 $3.333333430e-01, v7  }
0xcc: {  	v41 =	vsub.f32 $0.0e+00, v57;
	v47 =	vcvt.s32.f32 v60;
	v49 =	vcvt.s32.f32 v63  }
0xcd: {  	v16 =	vadd.f32 v16, v17;
	v50 =	vmul.f32 v36, v12;
	v7 =	vmul.f32 v7, v37  }
0xce: {  	v61 =	vmul.f32 $1.442695020e+00, v41;
	v21 =	vadd.f32 v36, v21;
	v34 =	vmul.f32 v38, v38  }
0xcf: {  	v42 =	vpop (erf);
	v51 =	vmul.f32 v47, v12;
	v53 =	vmul.f32 v49, v12;
	v62 =	vadd.f32 $1.000000000e+00, v7  }
0xd0: {  	v54 =	vadd.f32 $2.000000000e+00, v42;
	v58 =	vmul.f32 v49, v50;
	v48 =	vmul.f32 $1.111111120e-01, v34  }
0xd1: {  	v32 =	vadd.f32 v50, v32;
	v38 =	vadd.f32 v38, v38;
	v46 =	vmul.f32 v62, v39  }
0xd2: {  	(erf) = vrcp.f32 v54;
	v59 =	vmul.f32 v49, v51;
	v37 =	vadd.f32 $1.428571490e-01, v48  }
0xd3: {  	(erf) = vpow2.f32 v61;
	v26 =	vadd.f32 v51, v26;
	v17 =	vsub.f32 v18, v46  }
0xd4: {  	v41 =	vadd.f32 v53, v44;
	v55 =	vmul.f32 v37, v34;
	v18 =	vmul.f32 v47, v50  }
0xd5: {  	v28 =	vadd.f32 v58, v28;
	v52 =	vmul.f32 v17, v12;
	v56 =	vmul.f32 v17, v50  }
0xd6: {  	v29 =	vadd.f32 v59, v29;
	v60 =	vmul.f32 v17, v51;
	v22 =	vmul.f32 v49, v18  }
0xd7: {  	v12 =	vadd.f32 $2.000000030e-01, v55;
	v62 =	vmul.f32 v17, v53;
	v63 =	vmul.f32 v17, v18  }
0xd8: {  	v48 =	vld [tilespmem:$0x160];
	v47 =	vmul.f32 v17, v58;
	v18 =	vadd.f32 v18, v33;
	v50 =	vmul.f32 v17, v59  }
0xd9: {  	v51 =	vld [tilespmem:$0x360];
	v25 =	vadd.f32 v52, v25;
	v20 =	vadd.f32 v56, v20;
	v12 =	vmul.f32 v12, v34  }
0xda: {  	v49 =	vld [tilespmem:$0x260];
	v30 =	vadd.f32 v60, v30;
	v35 =	vadd.f32 v62, v35;
	v17 =	vmul.f32 v17, v22  }
0xdb: {  	v13 =	vmin.f32 v13, $0.0e+00;
	v27 =	vadd.f32 v63, v27;
	v24 =	vadd.f32 v47, v24  }
0xdc: {  	v7 =	vsel vm1, $0x3F800000, v1;
	v12 =	vadd.f32 $3.333333430e-01, v12;
	v52 =	vpop (erf);
	v16 =	vadd.f32 v17, v16  }
0xdd: {  	v17 =	vadd.f32 v22, v23;
	v22 =	vcvt.s32.f32 v48;
	v33 =	vmul.f32 v52, v42  }
0xde: {  	v31 =	vadd.f32 v50, v31;
	v37 =	vcvt.s32.f32 v51;
	v40 =	vpop (erf);
	v12 =	vmul.f32 v12, v34  }
0xdf: {  	v34 =	vcvt.s32.f32 v49;
	v53 =	vmul.f32 v22, v11;
	v57 =	vadd.f32 $2.000000000e+00, v40  }
0xe0: {  	v21 =	vadd.f32 v22, v21;
	v23 =	vmul.f32 v33, v33;
	v56 =	vmul.f32 v37, v11  }
0xe1: {  	v12 =	vadd.f32 $1.000000000e+00, v12;
	v55 =	vmul.f32 v34, v11;
	v34 =	vmul.f32 v34, v53  }
0xe2: {  	v33 =	vadd.f32 v33, v33;
	(erf) = vrcp.f32 v57;
	v54 =	vmul.f32 $1.111111120e-01, v23  }
0xe3: {  	v60 =	vmul.f32 v37, v53;
	v32 =	vadd.f32 v53, v32;
	v12 =	vmul.f32 v12, v38  }
0xe4: {  	v63 =	vmul.f32 v37, v55;
	v26 =	vadd.f32 v55, v26;
	v39 =	vadd.f32 $1.428571490e-01, v54  }
0xe5: {  	v52 =	vmul.f32 v37, v34;
	v37 =	vadd.f32 v56, v41;
	v14 =	vsub.f32 v14, v12;
	v12 =	vld [tilespmem:$0x90]  }
0xe6: {  	v18 =	vadd.f32 v34, v18;
	v28 =	vadd.f32 v60, v28;
	v39 =	vmul.f32 v39, v23  }
0xe7: {  	v29 =	vadd.f32 v63, v29;
	v58 =	vmul.f32 v14, v11;
	v59 =	vmul.f32 v14, v53  }
0xe8: {  	v54 =	vld [tilespmem:$0x270];
	v62 =	vmul.f32 v14, v55;
	v48 =	vmul.f32 v14, v56;
	v39 =	vadd.f32 $2.000000030e-01, v39  }
0xe9: {  	v57 =	vld [tilespmem:$0x370];
	v17 =	vadd.f32 v52, v17;
	v50 =	vmul.f32 v14, v34;
	v51 =	vmul.f32 v14, v60  }
0xea: {  	v25 =	vadd.f32 v58, v25;
	v61 =	vand.u32 $0x7FFFFFFF, v12;
	v49 =	vmul.f32 v39, v23  }
0xeb: {  	v56 =	vmul.f32 v14, v63;
	v20 =	vadd.f32 v59, v20;
	v11 =	vsub.f32 $0.0e+00, v61  }
0xec: {  	v14 =	vmul.f32 v14, v52;
	v30 =	vadd.f32 v62, v30;
	v36 =	vadd.f32 $3.333333430e-01, v49  }
0xed: {  	v53 =	vld [tilespmem:$0x170];
	v35 =	vadd.f32 v48, v35;
	v59 =	vcvt.s32.f32 v54;
	v11 =	vmul.f32 $1.442695020e+00, v11  }
0xee: {  	v27 =	vadd.f32 v50, v27;
	v55 =	vpop (erf);
	v61 =	vcvt.s32.f32 v57;
	v23 =	vmul.f32 v36, v23  }
0xef: {  	v24 =	vadd.f32 v51, v24;
	v36 =	vmul.f32 v55, v40;
	(erf) = vpow2.f32 v11  }
0xf0: {  	v31 =	vadd.f32 v56, v31;
	v62 =	vmul.f32 v59, v10;
	v11 =	vld [tilespmem:$0xA0];
	v23 =	vadd.f32 $1.000000000e+00, v23  }
0xf1: {  	v14 =	vadd.f32 v14, v16;
	v63 =	vmul.f32 v61, v10;
	v39 =	vmul.f32 v36, v36  }
0xf2: {  	v26 =	vadd.f32 v62, v26;
	v58 =	vmul.f32 v23, v33;
	v23 =	vcvt.s32.f32 v53  }
0xf3: {  	v55 =	vmul.f32 v61, v62;
	v37 =	vadd.f32 v63, v37;
	v60 =	vmul.f32 $1.111111120e-01, v39  }
0xf4: {  	v36 =	vadd.f32 v36, v36;
	v15 =	vsub.f32 v15, v58;
	v38 =	vmul.f32 v23, v10  }
0xf5: {  	v29 =	vadd.f32 v55, v29;
	v34 =	vadd.f32 $1.428571490e-01, v60;
	v54 =	vand.u32 $0x7FFFFFFF, v11  }
0xf6: {  	v21 =	vadd.f32 v23, v21;
	v48 =	vmul.f32 v15, v10;
	v50 =	vmul.f32 v59, v38  }
0xf7: {  	v11 =	vmin.f32 v11, $0.0e+00;
	v51 =	vmul.f32 v34, v39;
	v52 =	vmul.f32 v61, v38  }
0xf8: {  	v44 =	vsub.f32 $0.0e+00, v54;
	v53 =	vmul.f32 v15, v38;
	v56 =	vmul.f32 v15, v62;
	v41 =	vpop (erf)  }
0xf9: {  	v60 =	vld [tilespmem:$0x180];
	v32 =	vadd.f32 v38, v32;
	v58 =	vmul.f32 v15, v63;
	v49 =	vadd.f32 $2.000000000e+00, v41  }
0xfa: {  	v45 =	vmul.f32 v15, v55;
	v57 =	vmul.f32 $1.442695020e+00, v44;
	v25 =	vadd.f32 v48, v25  }
0xfb: {  	v33 =	vadd.f32 $2.000000030e-01, v51;
	v20 =	vadd.f32 v53, v20;
	(erf) = vrcp.f32 v49  }
0xfc: {  	v63 =	vld [tilespmem:$0x380];
	v16 =	vmul.f32 v61, v50;
	v30 =	vadd.f32 v56, v30;
	v59 =	vmul.f32 v15, v50  }
0xfd: {  	v10 =	vld [tilespmem:$0xB0];
	v35 =	vadd.f32 v58, v35;
	v18 =	vadd.f32 v50, v18;
	v62 =	vmul.f32 v15, v52  }
0xfe: {  	v61 =	vld [tilespmem:$0x280];
	v31 =	vadd.f32 v45, v31;
	v34 =	vcvt.s32.f32 v60;
	(erf) = vpow2.f32 v57  }
0xff: {  	v33 =	vmul.f32 v33, v39;
	v27 =	vadd.f32 v59, v27;
	v22 =	vadd.f32 v62, v24  }
0x100: {  	v24 =	vadd.f32 v52, v28;
	v15 =	vmul.f32 v15, v16;
	v16 =	vadd.f32 v16, v17  }
0x101: {  	v48 =	vcvt.s32.f32 v63;
	v49 =	vmul.f32 v34, v9;
	v33 =	vadd.f32 $3.333333430e-01, v33  }
0x102: {  	v59 =	vand.u32 $0x7FFFFFFF, v10;
	v21 =	vadd.f32 v34, v21;
	v10 =	vmin.f32 v10, $0.0e+00  }
0x103: {  	v43 =	vsub.f32 $0.0e+00, v59;
	v47 =	vcvt.s32.f32 v61;
	v33 =	vmul.f32 v33, v39  }
0x104: {  	v14 =	vadd.f32 v15, v14;
	v52 =	vmul.f32 v48, v9;
	v55 =	vmul.f32 v48, v49;
	v46 =	vpop (erf)  }
0x105: {  	v43 =	vmul.f32 $1.442695020e+00, v43;
	v33 =	vadd.f32 $1.000000000e+00, v33;
	v28 =	vmul.f32 v46, v41  }
0x106: {  	v32 =	vadd.f32 v49, v32;
	v51 =	vmul.f32 v47, v9;
	v15 =	vmul.f32 v47, v49  }
0x107: {  	v37 =	vadd.f32 v52, v37;
	v33 =	vmul.f32 v33, v36;
	v53 =	vpop (erf);
	v36 =	vmul.f32 v28, v28  }
0x108: {  	v17 =	vadd.f32 v55, v24;
	v38 =	vmul.f32 v48, v15;
	v54 =	vadd.f32 $2.000000000e+00, v53  }
0x109: {  	v58 =	vmul.f32 v48, v51;
	v13 =	vsub.f32 v13, v33;
	v50 =	vmul.f32 $1.111111120e-01, v36  }
0x10a: {  	v26 =	vadd.f32 v51, v26;
	v16 =	vadd.f32 v38, v16;
	(erf) = vrcp.f32 v54  }
0x10b: {  	v56 =	vmul.f32 v13, v9;
	v60 =	vmul.f32 v13, v49;
	v40 =	vadd.f32 $1.428571490e-01, v50  }
0x10c: {  	v48 =	vld [tilespmem:$0x390];
	v61 =	vmul.f32 v13, v51;
	v63 =	vmul.f32 v13, v15;
	v15 =	vadd.f32 v15, v18  }
0x10d: {  	v46 =	vld [tilespmem:$0x290];
	v28 =	vadd.f32 v28, v28;
	(erf) = vpow2.f32 v43;
	v57 =	vmul.f32 v40, v36  }
0x10e: {  	v45 =	vld [tilespmem:$0x190];
	v62 =	vmul.f32 v13, v52;
	v25 =	vadd.f32 v56, v25;
	v20 =	vadd.f32 v60, v20  }
0x10f: {  	v44 =	vmul.f32 v13, v55;
	v9 =	vld [tilespmem:$0xC0];
	v30 =	vadd.f32 v61, v30;
	v23 =	vadd.f32 $2.000000030e-01, v57  }
0x110: {  	v47 =	vmul.f32 v13, v58;
	v33 =	vadd.f32 v62, v35;
	v27 =	vadd.f32 v63, v27  }
0x111: {  	v18 =	vadd.f32 v44, v22;
	v54 =	vcvt.s32.f32 v48;
	v23 =	vmul.f32 v23, v36  }
0x112: {  	v24 =	vadd.f32 v47, v31;
	v52 =	vcvt.s32.f32 v46;
	v50 =	vmul.f32 v13, v38  }
0x113: {  	v13 =	vadd.f32 v58, v29;
	v29 =	vcvt.s32.f32 v45;
	v49 =	vpop (erf);
	v23 =	vadd.f32 $3.333333430e-01, v23  }
0x114: {  	v63 =	vand.u32 $0x7FFFFFFF, v9;
	v9 =	vmin.f32 v9, $0.0e+00;
	v39 =	vmul.f32 v49, v53  }
0x115: {  	v44 =	vsub.f32 $0.0e+00, v63;
	v35 =	vmul.f32 v29, v8;
	v23 =	vmul.f32 v23, v36  }
0x116: {  	v14 =	vadd.f32 v50, v14;
	v57 =	vmul.f32 v54, v8;
	v56 =	vpop (erf);
	v51 =	vmul.f32 v39, v39  }
0x117: {  	v31 =	vmul.f32 v52, v35;
	v58 =	vadd.f32 $2.000000000e+00, v56;
	v23 =	vadd.f32 $1.000000000e+00, v23  }
0x118: {  	v21 =	vadd.f32 v29, v21;
	v60 =	vmul.f32 v54, v35;
	v55 =	vmul.f32 $1.111111120e-01, v51  }
0x119: {  	v32 =	vadd.f32 v35, v32;
	(erf) = vrcp.f32 v58;
	v23 =	vmul.f32 v23, v28  }
0x11a: {  	v53 =	vmin.f32 v12, $0.0e+00;
	v36 =	vmul.f32 v52, v8;
	v22 =	vadd.f32 $1.428571490e-01, v55  }
0x11b: {  	v15 =	vadd.f32 v31, v15;
	v12 =	vmul.f32 v54, v31;
	v23 =	vsub.f32 v53, v23  }
0x11c: {  	v17 =	vadd.f32 v60, v17;
	v61 =	vmul.f32 v54, v36;
	v22 =	vmul.f32 v22, v51  }
0x11d: {  	v39 =	vadd.f32 v39, v39;
	v59 =	vmul.f32 v23, v8;
	v8 =	vmul.f32 $1.442695020e+00, v44  }
0x11e: {  	v26 =	vadd.f32 v36, v26;
	v22 =	vadd.f32 $2.000000030e-01, v22;
	v62 =	vmul.f32 v23, v35  }
0x11f: {  	v13 =	vadd.f32 v61, v13;
	v53 =	vld [tilespmem:$0x3A0];
	v45 =	vmul.f32 v23, v36;
	(erf) = vpow2.f32 v8  }
0x120: {  	v46 =	vmul.f32 v23, v57;
	v36 =	vadd.f32 v57, v37;
	v22 =	vmul.f32 v22, v51  }
0x121: {  	v50 =	vld [tilespmem:$0x2A0];
	v47 =	vmul.f32 v23, v31;
	v25 =	vadd.f32 v59, v25;
	v20 =	vadd.f32 v62, v20  }
0x122: {  	v52 =	vmul.f32 v23, v61;
	v54 =	vpop (erf);
	v30 =	vadd.f32 v45, v30;
	v8 =	vld [tilespmem:$0xD0];
	v22 =	vadd.f32 $3.333333430e-01, v22  }
0x123: {  	v33 =	vadd.f32 v46, v33;
	v27 =	vadd.f32 v47, v27;
	v38 =	vmul.f32 v54, v56  }
0x124: {  	v48 =	vld [tilespmem:$0x1A0];
	v24 =	vadd.f32 v52, v24;
	v59 =	vcvt.s32.f32 v53;
	v49 =	vmul.f32 v22, v51  }
0x125: {  	v57 =	vmul.f32 v38, v38;
	v38 =	vadd.f32 v38, v38;
	v51 =	vmul.f32 v23, v60  }
0x126: {  	v23 =	vmul.f32 v23, v12;
	v22 =	vcvt.s32.f32 v50;
	v55 =	vadd.f32 $1.000000000e+00, v49  }
0x127: {  	v63 =	vmul.f32 v59, v6;
	v12 =	vadd.f32 v12, v16;
	v60 =	vand.u32 $0x7FFFFFFF, v8  }
0x128: {  	v58 =	vmul.f32 $1.111111120e-01, v57;
	v35 =	vsub.f32 $0.0e+00, v60;
	v56 =	vmul.f32 v55, v39;
	v39 =	vpop (erf)  }
0x129: {  	v14 =	vadd.f32 v23, v14;
	v23 =	vcvt.s32.f32 v48;
	v45 =	vadd.f32 $2.000000000e+00, v39  }
0x12a: {  	v18 =	vadd.f32 v51, v18;
	v62 =	vmul.f32 v22, v6;
	v47 =	vmul.f32 $1.442695020e+00, v35  }
0x12b: {  	v28 =	vadd.f32 $1.428571490e-01, v58;
	v61 =	vmul.f32 v23, v6;
	(erf) = vrcp.f32 v45  }
0x12c: {  	v8 =	vmin.f32 v8, $0.0e+00;
	v53 =	vmul.f32 v59, v62;
	(erf) = vpow2.f32 v47  }
0x12d: {  	v26 =	vadd.f32 v62, v26;
	v46 =	vmul.f32 v28, v57;
	v11 =	vsub.f32 v11, v56  }
0x12e: {  	v21 =	vadd.f32 v23, v21;
	v35 =	vadd.f32 v63, v36;
	v22 =	vmul.f32 v22, v61  }
0x12f: {  	v49 =	vmul.f32 v59, v61;
	v16 =	vadd.f32 $2.000000030e-01, v46;
	v48 =	vmul.f32 v11, v6;
	v6 =	vld [tilespmem:$0xE0]  }
0x130: {  	v29 =	vadd.f32 v61, v32;
	v50 =	vmul.f32 v11, v61;
	v51 =	vmul.f32 v11, v62  }
0x131: {  	v13 =	vadd.f32 v53, v13;
	v52 =	vmul.f32 v11, v63;
	v16 =	vmul.f32 v16, v57  }
0x132: {  	v54 =	vmul.f32 v11, v22;
	v55 =	vmul.f32 v11, v49;
	v15 =	vadd.f32 v22, v15  }
0x133: {  	v56 =	vmul.f32 v59, v22;
	v17 =	vadd.f32 v49, v17;
	v16 =	vadd.f32 $3.333333430e-01, v16  }
0x134: {  	v61 =	vld [tilespmem:$0x2B0];
	v25 =	vadd.f32 v48, v25;
	v20 =	vadd.f32 v50, v20;
	v59 =	vand.u32 $0x7FFFFFFF, v6;
	v58 =	vpop (erf)  }
0x135: {  	v30 =	vadd.f32 v51, v30;
	v16 =	vmul.f32 v16, v57;
	v57 =	vld [tilespmem:$0x1B0];
	v34 =	vsub.f32 $0.0e+00, v59;
	v41 =	vpop (erf)  }
0x136: {  	v60 =	vmul.f32 v11, v53;
	v62 =	vld [tilespmem:$0x3B0];
	v32 =	vadd.f32 v52, v33;
	v63 =	vadd.f32 $2.000000000e+00, v41  }
0x137: {  	v27 =	vadd.f32 v54, v27;
	v16 =	vadd.f32 $1.000000000e+00, v16;
	v43 =	vmul.f32 $1.442695020e+00, v34  }
0x138: {  	v18 =	vadd.f32 v55, v18;
	v11 =	vmul.f32 v11, v56;
	(erf) = vrcp.f32 v63  }
0x139: {  	v24 =	vadd.f32 v60, v24;
	v16 =	vmul.f32 v16, v38;
	(erf) = vpow2.f32 v43  }
0x13a: {  	v11 =	vadd.f32 v11, v14;
	v44 =	vcvt.s32.f32 v61;
	v22 =	vcvt.s32.f32 v57  }
0x13b: {  	v33 =	vmul.f32 v58, v39;
	v14 =	vsub.f32 v10, v16;
	v16 =	vcvt.s32.f32 v62  }
0x13c: {  	v12 =	vadd.f32 v56, v12;
	v47 =	vmul.f32 v44, v5;
	v10 =	vld [tilespmem:$0xF0];
	v46 =	vmul.f32 v22, v5  }
0x13d: {  	v6 =	vmin.f32 v6, $0.0e+00;
	v34 =	vmul.f32 v33, v33;
	v48 =	vmul.f32 v16, v5  }
0x13e: {  	v26 =	vadd.f32 v47, v26;
	v49 =	vmul.f32 v14, v5;
	v54 =	vmul.f32 v16, v47  }
0x13f: {  	v21 =	vadd.f32 v22, v21;
	v56 =	vmul.f32 v14, v47;
	v45 =	vmul.f32 $1.111111120e-01, v34  }
0x140: {  	v5 =	vadd.f32 v5, v19;
	v50 =	vmul.f32 v44, v46;
	v52 =	vmul.f32 v16, v46  }
0x141: {  	v29 =	vadd.f32 v46, v29;
	v58 =	vand.u32 $0x7FFFFFFF, v10;
	v36 =	vadd.f32 $1.428571490e-01, v45;
	v57 =	vpop (erf)  }
0x142: {  	v53 =	vmul.f32 v14, v46;
	v46 =	vadd.f32 v33, v33;
	v42 =	vsub.f32 $0.0e+00, v58;
	v37 =	vpop (erf)  }
0x143: {  	v25 =	vadd.f32 v49, v25;
	v51 =	vmul.f32 v36, v34;
	v60 =	vadd.f32 $2.000000000e+00, v37  }
0x144: {  	v28 =	vadd.f32 v56, v30;
	v59 =	vmul.f32 v14, v48;
	v61 =	vmul.f32 $1.442695020e+00, v42  }
0x145: {  	v31 =	vadd.f32 v48, v35;
	v55 =	vadd.f32 $2.000000030e-01, v51;
	(erf) = vrcp.f32 v60  }
0x146: {  	v47 =	vmul.f32 v14, v54;
	v20 =	vadd.f32 v53, v20;
	(erf) = vpow2.f32 v61  }
0x147: {  	v63 =	vld [tilespmem:$0x1C0];
	v62 =	vmul.f32 v14, v50;
	v15 =	vadd.f32 v50, v15;
	v19 =	vmul.f32 v55, v34  }
0x148: {  	v44 =	vmul.f32 v14, v52;
	v16 =	vmul.f32 v16, v50;
	v17 =	vadd.f32 v52, v17  }
0x149: {  	v43 =	vld [tilespmem:$0x2C0];
	v30 =	vadd.f32 v59, v32;
	v33 =	vmul.f32 v57, v41;
	v19 =	vadd.f32 $3.333333430e-01, v19  }
0x14a: {  	v10 =	vmin.f32 v10, $0.0e+00;
	v23 =	vadd.f32 v47, v24;
	v27 =	vadd.f32 v62, v27  }
0x14b: {  	v45 =	vld [tilespmem:$0x3C0];
	v18 =	vadd.f32 v44, v18;
	v32 =	vmul.f32 v33, v33;
	v19 =	vmul.f32 v19, v34  }
0x14c: {  	v14 =	vmul.f32 v14, v16;
	v16 =	vadd.f32 v16, v12;
	v24 =	vcvt.s32.f32 v63  }
0x14d: {  	v36 =	vadd.f32 v54, v13;
	v51 =	vmul.f32 $1.111111120e-01, v32;
	v19 =	vadd.f32 $1.000000000e+00, v19  }
0x14e: {  	v48 =	vcvt.s32.f32 v43;
	v40 =	vadd.f32 v14, v11;
	v43 =	vadd.f32 v4, v5;
	v52 =	vpop (erf)  }
0x14f: {  	v50 =	vmul.f32 v24, v4;
	v55 =	vadd.f32 $1.428571490e-01, v51;
	v19 =	vmul.f32 v19, v46;
	v56 =	vpop (erf)  }
0x150: {  	v49 =	vcvt.s32.f32 v45;
	v53 =	vmul.f32 v48, v4;
	v59 =	vadd.f32 $2.000000000e+00, v56  }
0x151: {  	v13 =	vmul.f32 v48, v50;
	v9 =	vsub.f32 v9, v19;
	v19 =	vmul.f32 v55, v32  }
0x152: {  	v22 =	vadd.f32 v50, v29;
	v54 =	vmul.f32 v49, v4;
	(erf) = vrcp.f32 v59  }
0x153: {  	v57 =	vmul.f32 v49, v50;
	v58 =	vmul.f32 v49, v53;
	v19 =	vadd.f32 $2.000000030e-01, v19  }
0x154: {  	v48 =	vld [tilespmem:$0x1D0];
	v47 =	vmul.f32 v49, v13;
	v12 =	vadd.f32 v13, v15;
	v60 =	vmul.f32 v9, v4  }
0x155: {  	v11 =	vadd.f32 v54, v31;
	v61 =	vmul.f32 v9, v50;
	v44 =	vmul.f32 v19, v32  }
0x156: {  	v14 =	vadd.f32 v58, v36;
	v51 =	vld [tilespmem:$0x3D0];
	v62 =	vmul.f32 v9, v53;
	v63 =	vmul.f32 v9, v54  }
0x157: {  	v45 =	vmul.f32 v9, v13;
	v46 =	vmul.f32 v9, v57;
	v5 =	vadd.f32 $3.333333430e-01, v44  }
0x158: {  	v13 =	vadd.f32 v57, v17;
	v50 =	vmul.f32 v9, v58;
	v9 =	vmul.f32 v9, v47  }
0x159: {  	v4 =	vcvt.s32.f32 v48;
	v25 =	vadd.f32 v60, v25;
	v5 =	vmul.f32 v5, v32  }
0x15a: {  	v49 =	vld [tilespmem:$0x2D0];
	v19 =	vadd.f32 v53, v26;
	v26 =	vadd.f32 v63, v30;
	v30 =	vmul.f32 v52, v37  }
0x15b: {  	v17 =	vcvt.s32.f32 v51;
	v52 =	vadd.f32 v33, v33;
	v5 =	vadd.f32 $1.000000000e+00, v5;
	v54 =	vpop (erf)  }
0x15c: {  	v20 =	vadd.f32 v61, v20;
	v53 =	vmul.f32 v30, v30;
	v33 =	vmul.f32 v54, v56  }
0x15d: {  	v28 =	vadd.f32 v62, v28;
	v27 =	vadd.f32 v45, v27;
	v55 =	vmul.f32 v5, v52  }
0x15e: {  	v5 =	vadd.f32 v47, v16;
	v56 =	vmul.f32 $1.111111120e-01, v53;
	v16 =	vmul.f32 v33, v33  }
0x15f: {  	v15 =	vadd.f32 v46, v18;
	v18 =	vcvt.s32.f32 v49;
	v58 =	vmul.f32 v4, v3  }
0x160: {  	v23 =	vadd.f32 v50, v23;
	v57 =	vadd.f32 $1.428571490e-01, v56;
	v59 =	vmul.f32 $1.111111120e-01, v16  }
0x161: {  	v34 =	vadd.f32 v9, v40;
	v61 =	vmul.f32 v18, v3;
	v18 =	vmul.f32 v18, v58  }
0x162: {  	v29 =	vmul.f32 v17, v3;
	v62 =	vmul.f32 v57, v53;
	v63 =	vadd.f32 $1.428571490e-01, v59  }
0x163: {  	v35 =	vmul.f32 v17, v58;
	v22 =	vadd.f32 v58, v22;
	v9 =	vmul.f32 v17, v18  }
0x164: {  	v60 =	vsub.f32 v8, v55;
	v44 =	vadd.f32 $2.000000030e-01, v62;
	v45 =	vmul.f32 v63, v16  }
0x165: {  	v8 =	vadd.f32 v24, v21;
	v21 =	vmul.f32 v17, v61;
	v17 =	vadd.f32 v3, v43  }
0x166: {  	v52 =	vld [tilespmem:$0x2E0];
	v42 =	vmul.f32 v60, v3;
	v39 =	vmul.f32 v44, v53;
	v3 =	vadd.f32 $2.000000030e-01, v45  }
0x167: {  	v30 =	vadd.f32 v30, v30;
	v46 =	vmul.f32 v60, v58;
	v47 =	vmul.f32 v60, v61;
	v54 =	vld [tilespmem:$0x3E0]  }
0x168: {  	v49 =	vmul.f32 v60, v29;
	v58 =	vld [tilespmem:$0x2F0];
	v48 =	vadd.f32 $3.333333430e-01, v39;
	v3 =	vmul.f32 v3, v16  }
0x169: {  	v19 =	vadd.f32 v61, v19;
	v55 =	vmul.f32 v60, v35;
	v36 =	vmul.f32 v60, v9  }
0x16a: {  	v50 =	vld [tilespmem:$0x1E0];
	v25 =	vadd.f32 v42, v25;
	v51 =	vmul.f32 v48, v53;
	v3 =	vadd.f32 $3.333333430e-01, v3  }
0x16b: {  	v32 =	vcvt.s32.f32 v52;
	v20 =	vadd.f32 v46, v20;
	v24 =	vadd.f32 v47, v28  }
0x16c: {  	v37 =	vcvt.s32.f32 v54;
	v28 =	vadd.f32 $1.000000000e+00, v51;
	v16 =	vmul.f32 v3, v16  }
0x16d: {  	v56 =	vmul.f32 v60, v21;
	v33 =	vadd.f32 v33, v33;
	v57 =	vld [tilespmem:$0x1F0];
	v62 =	vcvt.s32.f32 v58  }
0x16e: {  	v40 =	vmul.f32 v37, v2;
	v28 =	vmul.f32 v28, v30;
	v16 =	vadd.f32 $1.000000000e+00, v16  }
0x16f: {  	v26 =	vadd.f32 v49, v26;
	v46 =	vmul.f32 v62, v7;
	v3 =	vcvt.s32.f32 v50  }
0x170: {  	v59 =	vld [tilespmem:$0x3F0];
	v39 =	vmul.f32 v32, v2;
	v6 =	vsub.f32 v6, v28;
	v16 =	vmul.f32 v16, v33  }
0x171: {  	v15 =	vadd.f32 v55, v15;
	v53 =	vmul.f32 v60, v18;
	v28 =	vmul.f32 v3, v2  }
0x172: {  	v60 =	vmul.f32 v6, v2;
	v10 =	vsub.f32 v10, v16;
	v16 =	vcvt.s32.f32 v57  }
0x173: {  	v23 =	vadd.f32 v56, v23;
	v54 =	vmul.f32 v37, v39;
	v61 =	vmul.f32 v6, v28  }
0x174: {  	v25 =	vadd.f32 v60, v25;
	v38 =	vmul.f32 v16, v7;
	v63 =	vmul.f32 v10, v7  }
0x175: {  	v27 =	vadd.f32 v53, v27;
	v45 =	vmul.f32 v6, v39;
	v33 =	vcvt.s32.f32 v59  }
0x176: {  	v20 =	vadd.f32 v61, v20;
	v25 =	vadd.f32 v63, v25;
	v47 =	vmul.f32 v10, v38  }
0x177: {  	v32 =	vmul.f32 v32, v28;
	v48 =	vmul.f32 v6, v40;
	v24 =	vadd.f32 v45, v24  }
0x178: {  	v49 =	vmul.f32 v33, v7;
	v50 =	vmul.f32 v10, v46;
	v20 =	vadd.f32 v47, v20;
	(xrf2) =	vadd.scan.msk.f32 $0xffff, v25  }
0x179: {  	v51 =	vmul.f32 v37, v28;
	v26 =	vadd.f32 v48, v26;
	v52 =	vmul.f32 v6, v32  }
0x17a: {  	v53 =	vmul.f32 v10, v49;
	v31 =	vmul.f32 v62, v38;
	v24 =	vadd.f32 v50, v24;
	(xrf2) =	vadd.scan.msk.f32 $0xffff, v20  }
0x17b: {  	v58 =	vmul.f32 v6, v54;
	v55 =	vmul.f32 v6, v51;
	v27 =	vadd.f32 v52, v27  }
0x17c: {  	v26 =	vadd.f32 v53, v26;
	v56 =	vmul.f32 v33, v38;
	v57 =	vmul.f32 v10, v31;
	(xrf2) =	vadd.scan.msk.f32 $0xffff, v24  }
0x17d: {  	v11 =	vadd.f32 v29, v11;
	v37 =	vmul.f32 v37, v32;
	v59 =	vmul.f32 v33, v46  }
0x17e: {  	v15 =	vadd.f32 v55, v15;
	v60 =	vmul.f32 v10, v56;
	v24 =	vadd.f32 v57, v27;
	(xrf2) =	vadd.scan.msk.f32 $0xffff, v26  }
0x17f: {  	v34 =	vadd.f32 v36, v34;
	v23 =	vadd.f32 v58, v23;
	v6 =	vmul.f32 v6, v37  }
0x180: {  	v62 =	vmul.f32 v10, v59;
	v61 =	vmul.f32 v33, v31;
	v15 =	vadd.f32 v60, v15;
	(xrf2) =	vadd.scan.msk.f32 $0xffff, v24  }
0x181: {  	v12 =	vadd.f32 v18, v12;
	v13 =	vadd.f32 v35, v13  }
0x182: {  	v6 =	vadd.f32 v6, v34;
	v63 =	vadd.f32 v62, v23;
	v10 =	vmul.f32 v10, v61;
	v24, _, _ =	vpop (xrf2);
	(xrf2) =	vadd.scan.msk.f32 $0xffff, v15  }
0x183: {  	v5 =	vadd.f32 v9, v5;
	v2 =	vadd.f32 v2, v17;
	v29 =	vbroadcast v24, $0xF  }
0x184: {  	v14 =	vadd.f32 v21, v14;
	v6 =	vadd.f32 v10, v6;
	v30, _, _ =	vpop (xrf2);
	(xrf2) =	vadd.scan.msk.f32 $0xffff, v63  }
0x185: {  	v2 =	vadd.f32 v7, v2;
	v15 =	vnsel vm0, $0x0, v29;
	v10 =	vbroadcast v30, $0xF  }
0x186: {  	vm1 =	vcmask $0x704;
	v33 =	vadd.f32 v28, v22;
	v35, _, _ =	vpop (xrf2);
	(xrf2) =	vadd.scan.msk.f32 $0xffff, v6;
	v34 =	vadd.f32 $0.0e+00, v15  }
0x187: {  	v36 =	vadd.f32 v39, v19;
	v15 =	vbroadcast v35, $0xF;
	v10 =	vnsel vm1, $0x0, v10  }
0x188: {  	v17 =	vadd.f32 v38, v33;
	v39, _, _ =	vpop (xrf2);
	(xrf2) =	vadd.scan.msk.f32 $0xffff, v2;
	vm1 =	vcmask $0xB08;
	v7 =	vadd.f32 v34, v10  }
0x189: {  	v2 =	vadd.f32 v40, v11;
	v40 =	vnsel vm1, $0x0, v15;
	v10 =	vbroadcast v39, $0xF  }
0x18a: {  	v6 =	vadd.f32 v46, v36;
	v44, _, _ =	vpop (xrf2);
	(xrf2) =	vadd.scan.msk.f32 $0xffff, v17;
	vm1 =	vcmask $0xF0C;
	v7 =	vadd.f32 v7, v40  }
0x18b: {  	v12 =	vadd.f32 v32, v12;
	v11 =	vbroadcast v44, $0xF;
	v10 =	vnsel vm1, $0x0, v10  }
0x18c: {  	v2 =	vadd.f32 v49, v2;
	v7 =	vadd.f32 v7, v10;
	v45, _, _ =	vpop (xrf2);
	(xrf2) =	vadd.scan.msk.f32 $0xffff, v6  }
0x18d: {  	v46 =	vadd.f32 v51, v13;
	v11 =	vnsel vm4, $0x0, v11;
	v10 =	vbroadcast v45, $0xF  }
0x18e: {  	v12 =	vadd.f32 v31, v12;
	v7 =	vadd.f32 v7, v11;
	v47, _, _ =	vpop (xrf2);
	(xrf2) =	vadd.scan.msk.f32 $0xffff, v2  }
0x18f: {  	v6 =	vadd.f32 v56, v46;
	v10 =	vnsel vm5, $0x0, v10;
	v11 =	vbroadcast v47, $0xF  }
0x190: {  	v2 =	vadd.f32 v54, v14;
	v48, _, _ =	vpop (xrf2);
	(xrf2) =	vadd.scan.msk.f32 $0xffff, v12;
	v7 =	vadd.f32 v7, v10  }
0x191: {  	v4 =	vadd.f32 v4, v8;
	v10 =	vbroadcast v48, $0xF;
	v49 =	vnsel vm6, $0x0, v11  }
0x192: {  	v2 =	vadd.f32 v59, v2;
	v50, _, _ =	vpop (xrf2);
	(xrf2) =	vadd.scan.msk.f32 $0xffff, v6;
	v7 =	vadd.f32 v7, v49  }
0x193: {  	v5 =	vadd.f32 v37, v5;
	v52 =	vbroadcast v50, $0xF;
	v51 =	vnsel vm7, $0x0, v10  }
0x194: {  	v53, _, _ =	vpop (xrf2);
	(xrf2) =	vadd.scan.msk.f32 $0xffff, v2;
	v2 =	vadd.f32 v3, v4;
	v6 =	vadd.f32 v7, v51  }
0x195: {  	v5 =	vadd.f32 v61, v5;
	v54 =	vbroadcast v53, $0xF;
	v3 =	vnsel vm8, $0x0, v52  }
0x196: {  	v2 =	vadd.f32 v16, v2;
	v3 =	vadd.f32 v6, v3;
	v55, _, _ =	vpop (xrf2)  }
0x197: {  	v4 =	vnsel vm9, $0x0, v54;
	v6 =	vbroadcast v55, $0xF  }
0x198: {  	(xrf2) =	vadd.scan.msk.f32 $0xffff, v5;
	v3 =	vadd.f32 v3, v4;
	v56, _, _ =	vpop (xrf2)  }
0x199: {  	(xrf2) =	vadd.scan.msk.f32 $0xffff, v2;
	v57 =	vnsel vm10, $0x0, v6;
	v4 =	vbroadcast v56, $0xF  }
0x19a: {  	v2, _, _ =	vpop (xrf2);
	v3 =	vadd.f32 v3, v57  }
0x19b: {  	v2 =	vbroadcast v2, $0xF;
	v4 =	vnsel vm11, $0x0, v4  }
0x19c: {  	v58, _, _ =	vpop (xrf2);
	v3 =	vadd.f32 v3, v4  }
0x19d: {  	v59 =	vbroadcast v58, $0xF;
	v2 =	vnsel vm12, $0x0, v2  }
0x19e: {  	v60, _, _ =	vpop (xrf2);
	v2 =	vadd.f32 v3, v2  }
0x19f: {  	v61 =	vbroadcast v60, $0xF;
	v3 =	vnsel vm13, $0x0, v59  }
0x1a0: {  	[tilespmem:$0x780] =	vst v1;
	v2 =	vadd.f32 v2, v3  }
0x1a1: {  	[tilespmem:$0x800] =	vst v1;
	v3 =	vnsel vm14, $0x0, v61  }
0x1a2: {  	[tilespmem:$0x880] =	vst v1;
	v62, _, _ =	vpop (xrf2);
	v2 =	vadd.f32 v2, v3  }
0x1a3: {  	[tilespmem:$0x900] =	vst v1;
	v3 =	vsel vm15, $0x0, v62;
	v63, _, _ =	vpop (xrf2)  }
0x1a4: {  	[tilespmem:$0x980] =	vst v1;
	v2 =	vadd.f32 v2, v3;
	v3 =	vbroadcast v63, $0xF  }
0x1a5: {  	[tilespmem:$0xA00] =	vst v1  }
0x1a6: {  	v3 =	vnsel vm0, $0x0, v3;
	[tilespmem:$0x680] =	vst v2  }
.Ltmp4:
0x1a7: {  	[tilespmem:$0x700] =	vst v3;
	(pc) =	sbr.rel .LBB2_3-.Ltmp4, $4  }
0x1a8: {  	[hbm4b:s12+s3] =	stream.linear.scatter [tilespmem:s22], [sflag:$0x2], $0x400, $0x38;
	[tilespmem:$0x4B00] =	vst v63  }
0x1a9: {  	_ =	swait.ge [sflag:s23], $0x400  }
0x1aa: {  	[sflag:s23] =	ssyncset.done $0x0  }
0x1ab: {  	[sflag:s23] =	ssyncadd.s32 $0xFFFFFC00  }
.LBB2_4:
0x1ac: {  	[tilespmem:s24], [sflag:$0x2] =	stream.linear.gather [hbm4b:s5+s3], $0x4000, $0x38;
	[tilespmem:$0x4B00] =	vst v63  }
0x1ad: {  	_ =	swait.ge [sflag:s23], $0x4000  }
0x1ae: {  	[sflag:s23] =	ssyncset.done $0x0  }
0x1af: {  	[sflag:s23] =	ssyncadd.s32 $0xFFFFC000  }
0x1b0: {  	v2 =	vld [tilespmem:$0xA80]  }
0x1b1: {  	v3 =	vld [tilespmem:$0xE80];
	_ =	sdelay $0x1  }
0x1b2: {  	v4 =	vld [tilespmem:$0x1280];
	_ =	sdelay $0x1  }
0x1b3: {  	v5 =	vld [tilespmem:$0x1680]  }
0x1b4: {  	v2 =	vadd.f32 v3, v2  }
0x1b5: {  	v3 =	vld [tilespmem:$0x1A80]  }
0x1b6: {  	v2 =	vadd.f32 v4, v2  }
0x1b7: {  	v21 =	vld [tilespmem:$0x1E80]  }
0x1b8: {  	v2 =	vadd.f32 v5, v2  }
0x1b9: {  	v22 =	vld [tilespmem:$0x2280]  }
0x1ba: {  	v2 =	vadd.f32 v3, v2  }
0x1bb: {  	v3 =	vld [tilespmem:$0x2680]  }
0x1bc: {  	v2 =	vadd.f32 v21, v2  }
0x1bd: {  	v23 =	vld [tilespmem:$0x2A80]  }
0x1be: {  	v2 =	vadd.f32 v22, v2  }
0x1bf: {  	v24 =	vld [tilespmem:$0x2E80]  }
0x1c0: {  	v2 =	vadd.f32 v3, v2  }
0x1c1: {  	v3 =	vld [tilespmem:$0x3280]  }
0x1c2: {  	v2 =	vadd.f32 v23, v2  }
0x1c3: {  	v25 =	vld [tilespmem:$0x3680]  }
0x1c4: {  	v2 =	vadd.f32 v24, v2  }
0x1c5: {  	v26 =	vld [tilespmem:$0x3A80]  }
0x1c6: {  	v2 =	vadd.f32 v3, v2  }
0x1c7: {  	v3 =	vld [tilespmem:$0x3E80]  }
0x1c8: {  	v2 =	vadd.f32 v25, v2  }
0x1c9: {  	v27 =	vld [tilespmem:$0x4280]  }
0x1ca: {  	v2 =	vadd.f32 v26, v2  }
0x1cb: {  	v28 =	vld [tilespmem:$0x4680]  }
0x1cc: {  	v2 =	vadd.f32 v3, v2  }
0x1cd: {  	v29 =	vld [tilespmem:$0xF00]  }
0x1ce: {  	v3 =	vld [tilespmem:$0xB00];
	v2 =	vadd.f32 v27, v2;
	_ =	sdelay $0x1  }
0x1cf: {  	v5 =	vadd.f32 v28, v2;
	v2 =	vld [tilespmem:$0x1300];
	_ =	sdelay $0x1  }
0x1d0: {  	vm1 =	vcmask $0x308;
	v7 =	vld [tilespmem:$0x1700];
	v6 =	vnsel vm0, $0x0, v5  }
0x1d1: {  	v3 =	vadd.f32 v29, v3;
	v30 =	vsel vm1, $0x0, v5;
	vm1 =	vcmask $0x70C;
	(xrf2) =	vadd.scan.msk.f32 $0xffff, v6  }
0x1d2: {  	v32 =	vld [tilespmem:$0x1B00];
	v31 =	vsel vm1, $0x0, v5;
	vm1 =	vcmask $0xB10;
	(xrf2) =	vadd.scan.msk.f32 $0xffff, v30  }
0x1d3: {  	v33 =	vsel vm1, $0x0, v5;
	vm1 =	vcmask $0xF14;
	(xrf2) =	vadd.scan.msk.f32 $0xffff, v31;
	v2 =	vadd.f32 v2, v3  }
0x1d4: {  	v34 =	vld [tilespmem:$0x1F00];
	v3 =	vsel vm1, $0x0, v5;
	vm1 =	vcmask $0x1318;
	(xrf2) =	vadd.scan.msk.f32 $0xffff, v33  }
0x1d5: {  	(xrf2) =	vadd.scan.msk.f32 $0xffff, v3;
	v3 =	vsel vm1, $0x0, v5;
	v2 =	vadd.f32 v7, v2;
	vm1 =	vcmask $0x171C  }
0x1d6: {  	v35 =	vld [tilespmem:$0x2300];
	(xrf2) =	vadd.scan.msk.f32 $0xffff, v3;
	v3 =	vsel vm1, $0x0, v5;
	vm1 =	vcmask $0x1B20  }
0x1d7: {  	(xrf2) =	vadd.scan.msk.f32 $0xffff, v3;
	v3 =	vsel vm1, $0x0, v5;
	v2 =	vadd.f32 v32, v2;
	vm1 =	vcmask $0x1F24  }
0x1d8: {  	v36 =	vld [tilespmem:$0x2700];
	(xrf2) =	vadd.scan.msk.f32 $0xffff, v3;
	v3 =	vsel vm1, $0x0, v5;
	vm1 =	vcmask $0x2328  }
0x1d9: {  	(xrf2) =	vadd.scan.msk.f32 $0xffff, v3;
	v3 =	vsel vm1, $0x0, v5;
	v2 =	vadd.f32 v34, v2  }
0x1da: {  	v37 =	vld [tilespmem:$0x2B00]  }
0x1db: {  	vm1 =	vcmask $0x272C;
	(xrf2) =	vadd.scan.msk.f32 $0xffff, v3;
	v2 =	vadd.f32 v35, v2  }
0x1dc: {  	v8 =	vsel vm1, $0x0, v5;
	v3, _, _ =	vpop (xrf2)  }
0x1dd: {  	vm1 =	vcmask $0x2B30;
	(xrf2) =	vadd.scan.msk.f32 $0xffff, v8;
	v38, _, _ =	vpop (xrf2);
	v2 =	vadd.f32 v36, v2  }
0x1de: {  	v9 =	vld [tilespmem:$0x2F00];
	v10 =	vsel vm1, $0x0, v5;
	v39, _, _ =	vpop (xrf2)  }
0x1df: {  	vm1 =	vcmask $0x2F34;
	(xrf2) =	vadd.scan.msk.f32 $0xffff, v10;
	v40, _, _ =	vpop (xrf2);
	v2 =	vadd.f32 v37, v2  }
0x1e0: {  	v12 =	vsel vm1, $0x0, v5;
	v41, _, _ =	vpop (xrf2)  }
0x1e1: {  	vm1 =	vcmask $0x3338;
	(xrf2) =	vadd.scan.msk.f32 $0xffff, v12;
	v42, _, _ =	vpop (xrf2)  }
0x1e2: {  	v14 =	vsel vm1, $0x0, v5;
	v43, _, _ =	vpop (xrf2)  }
0x1e3: {  	vm1 =	vcmask $0x373C;
	(xrf2) =	vadd.scan.msk.f32 $0xffff, v14;
	v9 =	vadd.f32 v9, v2;
	v2, _, _ =	vpop (xrf2)  }
0x1e4: {  	v11 =	vld [tilespmem:$0x3300];
	v3 =	vsub.f32 v3, v38;
	v44 =	vsel vm1, $0x0, v5;
	v16, _, _ =	vpop (xrf2)  }
0x1e5: {  	(xrf2) =	vadd.scan.msk.f32 $0xffff, v44;
	v45, _, _ =	vpop (xrf2)  }
0x1e6: {  	v5 =	vsel vm15, $0x0, v5;
	v3 =	vsub.f32 v3, v39;
	v16 =	vsub.f32 v16, v45  }
0x1e7: {  	v7 =	vsub.f32 v38, v41;
	v47, _, _ =	vpop (xrf2);
	(xrf2) =	vadd.scan.msk.f32 $0xffff, v5  }
0x1e8: {  	v3 =	vsub.f32 v3, v40;
	v16 =	vsub.f32 v16, v47  }
0x1e9: {  	v6 =	vsub.f32 v40, v42;
	v9 =	vadd.f32 v11, v9;
	v17, _, _ =	vpop (xrf2)  }
0x1ea: {  	v13 =	vld [tilespmem:$0x3700];
	v8 =	vsub.f32 v39, v43;
	v49 =	vsub.f32 v16, v17  }
0x1eb: {  	v7 =	vsub.f32 v7, v42;
	v3 =	vadd.f32 v3, v41;
	v50, _, _ =	vpop (xrf2)  }
0x1ec: {  	v6 =	vsub.f32 v6, v43;
	v51 =	vadd.f32 v49, v50  }
0x1ed: {  	v12 =	vsub.f32 v43, v2;
	v4 =	vsub.f32 v42, v2;
	v52, _, _ =	vpop (xrf2)  }
0x1ee: {  	v15 =	vld [tilespmem:$0x3B00];
	v10 =	vsub.f32 v41, v2;
	v11 =	vadd.f32 v51, v52  }
0x1ef: {  	v9 =	vadd.f32 v13, v9;
	v8 =	vsub.f32 v8, v41;
	v53, _, _ =	vpop (xrf2)  }
0x1f0: {  	v7 =	vadd.f32 v7, v2;
	v11 =	vadd.f32 v11, v53  }
0x1f1: {  	v46 =	vld [tilespmem:$0x3F00];
	v3 =	vadd.f32 v3, v42;
	v6 =	vadd.f32 v6, v2;
	v12 =	vbroadcast v12, $0xF;
	v18, _, _ =	vpop (xrf2)  }
0x1f2: {  	v4 =	vbroadcast v4, $0xF;
	v17 =	vsub.f32 v17, v52;
	v11 =	vsub.f32 v11, v18  }
0x1f3: {  	v48 =	vld [tilespmem:$0x4300];
	v10 =	vbroadcast v10, $0xF;
	v9 =	vadd.f32 v15, v9;
	v13 =	vsub.f32 v47, v53  }
0x1f4: {  	v8 =	vadd.f32 v8, v2;
	v17 =	vsub.f32 v17, v53;
	v11 =	vbroadcast v11, $0xF  }
0x1f5: {  	v7 =	vbroadcast v7, $0xF;
	v14 =	vsub.f32 v45, v50;
	v13 =	vsub.f32 v13, v50  }
0x1f6: {  	v9 =	vadd.f32 v46, v9;
	v17 =	vadd.f32 v17, v18;
	v19 =	vmax.f32 v11, $1.000000000e+00  }
0x1f7: {  	v14 =	vsub.f32 v14, v52;
	v13 =	vadd.f32 v13, v18;
	(erf) = vrcp.f32 v19  }
0x1f8: {  	v5 =	vadd.f32 v48, v9;
	v9 =	vsub.f32 v53, v18;
	v17 =	vbroadcast v17, $0xF  }
0x1f9: {  	v14 =	vadd.f32 v14, v18;
	v15 =	vsub.f32 v52, v18;
	v13 =	vbroadcast v13, $0xF  }
0x1fa: {  	v16 =	vsub.f32 v50, v18;
	v9 =	vbroadcast v9, $0xF;
	v54 =	vmax.f32 v17, $1.000000000e+00  }
0x1fb: {  	v14 =	vbroadcast v14, $0xF;
	v55 =	vmax.f32 v13, $1.000000000e+00;
	(erf) = vrcp.f32 v54  }
0x1fc: {  	v15 =	vbroadcast v15, $0xF;
	v56 =	vmax.f32 v9, $1.000000000e+00;
	(erf) = vrcp.f32 v55  }
0x1fd: {  	v16 =	vbroadcast v16, $0xF;
	v57 =	vmax.f32 v14, $1.000000000e+00;
	(erf) = vrcp.f32 v56  }
0x1fe: {  	v3 =	vadd.f32 v3, v43;
	v58 =	vmax.f32 v15, $1.000000000e+00;
	(erf) = vrcp.f32 v57  }
0x1ff: {  	v6 =	vbroadcast v6, $0xF;
	v20 =	vmax.f32 v16, $1.000000000e+00;
	(erf) = vrcp.f32 v58  }
0x200: {  	v8 =	vbroadcast v8, $0xF;
	v3 =	vsub.f32 v3, v2;
	v21 =	vpop (erf);
	(erf) = vrcp.f32 v20  }
0x201: {  	v2 =	vbroadcast v2, $0xF;
	v18 =	vbroadcast v18, $0xF;
	vm1 =	vgt.f32 v11, $0.0e+00  }
0x202: {  	v3 =	vbroadcast v3, $0xF;
	v63 =	vsel vm1, $0x3F800000, v1;
	vm1 =	vgt.f32 v17, $0.0e+00  }
0x203: {  	v27 =	vmax.f32 v18, $1.000000000e+00;
	v24 =	vsel vm1, $0x3F800000, v1;
	vm1 =	vgt.f32 v13, $0.0e+00  }
0x204: {  	v59 =	vld [tilespmem:$0x4700];
	v25 =	vmul.f32 v63, v24;
	v28 =	vsel vm1, $0x3F800000, v1;
	vm1 =	vgt.f32 v9, $0.0e+00;
	v60 =	vpop (erf)  }
0x205: {  	v30 =	vmul.f32 v63, v28;
	v32 =	vsel vm1, $0x3F800000, v1;
	vm1 =	vgt.f32 v14, $0.0e+00;
	v22 =	vpop (erf)  }
0x206: {  	v37 =	vmul.f32 v28, v24;
	v34 =	vsel vm1, $0x3F800000, v1;
	vm1 =	vgt.f32 v15, $0.0e+00;
	v23 =	vpop (erf)  }
0x207: {  	v35 =	vmul.f32 v63, v32;
	v39 =	vsel vm1, $0x3F800000, v1;
	vm1 =	vgt.f32 v16, $0.0e+00;
	v61 =	vpop (erf)  }
0x208: {  	v11 =	vmul.f32 v24, v32;
	v41 =	vsel vm1, $0x3F800000, v1;
	v42 =	vmul.f32 v34, v39;
	v62 =	vpop (erf)  }
0x209: {  	v5 =	vadd.f32 v59, v5;
	v47 =	vmul.f32 v34, v41;
	v29 =	vpop (erf);
	(erf) = vrcp.f32 v27  }
0x20a: {  	vm1 =	vgt.f32 v18, $0.0e+00;
	v3 =	vmul.f32 v21, v3;
	v6 =	vmul.f32 v60, v6  }
0x20b: {  	v49 =	vsel vm1, $0x3F800000, v1;
	v53 =	vmul.f32 v41, v39;
	v8 =	vmul.f32 v22, v8  }
0x20c: {  	v52 =	vmul.f32 v34, v49;
	v57 =	vmul.f32 v39, v49;
	v26 =	vsub.f32 v3, v6  }
0x20d: {  	(xrf2) =	vadd.scan.msk.f32 $0xffff, v5;
	v5 =	vmul.f32 v41, v49;
	v12 =	vmul.f32 v23, v12;
	v31 =	vsub.f32 v3, v8  }
0x20e: {  	v7 =	vmul.f32 v61, v7;
	v38 =	vsub.f32 v6, v8;
	v13 =	vmul.f32 v26, v25  }
0x20f: {  	v4 =	vmul.f32 v62, v4;
	v3 =	vsub.f32 v3, v12;
	v33 =	vmul.f32 v31, v30  }
0x210: {  	v6 =	vsub.f32 v6, v12;
	v40 =	vmul.f32 v38, v37;
	v13 =	vmul.f32 v13, v26  }
0x211: {  	v36 =	vmul.f32 v3, v35;
	v43 =	vsub.f32 v7, v4;
	v9 =	vmul.f32 v29, v10  }
0x212: {  	v11 =	vmul.f32 v6, v11;
	v14 =	vmul.f32 v33, v31;
	v13 =	vadd.f32 $0.0e+00, v13;
	v45 =	vpop (erf)  }
0x213: {  	v46 =	vmul.f32 v43, v42;
	v48 =	vsub.f32 v7, v9;
	v2 =	vmul.f32 v45, v2  }
0x214: {  	v44 =	vmul.f32 v40, v38;
	v3 =	vmul.f32 v36, v3;
	v13 =	vadd.f32 v13, v14  }
0x215: {  	v50 =	vmul.f32 v46, v43;
	v51 =	vmul.f32 v48, v47;
	v7 =	vsub.f32 v7, v2  }
0x216: {  	v10 =	vmul.f32 v28, v32;
	v54 =	vsub.f32 v4, v9;
	v3 =	vadd.f32 v13, v3  }
0x217: {  	v13 =	vadd.f32 $0.0e+00, v50;
	v14 =	vmul.f32 v51, v48;
	v16 =	vmul.f32 v7, v52  }
0x218: {  	v8 =	vsub.f32 v8, v12;
	v6 =	vmul.f32 v11, v6;
	v56 =	vmul.f32 v54, v53  }
0x219: {  	v55 =	vadd.f32 v13, v14;
	v4 =	vsub.f32 v4, v2;
	v7 =	vmul.f32 v16, v7  }
0x21a: {  	v10 =	vmul.f32 v8, v10;
	v3 =	vadd.f32 v3, v44;
	v58 =	vmul.f32 v56, v54  }
0x21b: {  	v59, _, _ =	vpop (xrf2);
	v2 =	vsub.f32 v9, v2;
	v11 =	vmul.f32 v4, v57;
	v7 =	vadd.f32 v55, v7  }
0x21c: {  	v60 =	vbroadcast v59, $0xF;
	v61 =	vmul.f32 v10, v8;
	v3 =	vadd.f32 v3, v6  }
0x21d: {  	v5 =	vmul.f32 v2, v5;
	v4 =	vmul.f32 v11, v4;
	v7 =	vadd.f32 v7, v58  }
0x21e: {  	vm1 =	vlt.f32 v60, $4.096000000e+03  }
0x21f: {  	v3 =	vadd.f32 v3, v61;
	v2 =	vmul.f32 v5, v2;
	v4 =	vadd.f32 v7, v4  }
0x220: {  	v62 =	vsel vm1, $0x3F800000, v1  }
0x221: {  	vm1 =	vgt.f32 v60, $0.0e+00;
	v3 =	vmul.f32 v3, v62;
	v2 =	vadd.f32 v4, v2  }
0x222: {  	v63 =	vsel vm1, $0x3F800000, v1  }
0x223: {  	v3 =	vadd.f32 $0.0e+00, v3;
	v2 =	vmul.f32 v2, v63;
	_ =	sdelay $0x1  }
0x224: {  	v2 =	vadd.f32 v3, v2;
	_ =	sdelay $0x1  }
.Ltmp5:
0x225: {  	[tilespmem:$0x4A80] =	vst v2;
	(pc) =	sbr.rel .LBB2_5-.Ltmp5, $4  }
0x226: {  	[hbm4b:s2+s3] =	stream.linear.scatter [tilespmem:s25], [sflag:$0x2], $0x1, $0x38;
	[tilespmem:$0x4B00] =	vst v63  }
0x227: {  	_ =	swait.ge [sflag:s23], $0x1  }
0x228: {  	[sflag:s23] =	ssyncset.done $0x0  }
0x229: {  	[sflag:s23] =	ssyncadd.s32 $0xFFFFFFFF  }
.LBB2_6:
0x22a: {  	_ =	sfence.sel $0x180000  }
0x22b: {  	[bflag:$0x0] =	sbarrier.arrive $0xFFFF  }
0x22c: {  	p0 =	sne.s32 s4, $0x0;
	_ =	strace $0x90000047  }
0x22d: {  	s0 =	sadd.s32 @!p0 $0x100000, s0;
	[bflag:$0x2] =	sbarrier.arrive $0xFFFF  }
0x22e: {  	[sflag:s0] =	ssyncadd.tile.s32 @!p0 $0x1;
	_ =	shalt  }
.Lfunc_end2:
_tile_overlayer_lowered:
.L_overlay_start_2:
0x22f: {  	(tag) =	ssettag $0x2  }
0x230: {  	s0 =	rddreg [dreg:$0x0];
	s2 =	stileid.u32  }
0x231: {  	s1 =	rddreg [dreg:$0x1];
	p0 =	sne.s32 s2, $0x0  }
0x232: {  	s3 =	rddreg [dreg:$0x2];
	[bflag:$0x3] =	sbarrier.arrive $0xFFFF;
	s2 =	simm.s32 @!p0 $0x1C02  }
0x233: {  	[timem:s3], [sflag:s2] =	dma.local @!p0 [hbm:s0], s1  }
0x234: {  	s0 =	simm.s32 @!p0 $0x2  }
0x235: {  	_ =	swait.ge @!p0 [sflag:s0], s1  }
0x236: {  	s1 =	ssub.s32 @!p0 $0x0, s1;
	[sflag:s0] =	ssyncset.done @!p0 $0x0  }
0x237: {  	[sflag:s0] =	ssyncadd.s32 @!p0 s1  }
0x238: {  	[bflag:$0x3] =	sbarrier.arrive $0xFFFF  }
0x239: {  	_ =	shalt  }

</sc_bundles>
